<compile_context>
chip_gen: v7x
topology: tpu7x:2x2x1
jax: 0.10.2.dev20260603
libtpu: 0.0.44.dev20260713+nightly
codegen_flags: <defaults>
</compile_context>

<pallas_src>
import functools

import jax
import jax.numpy as jnp
from jax import lax
from jax.experimental import pallas as pl
from jax.experimental.pallas import tpu as pltpu
from jax.experimental.pallas import tpu_sc as plsc

N = 10000
E = 160000
DIM = 16
B = 128

NW = 32
EPW = 20480
EP = NW * EPW
NCHUNK = EPW // 128
NP = 10240
NB = 4 * NP

def _mesh():
    return plsc.VectorSubcoreMesh(core_axis_name="c", subcore_axis_name="s")


_sc_params = pltpu.CompilerParams(use_tc_tiling_on_sc=False)
_sc_params_nl = pltpu.CompilerParams(
    use_tc_tiling_on_sc=False, needs_layout_passes=False
)


def _sc_gather(table, idx3):
    nch = idx3.shape[1]
    epw = nch * 128

    @functools.partial(
        pl.kernel,
        mesh=_mesh(),
        out_type=jax.ShapeDtypeStruct((NW * epw, 16), jnp.float32),
        compiler_params=_sc_params,
        scratch_types=[
            pltpu.VMEM((nch, 128), jnp.int32),
            pltpu.VMEM((1024, 16), jnp.float32),
            pltpu.SemaphoreType.DMA,
        ],
    )
    def gk(table_hbm, idx_hbm, out_hbm, idx_v, rows_v, sem):
        wid = lax.axis_index("s") * 2 + lax.axis_index("c")
        pltpu.sync_copy(idx_hbm.at[wid], idx_v)

        @pl.loop(0, nch // 8)
        def _(ob):
            copies = []
            for j in range(8):
                copies.append(
                    pltpu.async_copy(
                        table_hbm.at[idx_v.at[ob * 8 + j]],
                        rows_v.at[pl.ds(j * 128, 128)],
                        sem,
                    )
                )
            for cp in copies:
                cp.wait()
            pltpu.sync_copy(
                rows_v, out_hbm.at[pl.ds(wid * epw + ob * 1024, 1024)]
            )

    return gk(table, idx3)


def _sc_scatter(ms, dst):
    CH = 2560
    epw = ms.shape[0] // NW

    @functools.partial(
        pl.kernel,
        mesh=_mesh(),
        out_type=jax.ShapeDtypeStruct((NW, 2, NB), jnp.float32),
        compiler_params=_sc_params_nl,
        scratch_types=[
            pltpu.VMEM((CH,), jnp.int32),
            pltpu.VMEM((CH,), jnp.float32),
            pltpu.VMEM((NB,), jnp.float32),
            pltpu.VMEM((NB,), jnp.float32),
        ],
    )
    def sk(ms_hbm, dst_hbm, out_hbm, idx_v, vals_v, s_acc, c_acc):
        c = lax.axis_index("c")
        s = lax.axis_index("s")
        wid = s * 2 + c
        zero16 = jnp.zeros((16,), jnp.float32)
        ones16 = jnp.ones((16,), jnp.float32)

        @pl.loop(0, NB, step=16)
        def _(i):
            s_acc[pl.ds(i, 16)] = zero16
            c_acc[pl.ds(i, 16)] = zero16

        @pl.loop(0, epw // CH)
        def _(ob):
            base = wid * epw + ob * CH
            pltpu.sync_copy(dst_hbm.at[pl.ds(base, CH)], idx_v)
            pltpu.sync_copy(ms_hbm.at[pl.ds(base, CH)], vals_v)

            @pl.loop(0, CH, step=16)
            def _(e):
                iv = idx_v[pl.ds(e, 16)]
                plsc.addupdate_scatter(s_acc, [iv], vals_v[pl.ds(e, 16)])
                plsc.addupdate_scatter(c_acc, [iv], ones16)

        pltpu.sync_copy(s_acc, out_hbm.at[wid, 0])
        pltpu.sync_copy(c_acc, out_hbm.at[wid, 1])

    return sk(ms, dst)


def _split3_dot(a, b):
    bf = jnp.bfloat16
    f32 = jnp.float32
    ah = a.astype(bf)
    al = (a - ah.astype(f32)).astype(bf)
    bh = b.astype(bf)
    bl = (b - bh.astype(f32)).astype(bf)
    d = functools.partial(jnp.dot, preferred_element_type=f32)
    return d(ah, bh) + (d(al, bh) + d(ah, bl))


def _tc_mlp(ea, xs, w1T, b1c, w2T, b2c):
    BE = 10240
    G = ea.shape[1] // BE
    HI = lax.Precision.HIGHEST

    def body(eaT_ref, xs_ref, w1T_ref, b1_ref, w2T_ref, b2_ref, out_ref):
        selT = (
            lax.broadcasted_iota(jnp.int32, (16, 256), 1) // 16
            == lax.broadcasted_iota(jnp.int32, (16, 256), 0)
        ).astype(jnp.float32)
        w2rT = jnp.dot(selT, w2T_ref[...], preferred_element_type=jnp.float32,
                       precision=HI)
        b2rT = jnp.dot(selT, b2_ref[...], preferred_element_type=jnp.float32,
                       precision=HI)
        gT = jnp.maximum(
            _split3_dot(w1T_ref[...], eaT_ref[...]) + b1_ref[...], 0.0
        )
        qT = _split3_dot(w2rT, gT) + b2rT
        xsT = jnp.swapaxes(xs_ref[...], 0, 1)
        out_ref[0] = jnp.sum(qT * xsT, axis=0, keepdims=True)

    return pl.pallas_call(
        body,
        grid=(G,),
        in_specs=[
            pl.BlockSpec((8, BE), lambda i: (0, i)),
            pl.BlockSpec((BE, 16), lambda i: (i, 0)),
            pl.BlockSpec((128, 8), lambda i: (0, 0)),
            pl.BlockSpec((128, 1), lambda i: (0, 0)),
            pl.BlockSpec((256, 128), lambda i: (0, 0)),
            pl.BlockSpec((256, 1), lambda i: (0, 0)),
        ],
        out_specs=pl.BlockSpec((1, 1, BE), lambda i: (i, 0, 0)),
        out_shape=jax.ShapeDtypeStruct((G, 1, BE), jnp.float32),
    )(ea, xs, w1T, b1c, w2T, b2c)


def _tc_final(xiT, xjT, sc4, bci, bcj, riiT, rjiT, rjjT, rijT, bii, bji, bjj,
              bij, wliT, bliT, wljT, bljT, wlin, blin):

    def body(xiT_ref, xjT_ref, sc_ref, bci_ref, bcj_ref, rii_ref, rji_ref,
             rjj_ref, rij_ref, bii_ref, bji_ref, bjj_ref, bij_ref, wli_ref,
             bli_ref, wlj_ref, blj_ref, wlin_ref, blin_ref, o_log, o_yi,
             o_yj):
        red = jnp.sum(sc_ref[...], axis=0, keepdims=True)
        s_row = red[:, 0:NB]
        c_row = jnp.maximum(red[:, NB : 2 * NB], 1.0)
        mean_row = s_row / c_row

        def mean(b0):
            return mean_row[:, b0 : b0 + NP]

        rv_i = jnp.sum(rii_ref[...] + rji_ref[...], axis=0, keepdims=True)
        rv_j = jnp.sum(rjj_ref[...] + rij_ref[...], axis=0, keepdims=True)
        cb_i = jnp.sum(bii_ref[...]) + jnp.sum(bji_ref[...])
        cb_j = jnp.sum(bjj_ref[...]) + jnp.sum(bij_ref[...])
        xv_i = jnp.dot(rv_i, xiT_ref[...], preferred_element_type=jnp.float32, precision=lax.Precision.HIGHEST)
        xv_j = jnp.dot(rv_j, xjT_ref[...], preferred_element_type=jnp.float32, precision=lax.Precision.HIGHEST)
        xi = jnp.tanh(xv_i + mean(0) + mean(3 * NP) + cb_i)
        xj = jnp.tanh(xv_j + mean(NP) + mean(2 * NP) + cb_j)
        oh_i = (
            lax.broadcasted_iota(jnp.int32, (NP, B), 1) == bci_ref[...]
        ).astype(jnp.float32)
        oh_j = (
            lax.broadcasted_iota(jnp.int32, (NP, B), 1) == bcj_ref[...]
        ).astype(jnp.float32)
        p_i = jnp.tanh(jnp.dot(xi, oh_i, preferred_element_type=jnp.float32, precision=lax.Precision.HIGHEST))
        p_j = jnp.tanh(jnp.dot(xj, oh_j, preferred_element_type=jnp.float32, precision=lax.Precision.HIGHEST))
        o_yi[...] = (
            jnp.dot(wli_ref[...], p_i, preferred_element_type=jnp.float32, precision=lax.Precision.HIGHEST)
            + bli_ref[...]
        )
        o_yj[...] = (
            jnp.dot(wlj_ref[...], p_j, preferred_element_type=jnp.float32, precision=lax.Precision.HIGHEST)
            + blj_ref[...]
        )
        o_log[...] = jax.nn.sigmoid(
            (p_i + p_j) * wlin_ref[...] + blin_ref[...]
        )

    return pl.pallas_call(
        body,
        out_shape=(
            jax.ShapeDtypeStruct((1, B), jnp.float32),
            jax.ShapeDtypeStruct((8, B), jnp.float32),
            jax.ShapeDtypeStruct((8, B), jnp.float32),
        ),
    )(xiT, xjT, sc4, bci, bcj, riiT, rjiT, rjjT, rijT, bii, bji, bjj, bij,
      wliT, bliT, wljT, bljT, wlin, blin)


def kernel(x_i, x_j, edge_index_ii, edge_index_jj, edge_index_ij,
           edge_index_ji, edge_attr_ii, edge_attr_jj, edge_attr_ij,
           edge_attr_ji, batch_i, batch_j, W1, b1, W2, b2, root_ii, bias_ii,
           root_jj, bias_jj, root_ij, bias_ij, root_ji, bias_ji, Wli, bli,
           Wlj, blj, Wlin, blin):
    f32, i32 = jnp.float32, jnp.int32
    pad_e = EP - 4 * E

    ea = jnp.concatenate(
        [edge_attr_ii, edge_attr_jj, edge_attr_ij, edge_attr_ji], axis=0
    )
    ea = jnp.pad(ea, ((0, pad_e), (0, 3)))
    src = jnp.concatenate(
        [
            edge_index_ii[0],
            edge_index_jj[0] + N,
            edge_index_ij[0],
            edge_index_ji[0] + N,
        ]
    ).astype(i32)
    src = jnp.pad(src, (0, pad_e))
    dst = jnp.concatenate(
        [
            edge_index_ii[1],
            edge_index_jj[1] + NP,
            edge_index_ij[1] + 2 * NP,
            edge_index_ji[1] + 3 * NP,
        ]
    ).astype(i32)
    dst = jnp.pad(dst, (0, pad_e), constant_values=N)
    table = jnp.concatenate([x_i, x_j], axis=0)

    eaT = ea.T
    w1T = jnp.pad(W1, ((0, 3), (0, 0))).T
    b1c = b1.reshape(128, 1)
    w2T = W2.T
    b2c = b2.reshape(256, 1)

    S = 2
    EP2 = EP // S
    parts = []
    for h in range(S):
        sl = slice(h * EP2, (h + 1) * EP2)
        src3 = src[sl].reshape(NW, EP2 // NW // 128, 128)
        xs = _sc_gather(table, src3)
        msh = _tc_mlp(eaT[:, sl], xs, w1T, b1c, w2T, b2c)
        parts.append(_sc_scatter(msh.reshape(EP2), dst[sl]))
    sc4 = jnp.concatenate(parts).reshape(S * NW, 2 * NB)

    pad_n = NP - N
    xiT = jnp.pad(x_i, ((0, pad_n), (0, 0))).T
    xjT = jnp.pad(x_j, ((0, pad_n), (0, 0))).T
    bci = jnp.pad(batch_i.astype(i32), (0, pad_n), constant_values=-1)
    bcj = jnp.pad(batch_j.astype(i32), (0, pad_n), constant_values=-1)

    log_row, yiT, yjT = _tc_final(
        xiT,
        xjT,
        sc4,
        bci.reshape(NP, 1),
        bcj.reshape(NP, 1),
        root_ii.T,
        root_ji.T,
        root_jj.T,
        root_ij.T,
        bias_ii.reshape(1, DIM),
        bias_ji.reshape(1, DIM),
        bias_jj.reshape(1, DIM),
        bias_ij.reshape(1, DIM),
        Wli.reshape(8, 1),
        bli.reshape(8, 1),
        Wlj.reshape(8, 1),
        blj.reshape(8, 1),
        Wlin,
        blin.reshape(1, 1),
    )
    return (log_row.reshape(B, 1), yiT.T, yjT.T)

# --- scband reference (transcript-rebuilt; emitter-appended) ---
"""Pipeline reference for scband-net-83562883711212 (READ-ONLY COPY).

The authoritative reference and input builder live on the scoring server;
editing this copy changes nothing except your own understanding.
"""

import jax, jax.numpy as jnp
import numpy as np

N = 10000
E = 160000
DIM = 16
B = 128
INNER_OUT = 8
OUTER_OUT = 1


def setup_inputs(seed: int = 0):
    key = jax.random.key(seed)
    ks = jax.random.split(key, 32)
    inp = {}
    inp['x_i'] = jax.random.normal(ks[0], (N, DIM), dtype=jnp.float32)
    inp['x_j'] = jax.random.normal(ks[1], (N, DIM), dtype=jnp.float32)
    inp['edge_index_ii'] = jax.random.randint(ks[2], (2, E), 0, N)
    inp['edge_index_jj'] = jax.random.randint(ks[3], (2, E), 0, N)
    inp['edge_index_ij'] = jax.random.randint(ks[4], (2, E), 0, N)
    inp['edge_index_ji'] = jax.random.randint(ks[5], (2, E), 0, N)
    inp['edge_attr_ii'] = jax.random.normal(ks[6], (E, 5), dtype=jnp.float32)
    inp['edge_attr_jj'] = jax.random.normal(ks[7], (E, 5), dtype=jnp.float32)
    inp['edge_attr_ij'] = jax.random.normal(ks[8], (E, 5), dtype=jnp.float32)
    inp['edge_attr_ji'] = jax.random.normal(ks[9], (E, 5), dtype=jnp.float32)
    inp['batch_i'] = jnp.sort(jax.random.randint(ks[10], (N,), 0, B))
    inp['batch_j'] = jnp.sort(jax.random.randint(ks[11], (N,), 0, B))
    s = 0.1
    inp['W1'] = jax.random.normal(ks[12], (5, 128), dtype=jnp.float32) * s
    inp['b1'] = jnp.zeros((128,), jnp.float32)
    inp['W2'] = jax.random.normal(ks[13], (128, DIM * DIM), dtype=jnp.float32) * s
    inp['b2'] = jnp.zeros((DIM * DIM,), jnp.float32)
    inp['root_ii'] = jax.random.normal(ks[14], (DIM, DIM), dtype=jnp.float32) * s
    inp['bias_ii'] = jnp.zeros((DIM,), jnp.float32)
    inp['root_jj'] = jax.random.normal(ks[15], (DIM, DIM), dtype=jnp.float32) * s
    inp['bias_jj'] = jnp.zeros((DIM,), jnp.float32)
    inp['root_ij'] = jax.random.normal(ks[16], (DIM, DIM), dtype=jnp.float32) * s
    inp['bias_ij'] = jnp.zeros((DIM,), jnp.float32)
    inp['root_ji'] = jax.random.normal(ks[17], (DIM, DIM), dtype=jnp.float32) * s
    inp['bias_ji'] = jnp.zeros((DIM,), jnp.float32)
    inp['Wli'] = jax.random.normal(ks[18], (1, INNER_OUT), dtype=jnp.float32) * s
    inp['bli'] = jnp.zeros((INNER_OUT,), jnp.float32)
    inp['Wlj'] = jax.random.normal(ks[19], (1, INNER_OUT), dtype=jnp.float32) * s
    inp['blj'] = jnp.zeros((INNER_OUT,), jnp.float32)
    inp['Wlin'] = jax.random.normal(ks[20], (1, OUTER_OUT), dtype=jnp.float32) * s
    inp['blin'] = jnp.zeros((OUTER_OUT,), jnp.float32)
    return inp


def _nnconv(x_src, x_dst, ei, ea, W1, b1, W2, b2, root, bias, n_dst):
    # edge-conditioned weight: MLP(edge_attr) -> [E, DIM, DIM]
    h = jnp.maximum(ea @ W1 + b1, 0.0) @ W2 + b2
    We = h.reshape(-1, DIM, DIM)
    src = ei[0]
    dst = ei[1]
    m = jnp.einsum('ei,eio->eo', x_src[src], We)
    s = jax.ops.segment_sum(m, dst, num_segments=n_dst)
    cnt = jax.ops.segment_sum(jnp.ones((ei.shape[1],), jnp.float32), dst, num_segments=n_dst)
    mean = s / jnp.clip(cnt, 1.0)[:, None]
    return x_dst @ root + mean + bias


def reference(x_i, x_j, edge_index_ii, edge_index_jj, edge_index_ij, edge_index_ji, edge_attr_ii, edge_attr_jj, edge_attr_ij, edge_attr_ji, batch_i, batch_j, W1, b1, W2, b2, root_ii, bias_ii, root_jj, bias_jj, root_ij, bias_ij, root_ji, bias_ji, Wli, bli, Wlj, blj, Wlin, blin):
    # HeteroConv with aggr='sum' over relations sharing a dst node type;
    # edge MLP parameters are shared across relations (same Sequential in torch).
    out_i = _nnconv(x_i, x_i, edge_index_ii, edge_attr_ii, W1, b1, W2, b2, root_ii, bias_ii, N) \
          + _nnconv(x_j, x_i, edge_index_ji, edge_attr_ji, W1, b1, W2, b2, root_ji, bias_ji, N)
    out_j = _nnconv(x_j, x_j, edge_index_jj, edge_attr_jj, W1, b1, W2, b2, root_jj, bias_jj, N) \
          + _nnconv(x_i, x_j, edge_index_ij, edge_attr_ij, W1, b1, W2, b2, root_ij, bias_ij, N)
    xi = jnp.tanh(jnp.sum(out_i.reshape(-1, DIM), axis=1))
    xj = jnp.tanh(jnp.sum(out_j.reshape(-1, DIM), axis=1))
    p_i = jnp.tanh(jax.ops.segment_sum(xi, batch_i, num_segments=B))[:, None]
    p_j = jnp.tanh(jax.ops.segment_sum(xj, batch_j, num_segments=B))[:, None]
    y_i = p_i @ Wli + bli
    y_j = p_j @ Wlj + blj
    x = jnp.sum(jnp.concatenate([p_i, p_j], axis=1), axis=1)
    logits = jax.nn.sigmoid(x[:, None] @ Wlin + blin)
    return (logits, y_i, y_j)

if __name__ == "__main__":
    import jax
    _d = setup_inputs()
    print(jax.jit(kernel)(*tuple(_d.values())))

</pallas_src>

<mosaic_0001>
#map = affine_map<(d0, d1) -> (0)>
#map1 = affine_map<(d0, d1) -> (0, 0, 0)>
module attributes {stable_mosaic.version = 14 : i64} {
  func.func @sk(%arg0: i32, %arg1: i32, %arg2: memref<327680xf32, #tpu.memory_space<hbm>>, %arg3: memref<327680xi32, #tpu.memory_space<hbm>>, %arg4: memref<32x2x40960xf32, #tpu.memory_space<hbm>>, %arg5: memref<2560xi32, #tpu.memory_space<vmem>>, %arg6: memref<2560xf32, #tpu.memory_space<vmem>>, %arg7: memref<40960xf32, #tpu.memory_space<vmem>>, %arg8: memref<40960xf32, #tpu.memory_space<vmem>>) attributes {dimension_semantics = [#tpu.dimension_semantics<core_parallel>, #tpu.dimension_semantics<subcore_parallel>], iteration_bounds = array<i64: 2, 16>, scalar_prefetch = 0 : i64, scratch_operands = 4 : i64, tpu.core_type = #tpu.core_type<sc_vector_subcore>, window_params = [{transform_indices = #map}, {transform_indices = #map}, {transform_indices = #map1}]} {
    %mul3A = arith.constant 2 : i32
    %mul3A_0 = arith.muli %arg1, %mul3A : i32
    %add3A = arith.addi %mul3A_0, %arg0 : i32
    %broadcast_in_dim3A = arith.constant 0.000000e+00 : f32
    %broadcast_in_dim3A_1 = vector.broadcast %broadcast_in_dim3A : f32 to vector<16xf32>
    %broadcast_in_dim3A_2 = arith.constant 1.000000e+00 : f32
    %broadcast_in_dim3A_3 = vector.broadcast %broadcast_in_dim3A_2 : f32 to vector<16xf32>
    %scan3A = arith.constant 0 : i32
    %scan3A_4 = arith.constant 2560 : i32
    %scan3A_5 = arith.addi %scan3A, %scan3A_4 : i32
    %scan3A_6 = arith.constant 1 : i32
    scf.for %scan3A_14 = %scan3A to %scan3A_5 step %scan3A_6  : i32 {
      %mul3A_15 = arith.constant 16 : i32
      %mul3A_16 = arith.muli %scan3A_14, %mul3A_15 : i32
      %add3A_17 = arith.constant 0 : i32
      %add3A_18 = arith.addi %add3A_17, %mul3A_16 : i32
      %swap3A = arith.index_cast %add3A_18 : i32 to index
      %swap3A_19 = tpu.vector_load %arg7[%swap3A] {strides = array<i32>} : memref<40960xf32, #tpu.memory_space<vmem>>, vector<16xf32>,
      tpu.vector_store %arg7[%swap3A], %broadcast_in_dim3A_1 {strides = array<i32>} : memref<40960xf32, #tpu.memory_space<vmem>>, vector<16xf32>,
      %swap3A_20 = arith.index_cast %add3A_18 : i32 to index
      %swap3A_21 = tpu.vector_load %arg8[%swap3A_20] {strides = array<i32>} : memref<40960xf32, #tpu.memory_space<vmem>>, vector<16xf32>,
      tpu.vector_store %arg8[%swap3A_20], %broadcast_in_dim3A_1 {strides = array<i32>} : memref<40960xf32, #tpu.memory_space<vmem>>, vector<16xf32>,
    }
    %scan3A_7 = arith.constant 2560 : i32
    %scan3A_8 = arith.constant 0 : i32
    %scan3A_9 = arith.constant 4 : i32
    %scan3A_10 = arith.addi %scan3A_8, %scan3A_9 : i32
    %scan3A_11 = arith.constant 1 : i32
    scf.for %scan3A_14 = %scan3A_8 to %scan3A_10 step %scan3A_11  : i32 {
      %mul3A_15 = arith.constant 1 : i32
      %mul3A_16 = arith.muli %scan3A_14, %mul3A_15 : i32
      %add3A_17 = arith.constant 0 : i32
      %add3A_18 = arith.addi %add3A_17, %mul3A_16 : i32
      %mul3A_19 = arith.constant 10240 : i32
      %mul3A_20 = arith.muli %add3A, %mul3A_19 : i32
      %mul3A_21 = arith.constant 2560 : i32
      %mul3A_22 = arith.muli %add3A_18, %mul3A_21 : i32
      %add3A_23 = arith.addi %mul3A_20, %mul3A_22 : i32
      "tpu.region"() ({
        %run_scoped3A_29 = tpu.sem_alloc : memref<!tpu.dma_semaphore, #tpu.memory_space<semaphore_mem>>
        %dma_start3A = tpu.memref_slice %arg3[%add3A_23] : memref<327680xi32, #tpu.memory_space<hbm>> -> memref<2560xi32, #tpu.memory_space<hbm>>
        %dma_start3A_30 = tpu.memref_slice %arg3[%add3A_23] : memref<327680xi32, #tpu.memory_space<hbm>> -> memref<2560xi32, #tpu.memory_space<hbm>>
        tpu.enqueue_dma source(%dma_start3A_30 : memref<2560xi32, #tpu.memory_space<hbm>>) target(%arg5 : memref<2560xi32, #tpu.memory_space<vmem>>) target_semaphore(%run_scoped3A_29 : memref<!tpu.dma_semaphore, #tpu.memory_space<semaphore_mem>>)
        %dma_wait3A = tpu.memref_slice %arg3[%add3A_23] : memref<327680xi32, #tpu.memory_space<hbm>> -> memref<2560xi32, #tpu.memory_space<hbm>>
        %dma_wait3A_31 = tpu.memref_slice %arg3[%add3A_23] : memref<327680xi32, #tpu.memory_space<hbm>> -> memref<2560xi32, #tpu.memory_space<hbm>>
        tpu.wait_dma2 semaphore(%run_scoped3A_29 : memref<!tpu.dma_semaphore, #tpu.memory_space<semaphore_mem>>) src(%dma_wait3A_31 : memref<2560xi32, #tpu.memory_space<hbm>>) dst(%arg5 : memref<2560xi32, #tpu.memory_space<vmem>>)
        tpu.yield
      }) : () -> ()
      "tpu.region"() ({
        %run_scoped3A_29 = tpu.sem_alloc : memref<!tpu.dma_semaphore, #tpu.memory_space<semaphore_mem>>
        %dma_start3A = tpu.memref_slice %arg2[%add3A_23] : memref<327680xf32, #tpu.memory_space<hbm>> -> memref<2560xf32, #tpu.memory_space<hbm>>
        %dma_start3A_30 = tpu.memref_slice %arg2[%add3A_23] : memref<327680xf32, #tpu.memory_space<hbm>> -> memref<2560xf32, #tpu.memory_space<hbm>>
        tpu.enqueue_dma source(%dma_start3A_30 : memref<2560xf32, #tpu.memory_space<hbm>>) target(%arg6 : memref<2560xf32, #tpu.memory_space<vmem>>) target_semaphore(%run_scoped3A_29 : memref<!tpu.dma_semaphore, #tpu.memory_space<semaphore_mem>>)
        %dma_wait3A = tpu.memref_slice %arg2[%add3A_23] : memref<327680xf32, #tpu.memory_space<hbm>> -> memref<2560xf32, #tpu.memory_space<hbm>>
        %dma_wait3A_31 = tpu.memref_slice %arg2[%add3A_23] : memref<327680xf32, #tpu.memory_space<hbm>> -> memref<2560xf32, #tpu.memory_space<hbm>>
        tpu.wait_dma2 semaphore(%run_scoped3A_29 : memref<!tpu.dma_semaphore, #tpu.memory_space<semaphore_mem>>) src(%dma_wait3A_31 : memref<2560xf32, #tpu.memory_space<hbm>>) dst(%arg6 : memref<2560xf32, #tpu.memory_space<vmem>>)
        tpu.yield
      }) : () -> ()
      %scan3A_24 = arith.constant 0 : i32
      %scan3A_25 = arith.constant 160 : i32
      %scan3A_26 = arith.addi %scan3A_24, %scan3A_25 : i32
      %scan3A_27 = arith.constant 1 : i32
      scf.for %scan3A_29 = %scan3A_24 to %scan3A_26 step %scan3A_27  : i32 {
        %mul3A_30 = arith.constant 16 : i32
        %mul3A_31 = arith.muli %scan3A_29, %mul3A_30 : i32
        %add3A_32 = arith.constant 0 : i32
        %add3A_33 = arith.addi %add3A_32, %mul3A_31 : i32
        %get3A = arith.index_cast %add3A_33 : i32 to index
        %get3A_34 = tpu.vector_load %arg5[%get3A] {strides = array<i32>} : memref<2560xi32, #tpu.memory_space<vmem>>, vector<16xi32>,
        %get3A_35 = arith.index_cast %add3A_33 : i32 to index
        %get3A_36 = tpu.vector_load %arg6[%get3A_35] {strides = array<i32>} : memref<2560xf32, #tpu.memory_space<vmem>>, vector<16xf32>,
        tpu.vector_store_idx %arg7[%get3A_34], %get3A_36 {add = true} : memref<40960xf32, #tpu.memory_space<vmem>>[vector<16xi32>], vector<16xf32>,
        tpu.vector_store_idx %arg8[%get3A_34], %broadcast_in_dim3A_3 {add = true} : memref<40960xf32, #tpu.memory_space<vmem>>[vector<16xi32>], vector<16xf32>,
      }
      %scan3A_28 = arith.constant 160 : i32
    }
    %scan3A_12 = arith.constant 4 : i32
    %run_scoped3A = arith.constant 0 : i32
    "tpu.region"() ({
      %run_scoped3A_14 = tpu.sem_alloc : memref<!tpu.dma_semaphore, #tpu.memory_space<semaphore_mem>>
      %dma_start3A = arith.constant 0 : i32
      %dma_start3A_15 = tpu.memref_slice %arg4[%add3A, %run_scoped3A, %dma_start3A] : memref<32x2x40960xf32, #tpu.memory_space<hbm>> -> memref<1x1x40960xf32, #tpu.memory_space<hbm>>
      %dma_start3A_16 = tpu.memref_squeeze %dma_start3A_15 : memref<1x1x40960xf32, #tpu.memory_space<hbm>> -> memref<40960xf32, #tpu.memory_space<hbm>>
      %dma_start3A_17 = arith.constant 0 : i32
      %dma_start3A_18 = tpu.memref_slice %arg4[%add3A, %run_scoped3A, %dma_start3A_17] : memref<32x2x40960xf32, #tpu.memory_space<hbm>> -> memref<1x1x40960xf32, #tpu.memory_space<hbm>>
      %dma_start3A_19 = tpu.memref_squeeze %dma_start3A_18 : memref<1x1x40960xf32, #tpu.memory_space<hbm>> -> memref<40960xf32, #tpu.memory_space<hbm>>
      tpu.enqueue_dma source(%arg7 : memref<40960xf32, #tpu.memory_space<vmem>>) target(%dma_start3A_19 : memref<40960xf32, #tpu.memory_space<hbm>>) target_semaphore(%run_scoped3A_14 : memref<!tpu.dma_semaphore, #tpu.memory_space<semaphore_mem>>)
      %dma_wait3A = arith.constant 0 : i32
      %dma_wait3A_20 = tpu.memref_slice %arg4[%add3A, %run_scoped3A, %dma_wait3A] : memref<32x2x40960xf32, #tpu.memory_space<hbm>> -> memref<1x1x40960xf32, #tpu.memory_space<hbm>>
      %dma_wait3A_21 = tpu.memref_squeeze %dma_wait3A_20 : memref<1x1x40960xf32, #tpu.memory_space<hbm>> -> memref<40960xf32, #tpu.memory_space<hbm>>
      %dma_wait3A_22 = arith.constant 0 : i32
      %dma_wait3A_23 = tpu.memref_slice %arg4[%add3A, %run_scoped3A, %dma_wait3A_22] : memref<32x2x40960xf32, #tpu.memory_space<hbm>> -> memref<1x1x40960xf32, #tpu.memory_space<hbm>>
      %dma_wait3A_24 = tpu.memref_squeeze %dma_wait3A_23 : memref<1x1x40960xf32, #tpu.memory_space<hbm>> -> memref<40960xf32, #tpu.memory_space<hbm>>
      tpu.wait_dma2 semaphore(%run_scoped3A_14 : memref<!tpu.dma_semaphore, #tpu.memory_space<semaphore_mem>>) src(%arg7 : memref<40960xf32, #tpu.memory_space<vmem>>) dst(%dma_wait3A_24 : memref<40960xf32, #tpu.memory_space<hbm>>)
      tpu.yield
    }) : () -> ()
    %run_scoped3A_13 = arith.constant 1 : i32
    "tpu.region"() ({
      %run_scoped3A_14 = tpu.sem_alloc : memref<!tpu.dma_semaphore, #tpu.memory_space<semaphore_mem>>
      %dma_start3A = arith.constant 0 : i32
      %dma_start3A_15 = tpu.memref_slice %arg4[%add3A, %run_scoped3A_13, %dma_start3A] : memref<32x2x40960xf32, #tpu.memory_space<hbm>> -> memref<1x1x40960xf32, #tpu.memory_space<hbm>>
      %dma_start3A_16 = tpu.memref_squeeze %dma_start3A_15 : memref<1x1x40960xf32, #tpu.memory_space<hbm>> -> memref<40960xf32, #tpu.memory_space<hbm>>
      %dma_start3A_17 = arith.constant 0 : i32
      %dma_start3A_18 = tpu.memref_slice %arg4[%add3A, %run_scoped3A_13, %dma_start3A_17] : memref<32x2x40960xf32, #tpu.memory_space<hbm>> -> memref<1x1x40960xf32, #tpu.memory_space<hbm>>
      %dma_start3A_19 = tpu.memref_squeeze %dma_start3A_18 : memref<1x1x40960xf32, #tpu.memory_space<hbm>> -> memref<40960xf32, #tpu.memory_space<hbm>>
      tpu.enqueue_dma source(%arg8 : memref<40960xf32, #tpu.memory_space<vmem>>) target(%dma_start3A_19 : memref<40960xf32, #tpu.memory_space<hbm>>) target_semaphore(%run_scoped3A_14 : memref<!tpu.dma_semaphore, #tpu.memory_space<semaphore_mem>>)
      %dma_wait3A = arith.constant 0 : i32
      %dma_wait3A_20 = tpu.memref_slice %arg4[%add3A, %run_scoped3A_13, %dma_wait3A] : memref<32x2x40960xf32, #tpu.memory_space<hbm>> -> memref<1x1x40960xf32, #tpu.memory_space<hbm>>
      %dma_wait3A_21 = tpu.memref_squeeze %dma_wait3A_20 : memref<1x1x40960xf32, #tpu.memory_space<hbm>> -> memref<40960xf32, #tpu.memory_space<hbm>>
      %dma_wait3A_22 = arith.constant 0 : i32
      %dma_wait3A_23 = tpu.memref_slice %arg4[%add3A, %run_scoped3A_13, %dma_wait3A_22] : memref<32x2x40960xf32, #tpu.memory_space<hbm>> -> memref<1x1x40960xf32, #tpu.memory_space<hbm>>
      %dma_wait3A_24 = tpu.memref_squeeze %dma_wait3A_23 : memref<1x1x40960xf32, #tpu.memory_space<hbm>> -> memref<40960xf32, #tpu.memory_space<hbm>>
      tpu.wait_dma2 semaphore(%run_scoped3A_14 : memref<!tpu.dma_semaphore, #tpu.memory_space<semaphore_mem>>) src(%arg8 : memref<40960xf32, #tpu.memory_space<vmem>>) dst(%dma_wait3A_24 : memref<40960xf32, #tpu.memory_space<hbm>>)
      tpu.yield
    }) : () -> ()
    return
  }
}

#map = affine_map<(d0, d1) -> (0, 0)>
#map1 = affine_map<(d0, d1) -> (0, 0, 0)>
module attributes {stable_mosaic.version = 14 : i64} {
  func.func @gk(%arg0: i32, %arg1: i32, %arg2: memref<20000x16xf32, #tpu.memory_space<hbm>>, %arg3: memref<32x80x128xi32, #tpu.memory_space<hbm>>, %arg4: memref<327680x16xf32, #tpu.memory_space<hbm>>, %arg5: memref<80x128xi32, #tpu.memory_space<vmem>>, %arg6: memref<1024x16xf32, #tpu.memory_space<vmem>>, %arg7: memref<!tpu.dma_semaphore, #tpu.memory_space<semaphore_mem>>) attributes {dimension_semantics = [#tpu.dimension_semantics<core_parallel>, #tpu.dimension_semantics<subcore_parallel>], iteration_bounds = array<i64: 2, 16>, scalar_prefetch = 0 : i64, scratch_operands = 3 : i64, tpu.core_type = #tpu.core_type<sc_vector_subcore>, window_params = [{transform_indices = #map}, {transform_indices = #map1}, {transform_indices = #map}]} {
    %mul3A = arith.constant 2 : i32
    %mul3A_0 = arith.muli %arg1, %mul3A : i32
    %add3A = arith.addi %mul3A_0, %arg0 : i32
    "tpu.region"() ({
      %run_scoped3A = tpu.sem_alloc : memref<!tpu.dma_semaphore, #tpu.memory_space<semaphore_mem>>
      %dma_start3A = arith.constant 0 : i32
      %dma_start3A_5 = arith.constant 0 : i32
      %dma_start3A_6 = tpu.memref_slice %arg3[%add3A, %dma_start3A, %dma_start3A_5] : memref<32x80x128xi32, #tpu.memory_space<hbm>> -> memref<1x80x128xi32, #tpu.memory_space<hbm>>
      %dma_start3A_7 = tpu.memref_squeeze %dma_start3A_6 : memref<1x80x128xi32, #tpu.memory_space<hbm>> -> memref<80x128xi32, #tpu.memory_space<hbm>>
      %dma_start3A_8 = arith.constant 0 : i32
      %dma_start3A_9 = arith.constant 0 : i32
      %dma_start3A_10 = tpu.memref_slice %arg3[%add3A, %dma_start3A_8, %dma_start3A_9] : memref<32x80x128xi32, #tpu.memory_space<hbm>> -> memref<1x80x128xi32, #tpu.memory_space<hbm>>
      %dma_start3A_11 = tpu.memref_squeeze %dma_start3A_10 : memref<1x80x128xi32, #tpu.memory_space<hbm>> -> memref<80x128xi32, #tpu.memory_space<hbm>>
      tpu.enqueue_dma source(%dma_start3A_11 : memref<80x128xi32, #tpu.memory_space<hbm>>) target(%arg5 : memref<80x128xi32, #tpu.memory_space<vmem>>) target_semaphore(%run_scoped3A : memref<!tpu.dma_semaphore, #tpu.memory_space<semaphore_mem>>)
      %dma_wait3A = arith.constant 0 : i32
      %dma_wait3A_12 = arith.constant 0 : i32
      %dma_wait3A_13 = tpu.memref_slice %arg3[%add3A, %dma_wait3A, %dma_wait3A_12] : memref<32x80x128xi32, #tpu.memory_space<hbm>> -> memref<1x80x128xi32, #tpu.memory_space<hbm>>
      %dma_wait3A_14 = tpu.memref_squeeze %dma_wait3A_13 : memref<1x80x128xi32, #tpu.memory_space<hbm>> -> memref<80x128xi32, #tpu.memory_space<hbm>>
      %dma_wait3A_15 = arith.constant 0 : i32
      %dma_wait3A_16 = arith.constant 0 : i32
      %dma_wait3A_17 = tpu.memref_slice %arg3[%add3A, %dma_wait3A_15, %dma_wait3A_16] : memref<32x80x128xi32, #tpu.memory_space<hbm>> -> memref<1x80x128xi32, #tpu.memory_space<hbm>>
      %dma_wait3A_18 = tpu.memref_squeeze %dma_wait3A_17 : memref<1x80x128xi32, #tpu.memory_space<hbm>> -> memref<80x128xi32, #tpu.memory_space<hbm>>
      tpu.wait_dma2 semaphore(%run_scoped3A : memref<!tpu.dma_semaphore, #tpu.memory_space<semaphore_mem>>) src(%dma_wait3A_18 : memref<80x128xi32, #tpu.memory_space<hbm>>) dst(%arg5 : memref<80x128xi32, #tpu.memory_space<vmem>>)
      tpu.yield
    }) : () -> ()
    %scan3A = arith.constant 0 : i32
    %scan3A_1 = arith.constant 10 : i32
    %scan3A_2 = arith.addi %scan3A, %scan3A_1 : i32
    %scan3A_3 = arith.constant 1 : i32
    scf.for %scan3A_5 = %scan3A to %scan3A_2 step %scan3A_3  : i32 {
      %mul3A_6 = arith.constant 1 : i32
      %mul3A_7 = arith.muli %scan3A_5, %mul3A_6 : i32
      %add3A_8 = arith.constant 0 : i32
      %add3A_9 = arith.addi %add3A_8, %mul3A_7 : i32
      %mul3A_10 = arith.constant 8 : i32
      %mul3A_11 = arith.muli %add3A_9, %mul3A_10 : i32
      %add3A_12 = arith.constant 0 : i32
      %add3A_13 = arith.addi %mul3A_11, %add3A_12 : i32
      %dma_start3A = arith.constant 0 : i32
      %dma_start3A_14 = arith.constant 0 : i32
      %dma_start3A_15 = tpu.memref_slice %arg6[%dma_start3A, %dma_start3A_14] : memref<1024x16xf32, #tpu.memory_space<vmem>> -> memref<128x16xf32, #tpu.memory_space<vmem>>
      %dma_start3A_16 = arith.constant 0 : i32
      %dma_start3A_17 = tpu.memref_slice %arg5[%add3A_13, %dma_start3A_16] : memref<80x128xi32, #tpu.memory_space<vmem>> -> memref<1x128xi32, #tpu.memory_space<vmem>>
      %dma_start3A_18 = tpu.memref_squeeze %dma_start3A_17 : memref<1x128xi32, #tpu.memory_space<vmem>> -> memref<128xi32, #tpu.memory_space<vmem>>
      %dma_start3A_19 = arith.constant 0 : i32
      %dma_start3A_20 = arith.constant 0 : i32
      %dma_start3A_21 = tpu.memref_slice %arg2[%dma_start3A_19, %dma_start3A_20] : memref<20000x16xf32, #tpu.memory_space<hbm>> -> memref<20000x16xf32, #tpu.memory_space<hbm>>
      tpu.enqueue_indirect_dma source(%dma_start3A_21 : memref<20000x16xf32, #tpu.memory_space<hbm>>) target(%dma_start3A_15 : memref<128x16xf32, #tpu.memory_space<vmem>>) offsets(%dma_start3A_18 : memref<128xi32, #tpu.memory_space<vmem>>) semaphore(%arg7 : memref<!tpu.dma_semaphore, #tpu.memory_space<semaphore_mem>>)
      %mul3A_22 = arith.constant 8 : i32
      %mul3A_23 = arith.muli %add3A_9, %mul3A_22 : i32
      %add3A_24 = arith.constant 1 : i32
      %add3A_25 = arith.addi %mul3A_23, %add3A_24 : i32
      %dma_start3A_26 = arith.constant 128 : i32
      %dma_start3A_27 = arith.constant 0 : i32
      %dma_start3A_28 = tpu.memref_slice %arg6[%dma_start3A_26, %dma_start3A_27] : memref<1024x16xf32, #tpu.memory_space<vmem>> -> memref<128x16xf32, #tpu.memory_space<vmem>>
      %dma_start3A_29 = arith.constant 0 : i32
      %dma_start3A_30 = tpu.memref_slice %arg5[%add3A_25, %dma_start3A_29] : memref<80x128xi32, #tpu.memory_space<vmem>> -> memref<1x128xi32, #tpu.memory_space<vmem>>
      %dma_start3A_31 = tpu.memref_squeeze %dma_start3A_30 : memref<1x128xi32, #tpu.memory_space<vmem>> -> memref<128xi32, #tpu.memory_space<vmem>>
      %dma_start3A_32 = arith.constant 0 : i32
      %dma_start3A_33 = arith.constant 0 : i32
      %dma_start3A_34 = tpu.memref_slice %arg2[%dma_start3A_32, %dma_start3A_33] : memref<20000x16xf32, #tpu.memory_space<hbm>> -> memref<20000x16xf32, #tpu.memory_space<hbm>>
      tpu.enqueue_indirect_dma source(%dma_start3A_34 : memref<20000x16xf32, #tpu.memory_space<hbm>>) target(%dma_start3A_28 : memref<128x16xf32, #tpu.memory_space<vmem>>) offsets(%dma_start3A_31 : memref<128xi32, #tpu.memory_space<vmem>>) semaphore(%arg7 : memref<!tpu.dma_semaphore, #tpu.memory_space<semaphore_mem>>)
      %mul3A_35 = arith.constant 8 : i32
      %mul3A_36 = arith.muli %add3A_9, %mul3A_35 : i32
      %add3A_37 = arith.constant 2 : i32
      %add3A_38 = arith.addi %mul3A_36, %add3A_37 : i32
      %dma_start3A_39 = arith.constant 256 : i32
      %dma_start3A_40 = arith.constant 0 : i32
      %dma_start3A_41 = tpu.memref_slice %arg6[%dma_start3A_39, %dma_start3A_40] : memref<1024x16xf32, #tpu.memory_space<vmem>> -> memref<128x16xf32, #tpu.memory_space<vmem>>
      %dma_start3A_42 = arith.constant 0 : i32
      %dma_start3A_43 = tpu.memref_slice %arg5[%add3A_38, %dma_start3A_42] : memref<80x128xi32, #tpu.memory_space<vmem>> -> memref<1x128xi32, #tpu.memory_space<vmem>>
      %dma_start3A_44 = tpu.memref_squeeze %dma_start3A_43 : memref<1x128xi32, #tpu.memory_space<vmem>> -> memref<128xi32, #tpu.memory_space<vmem>>
      %dma_start3A_45 = arith.constant 0 : i32
      %dma_start3A_46 = arith.constant 0 : i32
      %dma_start3A_47 = tpu.memref_slice %arg2[%dma_start3A_45, %dma_start3A_46] : memref<20000x16xf32, #tpu.memory_space<hbm>> -> memref<20000x16xf32, #tpu.memory_space<hbm>>
      tpu.enqueue_indirect_dma source(%dma_start3A_47 : memref<20000x16xf32, #tpu.memory_space<hbm>>) target(%dma_start3A_41 : memref<128x16xf32, #tpu.memory_space<vmem>>) offsets(%dma_start3A_44 : memref<128xi32, #tpu.memory_space<vmem>>) semaphore(%arg7 : memref<!tpu.dma_semaphore, #tpu.memory_space<semaphore_mem>>)
      %mul3A_48 = arith.constant 8 : i32
      %mul3A_49 = arith.muli %add3A_9, %mul3A_48 : i32
      %add3A_50 = arith.constant 3 : i32
      %add3A_51 = arith.addi %mul3A_49, %add3A_50 : i32
      %dma_start3A_52 = arith.constant 384 : i32
      %dma_start3A_53 = arith.constant 0 : i32
      %dma_start3A_54 = tpu.memref_slice %arg6[%dma_start3A_52, %dma_start3A_53] : memref<1024x16xf32, #tpu.memory_space<vmem>> -> memref<128x16xf32, #tpu.memory_space<vmem>>
      %dma_start3A_55 = arith.constant 0 : i32
      %dma_start3A_56 = tpu.memref_slice %arg5[%add3A_51, %dma_start3A_55] : memref<80x128xi32, #tpu.memory_space<vmem>> -> memref<1x128xi32, #tpu.memory_space<vmem>>
      %dma_start3A_57 = tpu.memref_squeeze %dma_start3A_56 : memref<1x128xi32, #tpu.memory_space<vmem>> -> memref<128xi32, #tpu.memory_space<vmem>>
      %dma_start3A_58 = arith.constant 0 : i32
      %dma_start3A_59 = arith.constant 0 : i32
      %dma_start3A_60 = tpu.memref_slice %arg2[%dma_start3A_58, %dma_start3A_59] : memref<20000x16xf32, #tpu.memory_space<hbm>> -> memref<20000x16xf32, #tpu.memory_space<hbm>>
      tpu.enqueue_indirect_dma source(%dma_start3A_60 : memref<20000x16xf32, #tpu.memory_space<hbm>>) target(%dma_start3A_54 : memref<128x16xf32, #tpu.memory_space<vmem>>) offsets(%dma_start3A_57 : memref<128xi32, #tpu.memory_space<vmem>>) semaphore(%arg7 : memref<!tpu.dma_semaphore, #tpu.memory_space<semaphore_mem>>)
      %mul3A_61 = arith.constant 8 : i32
      %mul3A_62 = arith.muli %add3A_9, %mul3A_61 : i32
      %add3A_63 = arith.constant 4 : i32
      %add3A_64 = arith.addi %mul3A_62, %add3A_63 : i32
      %dma_start3A_65 = arith.constant 512 : i32
      %dma_start3A_66 = arith.constant 0 : i32
      %dma_start3A_67 = tpu.memref_slice %arg6[%dma_start3A_65, %dma_start3A_66] : memref<1024x16xf32, #tpu.memory_space<vmem>> -> memref<128x16xf32, #tpu.memory_space<vmem>>
      %dma_start3A_68 = arith.constant 0 : i32
      %dma_start3A_69 = tpu.memref_slice %arg5[%add3A_64, %dma_start3A_68] : memref<80x128xi32, #tpu.memory_space<vmem>> -> memref<1x128xi32, #tpu.memory_space<vmem>>
      %dma_start3A_70 = tpu.memref_squeeze %dma_start3A_69 : memref<1x128xi32, #tpu.memory_space<vmem>> -> memref<128xi32, #tpu.memory_space<vmem>>
      %dma_start3A_71 = arith.constant 0 : i32
      %dma_start3A_72 = arith.constant 0 : i32
      %dma_start3A_73 = tpu.memref_slice %arg2[%dma_start3A_71, %dma_start3A_72] : memref<20000x16xf32, #tpu.memory_space<hbm>> -> memref<20000x16xf32, #tpu.memory_space<hbm>>
      tpu.enqueue_indirect_dma source(%dma_start3A_73 : memref<20000x16xf32, #tpu.memory_space<hbm>>) target(%dma_start3A_67 : memref<128x16xf32, #tpu.memory_space<vmem>>) offsets(%dma_start3A_70 : memref<128xi32, #tpu.memory_space<vmem>>) semaphore(%arg7 : memref<!tpu.dma_semaphore, #tpu.memory_space<semaphore_mem>>)
      %mul3A_74 = arith.constant 8 : i32
      %mul3A_75 = arith.muli %add3A_9, %mul3A_74 : i32
      %add3A_76 = arith.constant 5 : i32
      %add3A_77 = arith.addi %mul3A_75, %add3A_76 : i32
      %dma_start3A_78 = arith.constant 640 : i32
      %dma_start3A_79 = arith.constant 0 : i32
      %dma_start3A_80 = tpu.memref_slice %arg6[%dma_start3A_78, %dma_start3A_79] : memref<1024x16xf32, #tpu.memory_space<vmem>> -> memref<128x16xf32, #tpu.memory_space<vmem>>
      %dma_start3A_81 = arith.constant 0 : i32
      %dma_start3A_82 = tpu.memref_slice %arg5[%add3A_77, %dma_start3A_81] : memref<80x128xi32, #tpu.memory_space<vmem>> -> memref<1x128xi32, #tpu.memory_space<vmem>>
      %dma_start3A_83 = tpu.memref_squeeze %dma_start3A_82 : memref<1x128xi32, #tpu.memory_space<vmem>> -> memref<128xi32, #tpu.memory_space<vmem>>
      %dma_start3A_84 = arith.constant 0 : i32
      %dma_start3A_85 = arith.constant 0 : i32
      %dma_start3A_86 = tpu.memref_slice %arg2[%dma_start3A_84, %dma_start3A_85] : memref<20000x16xf32, #tpu.memory_space<hbm>> -> memref<20000x16xf32, #tpu.memory_space<hbm>>
      tpu.enqueue_indirect_dma source(%dma_start3A_86 : memref<20000x16xf32, #tpu.memory_space<hbm>>) target(%dma_start3A_80 : memref<128x16xf32, #tpu.memory_space<vmem>>) offsets(%dma_start3A_83 : memref<128xi32, #tpu.memory_space<vmem>>) semaphore(%arg7 : memref<!tpu.dma_semaphore, #tpu.memory_space<semaphore_mem>>)
      %mul3A_87 = arith.constant 8 : i32
      %mul3A_88 = arith.muli %add3A_9, %mul3A_87 : i32
      %add3A_89 = arith.constant 6 : i32
      %add3A_90 = arith.addi %mul3A_88, %add3A_89 : i32
      %dma_start3A_91 = arith.constant 768 : i32
      %dma_start3A_92 = arith.constant 0 : i32
      %dma_start3A_93 = tpu.memref_slice %arg6[%dma_start3A_91, %dma_start3A_92] : memref<1024x16xf32, #tpu.memory_space<vmem>> -> memref<128x16xf32, #tpu.memory_space<vmem>>
      %dma_start3A_94 = arith.constant 0 : i32
      %dma_start3A_95 = tpu.memref_slice %arg5[%add3A_90, %dma_start3A_94] : memref<80x128xi32, #tpu.memory_space<vmem>> -> memref<1x128xi32, #tpu.memory_space<vmem>>
      %dma_start3A_96 = tpu.memref_squeeze %dma_start3A_95 : memref<1x128xi32, #tpu.memory_space<vmem>> -> memref<128xi32, #tpu.memory_space<vmem>>
      %dma_start3A_97 = arith.constant 0 : i32
      %dma_start3A_98 = arith.constant 0 : i32
      %dma_start3A_99 = tpu.memref_slice %arg2[%dma_start3A_97, %dma_start3A_98] : memref<20000x16xf32, #tpu.memory_space<hbm>> -> memref<20000x16xf32, #tpu.memory_space<hbm>>
      tpu.enqueue_indirect_dma source(%dma_start3A_99 : memref<20000x16xf32, #tpu.memory_space<hbm>>) target(%dma_start3A_93 : memref<128x16xf32, #tpu.memory_space<vmem>>) offsets(%dma_start3A_96 : memref<128xi32, #tpu.memory_space<vmem>>) semaphore(%arg7 : memref<!tpu.dma_semaphore, #tpu.memory_space<semaphore_mem>>)
      %mul3A_100 = arith.constant 8 : i32
      %mul3A_101 = arith.muli %add3A_9, %mul3A_100 : i32
      %add3A_102 = arith.constant 7 : i32
      %add3A_103 = arith.addi %mul3A_101, %add3A_102 : i32
      %dma_start3A_104 = arith.constant 896 : i32
      %dma_start3A_105 = arith.constant 0 : i32
      %dma_start3A_106 = tpu.memref_slice %arg6[%dma_start3A_104, %dma_start3A_105] : memref<1024x16xf32, #tpu.memory_space<vmem>> -> memref<128x16xf32, #tpu.memory_space<vmem>>
      %dma_start3A_107 = arith.constant 0 : i32
      %dma_start3A_108 = tpu.memref_slice %arg5[%add3A_103, %dma_start3A_107] : memref<80x128xi32, #tpu.memory_space<vmem>> -> memref<1x128xi32, #tpu.memory_space<vmem>>
      %dma_start3A_109 = tpu.memref_squeeze %dma_start3A_108 : memref<1x128xi32, #tpu.memory_space<vmem>> -> memref<128xi32, #tpu.memory_space<vmem>>
      %dma_start3A_110 = arith.constant 0 : i32
      %dma_start3A_111 = arith.constant 0 : i32
      %dma_start3A_112 = tpu.memref_slice %arg2[%dma_start3A_110, %dma_start3A_111] : memref<20000x16xf32, #tpu.memory_space<hbm>> -> memref<20000x16xf32, #tpu.memory_space<hbm>>
      tpu.enqueue_indirect_dma source(%dma_start3A_112 : memref<20000x16xf32, #tpu.memory_space<hbm>>) target(%dma_start3A_106 : memref<128x16xf32, #tpu.memory_space<vmem>>) offsets(%dma_start3A_109 : memref<128xi32, #tpu.memory_space<vmem>>) semaphore(%arg7 : memref<!tpu.dma_semaphore, #tpu.memory_space<semaphore_mem>>)
      %dma_wait3A = arith.constant 0 : i32
      %dma_wait3A_113 = arith.constant 0 : i32
      %dma_wait3A_114 = tpu.memref_slice %arg6[%dma_wait3A, %dma_wait3A_113] : memref<1024x16xf32, #tpu.memory_space<vmem>> -> memref<128x16xf32, #tpu.memory_space<vmem>>
      %dma_wait3A_115 = arith.constant 0 : i32
      %dma_wait3A_116 = tpu.memref_slice %arg5[%add3A_13, %dma_wait3A_115] : memref<80x128xi32, #tpu.memory_space<vmem>> -> memref<1x128xi32, #tpu.memory_space<vmem>>
      %dma_wait3A_117 = tpu.memref_squeeze %dma_wait3A_116 : memref<1x128xi32, #tpu.memory_space<vmem>> -> memref<128xi32, #tpu.memory_space<vmem>>
      %dma_wait3A_118 = arith.constant 0 : i32
      %dma_wait3A_119 = arith.constant 0 : i32
      %dma_wait3A_120 = tpu.memref_slice %arg2[%dma_wait3A_118, %dma_wait3A_119] : memref<20000x16xf32, #tpu.memory_space<hbm>> -> memref<20000x16xf32, #tpu.memory_space<hbm>>
      tpu.wait_indirect_dma semaphore(%arg7 : memref<!tpu.dma_semaphore, #tpu.memory_space<semaphore_mem>>) src(%dma_wait3A_120 : memref<20000x16xf32, #tpu.memory_space<hbm>>) dst(%dma_wait3A_114 : memref<128x16xf32, #tpu.memory_space<vmem>>)
      %dma_wait3A_121 = arith.constant 128 : i32
      %dma_wait3A_122 = arith.constant 0 : i32
      %dma_wait3A_123 = tpu.memref_slice %arg6[%dma_wait3A_121, %dma_wait3A_122] : memref<1024x16xf32, #tpu.memory_space<vmem>> -> memref<128x16xf32, #tpu.memory_space<vmem>>
      %dma_wait3A_124 = arith.constant 0 : i32
      %dma_wait3A_125 = tpu.memref_slice %arg5[%add3A_25, %dma_wait3A_124] : memref<80x128xi32, #tpu.memory_space<vmem>> -> memref<1x128xi32, #tpu.memory_space<vmem>>
      %dma_wait3A_126 = tpu.memref_squeeze %dma_wait3A_125 : memref<1x128xi32, #tpu.memory_space<vmem>> -> memref<128xi32, #tpu.memory_space<vmem>>
      %dma_wait3A_127 = arith.constant 0 : i32
      %dma_wait3A_128 = arith.constant 0 : i32
      %dma_wait3A_129 = tpu.memref_slice %arg2[%dma_wait3A_127, %dma_wait3A_128] : memref<20000x16xf32, #tpu.memory_space<hbm>> -> memref<20000x16xf32, #tpu.memory_space<hbm>>
      tpu.wait_indirect_dma semaphore(%arg7 : memref<!tpu.dma_semaphore, #tpu.memory_space<semaphore_mem>>) src(%dma_wait3A_129 : memref<20000x16xf32, #tpu.memory_space<hbm>>) dst(%dma_wait3A_123 : memref<128x16xf32, #tpu.memory_space<vmem>>)
      %dma_wait3A_130 = arith.constant 256 : i32
      %dma_wait3A_131 = arith.constant 0 : i32
      %dma_wait3A_132 = tpu.memref_slice %arg6[%dma_wait3A_130, %dma_wait3A_131] : memref<1024x16xf32, #tpu.memory_space<vmem>> -> memref<128x16xf32, #tpu.memory_space<vmem>>
      %dma_wait3A_133 = arith.constant 0 : i32
      %dma_wait3A_134 = tpu.memref_slice %arg5[%add3A_38, %dma_wait3A_133] : memref<80x128xi32, #tpu.memory_space<vmem>> -> memref<1x128xi32, #tpu.memory_space<vmem>>
      %dma_wait3A_135 = tpu.memref_squeeze %dma_wait3A_134 : memref<1x128xi32, #tpu.memory_space<vmem>> -> memref<128xi32, #tpu.memory_space<vmem>>
      %dma_wait3A_136 = arith.constant 0 : i32
      %dma_wait3A_137 = arith.constant 0 : i32
      %dma_wait3A_138 = tpu.memref_slice %arg2[%dma_wait3A_136, %dma_wait3A_137] : memref<20000x16xf32, #tpu.memory_space<hbm>> -> memref<20000x16xf32, #tpu.memory_space<hbm>>
      tpu.wait_indirect_dma semaphore(%arg7 : memref<!tpu.dma_semaphore, #tpu.memory_space<semaphore_mem>>) src(%dma_wait3A_138 : memref<20000x16xf32, #tpu.memory_space<hbm>>) dst(%dma_wait3A_132 : memref<128x16xf32, #tpu.memory_space<vmem>>)
      %dma_wait3A_139 = arith.constant 384 : i32
      %dma_wait3A_140 = arith.constant 0 : i32
      %dma_wait3A_141 = tpu.memref_slice %arg6[%dma_wait3A_139, %dma_wait3A_140] : memref<1024x16xf32, #tpu.memory_space<vmem>> -> memref<128x16xf32, #tpu.memory_space<vmem>>
      %dma_wait3A_142 = arith.constant 0 : i32
      %dma_wait3A_143 = tpu.memref_slice %arg5[%add3A_51, %dma_wait3A_142] : memref<80x128xi32, #tpu.memory_space<vmem>> -> memref<1x128xi32, #tpu.memory_space<vmem>>
      %dma_wait3A_144 = tpu.memref_squeeze %dma_wait3A_143 : memref<1x128xi32, #tpu.memory_space<vmem>> -> memref<128xi32, #tpu.memory_space<vmem>>
      %dma_wait3A_145 = arith.constant 0 : i32
      %dma_wait3A_146 = arith.constant 0 : i32
      %dma_wait3A_147 = tpu.memref_slice %arg2[%dma_wait3A_145, %dma_wait3A_146] : memref<20000x16xf32, #tpu.memory_space<hbm>> -> memref<20000x16xf32, #tpu.memory_space<hbm>>
      tpu.wait_indirect_dma semaphore(%arg7 : memref<!tpu.dma_semaphore, #tpu.memory_space<semaphore_mem>>) src(%dma_wait3A_147 : memref<20000x16xf32, #tpu.memory_space<hbm>>) dst(%dma_wait3A_141 : memref<128x16xf32, #tpu.memory_space<vmem>>)
      %dma_wait3A_148 = arith.constant 512 : i32
      %dma_wait3A_149 = arith.constant 0 : i32
      %dma_wait3A_150 = tpu.memref_slice %arg6[%dma_wait3A_148, %dma_wait3A_149] : memref<1024x16xf32, #tpu.memory_space<vmem>> -> memref<128x16xf32, #tpu.memory_space<vmem>>
      %dma_wait3A_151 = arith.constant 0 : i32
      %dma_wait3A_152 = tpu.memref_slice %arg5[%add3A_64, %dma_wait3A_151] : memref<80x128xi32, #tpu.memory_space<vmem>> -> memref<1x128xi32, #tpu.memory_space<vmem>>
      %dma_wait3A_153 = tpu.memref_squeeze %dma_wait3A_152 : memref<1x128xi32, #tpu.memory_space<vmem>> -> memref<128xi32, #tpu.memory_space<vmem>>
      %dma_wait3A_154 = arith.constant 0 : i32
      %dma_wait3A_155 = arith.constant 0 : i32
      %dma_wait3A_156 = tpu.memref_slice %arg2[%dma_wait3A_154, %dma_wait3A_155] : memref<20000x16xf32, #tpu.memory_space<hbm>> -> memref<20000x16xf32, #tpu.memory_space<hbm>>
      tpu.wait_indirect_dma semaphore(%arg7 : memref<!tpu.dma_semaphore, #tpu.memory_space<semaphore_mem>>) src(%dma_wait3A_156 : memref<20000x16xf32, #tpu.memory_space<hbm>>) dst(%dma_wait3A_150 : memref<128x16xf32, #tpu.memory_space<vmem>>)
      %dma_wait3A_157 = arith.constant 640 : i32
      %dma_wait3A_158 = arith.constant 0 : i32
      %dma_wait3A_159 = tpu.memref_slice %arg6[%dma_wait3A_157, %dma_wait3A_158] : memref<1024x16xf32, #tpu.memory_space<vmem>> -> memref<128x16xf32, #tpu.memory_space<vmem>>
      %dma_wait3A_160 = arith.constant 0 : i32
      %dma_wait3A_161 = tpu.memref_slice %arg5[%add3A_77, %dma_wait3A_160] : memref<80x128xi32, #tpu.memory_space<vmem>> -> memref<1x128xi32, #tpu.memory_space<vmem>>
      %dma_wait3A_162 = tpu.memref_squeeze %dma_wait3A_161 : memref<1x128xi32, #tpu.memory_space<vmem>> -> memref<128xi32, #tpu.memory_space<vmem>>
      %dma_wait3A_163 = arith.constant 0 : i32
      %dma_wait3A_164 = arith.constant 0 : i32
      %dma_wait3A_165 = tpu.memref_slice %arg2[%dma_wait3A_163, %dma_wait3A_164] : memref<20000x16xf32, #tpu.memory_space<hbm>> -> memref<20000x16xf32, #tpu.memory_space<hbm>>
      tpu.wait_indirect_dma semaphore(%arg7 : memref<!tpu.dma_semaphore, #tpu.memory_space<semaphore_mem>>) src(%dma_wait3A_165 : memref<20000x16xf32, #tpu.memory_space<hbm>>) dst(%dma_wait3A_159 : memref<128x16xf32, #tpu.memory_space<vmem>>)
      %dma_wait3A_166 = arith.constant 768 : i32
      %dma_wait3A_167 = arith.constant 0 : i32
      %dma_wait3A_168 = tpu.memref_slice %arg6[%dma_wait3A_166, %dma_wait3A_167] : memref<1024x16xf32, #tpu.memory_space<vmem>> -> memref<128x16xf32, #tpu.memory_space<vmem>>
      %dma_wait3A_169 = arith.constant 0 : i32
      %dma_wait3A_170 = tpu.memref_slice %arg5[%add3A_90, %dma_wait3A_169] : memref<80x128xi32, #tpu.memory_space<vmem>> -> memref<1x128xi32, #tpu.memory_space<vmem>>
      %dma_wait3A_171 = tpu.memref_squeeze %dma_wait3A_170 : memref<1x128xi32, #tpu.memory_space<vmem>> -> memref<128xi32, #tpu.memory_space<vmem>>
      %dma_wait3A_172 = arith.constant 0 : i32
      %dma_wait3A_173 = arith.constant 0 : i32
      %dma_wait3A_174 = tpu.memref_slice %arg2[%dma_wait3A_172, %dma_wait3A_173] : memref<20000x16xf32, #tpu.memory_space<hbm>> -> memref<20000x16xf32, #tpu.memory_space<hbm>>
      tpu.wait_indirect_dma semaphore(%arg7 : memref<!tpu.dma_semaphore, #tpu.memory_space<semaphore_mem>>) src(%dma_wait3A_174 : memref<20000x16xf32, #tpu.memory_space<hbm>>) dst(%dma_wait3A_168 : memref<128x16xf32, #tpu.memory_space<vmem>>)
      %dma_wait3A_175 = arith.constant 896 : i32
      %dma_wait3A_176 = arith.constant 0 : i32
      %dma_wait3A_177 = tpu.memref_slice %arg6[%dma_wait3A_175, %dma_wait3A_176] : memref<1024x16xf32, #tpu.memory_space<vmem>> -> memref<128x16xf32, #tpu.memory_space<vmem>>
      %dma_wait3A_178 = arith.constant 0 : i32
      %dma_wait3A_179 = tpu.memref_slice %arg5[%add3A_103, %dma_wait3A_178] : memref<80x128xi32, #tpu.memory_space<vmem>> -> memref<1x128xi32, #tpu.memory_space<vmem>>
      %dma_wait3A_180 = tpu.memref_squeeze %dma_wait3A_179 : memref<1x128xi32, #tpu.memory_space<vmem>> -> memref<128xi32, #tpu.memory_space<vmem>>
      %dma_wait3A_181 = arith.constant 0 : i32
      %dma_wait3A_182 = arith.constant 0 : i32
      %dma_wait3A_183 = tpu.memref_slice %arg2[%dma_wait3A_181, %dma_wait3A_182] : memref<20000x16xf32, #tpu.memory_space<hbm>> -> memref<20000x16xf32, #tpu.memory_space<hbm>>
      tpu.wait_indirect_dma semaphore(%arg7 : memref<!tpu.dma_semaphore, #tpu.memory_space<semaphore_mem>>) src(%dma_wait3A_183 : memref<20000x16xf32, #tpu.memory_space<hbm>>) dst(%dma_wait3A_177 : memref<128x16xf32, #tpu.memory_space<vmem>>)
      %mul3A_184 = arith.constant 10240 : i32
      %mul3A_185 = arith.muli %add3A, %mul3A_184 : i32
      %mul3A_186 = arith.constant 1024 : i32
      %mul3A_187 = arith.muli %add3A_9, %mul3A_186 : i32
      %add3A_188 = arith.addi %mul3A_185, %mul3A_187 : i32
      "tpu.region"() ({
        %run_scoped3A = tpu.sem_alloc : memref<!tpu.dma_semaphore, #tpu.memory_space<semaphore_mem>>
        %dma_start3A_189 = arith.constant 0 : i32
        %dma_start3A_190 = tpu.memref_slice %arg4[%add3A_188, %dma_start3A_189] : memref<327680x16xf32, #tpu.memory_space<hbm>> -> memref<1024x16xf32, #tpu.memory_space<hbm>>
        %dma_start3A_191 = arith.constant 0 : i32
        %dma_start3A_192 = tpu.memref_slice %arg4[%add3A_188, %dma_start3A_191] : memref<327680x16xf32, #tpu.memory_space<hbm>> -> memref<1024x16xf32, #tpu.memory_space<hbm>>
        tpu.enqueue_dma source(%arg6 : memref<1024x16xf32, #tpu.memory_space<vmem>>) target(%dma_start3A_192 : memref<1024x16xf32, #tpu.memory_space<hbm>>) target_semaphore(%run_scoped3A : memref<!tpu.dma_semaphore, #tpu.memory_space<semaphore_mem>>)
        %dma_wait3A_193 = arith.constant 0 : i32
        %dma_wait3A_194 = tpu.memref_slice %arg4[%add3A_188, %dma_wait3A_193] : memref<327680x16xf32, #tpu.memory_space<hbm>> -> memref<1024x16xf32, #tpu.memory_space<hbm>>
        %dma_wait3A_195 = arith.constant 0 : i32
        %dma_wait3A_196 = tpu.memref_slice %arg4[%add3A_188, %dma_wait3A_195] : memref<327680x16xf32, #tpu.memory_space<hbm>> -> memref<1024x16xf32, #tpu.memory_space<hbm>>
        tpu.wait_dma2 semaphore(%run_scoped3A : memref<!tpu.dma_semaphore, #tpu.memory_space<semaphore_mem>>) src(%arg6 : memref<1024x16xf32, #tpu.memory_space<vmem>>) dst(%dma_wait3A_196 : memref<1024x16xf32, #tpu.memory_space<hbm>>)
        tpu.yield
      }) : () -> ()
    }
    %scan3A_4 = arith.constant 10 : i32
    return
  }
}

#map = affine_map<(d0, d1) -> (0, 0)>
#map1 = affine_map<(d0, d1) -> (0, 0, 0)>
module attributes {stable_mosaic.version = 14 : i64} {
  func.func @gk(%arg0: i32, %arg1: i32, %arg2: memref<20000x16xf32, #tpu.memory_space<hbm>>, %arg3: memref<32x80x128xi32, #tpu.memory_space<hbm>>, %arg4: memref<327680x16xf32, #tpu.memory_space<hbm>>, %arg5: memref<80x128xi32, #tpu.memory_space<vmem>>, %arg6: memref<1024x16xf32, #tpu.memory_space<vmem>>, %arg7: memref<!tpu.dma_semaphore, #tpu.memory_space<semaphore_mem>>) attributes {dimension_semantics = [#tpu.dimension_semantics<core_parallel>, #tpu.dimension_semantics<subcore_parallel>], iteration_bounds = array<i64: 2, 16>, scalar_prefetch = 0 : i64, scratch_operands = 3 : i64, tpu.core_type = #tpu.core_type<sc_vector_subcore>, window_params = [{transform_indices = #map}, {transform_indices = #map1}, {transform_indices = #map}]} {
    %mul3A = arith.constant 2 : i32
    %mul3A_0 = arith.muli %arg1, %mul3A : i32
    %add3A = arith.addi %mul3A_0, %arg0 : i32
    "tpu.region"() ({
      %run_scoped3A = tpu.sem_alloc : memref<!tpu.dma_semaphore, #tpu.memory_space<semaphore_mem>>
      %dma_start3A = arith.constant 0 : i32
      %dma_start3A_5 = arith.constant 0 : i32
      %dma_start3A_6 = tpu.memref_slice %arg3[%add3A, %dma_start3A, %dma_start3A_5] : memref<32x80x128xi32, #tpu.memory_space<hbm>> -> memref<1x80x128xi32, #tpu.memory_space<hbm>>
      %dma_start3A_7 = tpu.memref_squeeze %dma_start3A_6 : memref<1x80x128xi32, #tpu.memory_space<hbm>> -> memref<80x128xi32, #tpu.memory_space<hbm>>
      %dma_start3A_8 = arith.constant 0 : i32
      %dma_start3A_9 = arith.constant 0 : i32
      %dma_start3A_10 = tpu.memref_slice %arg3[%add3A, %dma_start3A_8, %dma_start3A_9] : memref<32x80x128xi32, #tpu.memory_space<hbm>> -> memref<1x80x128xi32, #tpu.memory_space<hbm>>
      %dma_start3A_11 = tpu.memref_squeeze %dma_start3A_10 : memref<1x80x128xi32, #tpu.memory_space<hbm>> -> memref<80x128xi32, #tpu.memory_space<hbm>>
      tpu.enqueue_dma source(%dma_start3A_11 : memref<80x128xi32, #tpu.memory_space<hbm>>) target(%arg5 : memref<80x128xi32, #tpu.memory_space<vmem>>) target_semaphore(%run_scoped3A : memref<!tpu.dma_semaphore, #tpu.memory_space<semaphore_mem>>)
      %dma_wait3A = arith.constant 0 : i32
      %dma_wait3A_12 = arith.constant 0 : i32
      %dma_wait3A_13 = tpu.memref_slice %arg3[%add3A, %dma_wait3A, %dma_wait3A_12] : memref<32x80x128xi32, #tpu.memory_space<hbm>> -> memref<1x80x128xi32, #tpu.memory_space<hbm>>
      %dma_wait3A_14 = tpu.memref_squeeze %dma_wait3A_13 : memref<1x80x128xi32, #tpu.memory_space<hbm>> -> memref<80x128xi32, #tpu.memory_space<hbm>>
      %dma_wait3A_15 = arith.constant 0 : i32
      %dma_wait3A_16 = arith.constant 0 : i32
      %dma_wait3A_17 = tpu.memref_slice %arg3[%add3A, %dma_wait3A_15, %dma_wait3A_16] : memref<32x80x128xi32, #tpu.memory_space<hbm>> -> memref<1x80x128xi32, #tpu.memory_space<hbm>>
      %dma_wait3A_18 = tpu.memref_squeeze %dma_wait3A_17 : memref<1x80x128xi32, #tpu.memory_space<hbm>> -> memref<80x128xi32, #tpu.memory_space<hbm>>
      tpu.wait_dma2 semaphore(%run_scoped3A : memref<!tpu.dma_semaphore, #tpu.memory_space<semaphore_mem>>) src(%dma_wait3A_18 : memref<80x128xi32, #tpu.memory_space<hbm>>) dst(%arg5 : memref<80x128xi32, #tpu.memory_space<vmem>>)
      tpu.yield
    }) : () -> ()
    %scan3A = arith.constant 0 : i32
    %scan3A_1 = arith.constant 10 : i32
    %scan3A_2 = arith.addi %scan3A, %scan3A_1 : i32
    %scan3A_3 = arith.constant 1 : i32
    scf.for %scan3A_5 = %scan3A to %scan3A_2 step %scan3A_3  : i32 {
      %mul3A_6 = arith.constant 1 : i32
      %mul3A_7 = arith.muli %scan3A_5, %mul3A_6 : i32
      %add3A_8 = arith.constant 0 : i32
      %add3A_9 = arith.addi %add3A_8, %mul3A_7 : i32
      %mul3A_10 = arith.constant 8 : i32
      %mul3A_11 = arith.muli %add3A_9, %mul3A_10 : i32
      %add3A_12 = arith.constant 0 : i32
      %add3A_13 = arith.addi %mul3A_11, %add3A_12 : i32
      %dma_start3A = arith.constant 0 : i32
      %dma_start3A_14 = arith.constant 0 : i32
      %dma_start3A_15 = tpu.memref_slice %arg6[%dma_start3A, %dma_start3A_14] : memref<1024x16xf32, #tpu.memory_space<vmem>> -> memref<128x16xf32, #tpu.memory_space<vmem>>
      %dma_start3A_16 = arith.constant 0 : i32
      %dma_start3A_17 = tpu.memref_slice %arg5[%add3A_13, %dma_start3A_16] : memref<80x128xi32, #tpu.memory_space<vmem>> -> memref<1x128xi32, #tpu.memory_space<vmem>>
      %dma_start3A_18 = tpu.memref_squeeze %dma_start3A_17 : memref<1x128xi32, #tpu.memory_space<vmem>> -> memref<128xi32, #tpu.memory_space<vmem>>
      %dma_start3A_19 = arith.constant 0 : i32
      %dma_start3A_20 = arith.constant 0 : i32
      %dma_start3A_21 = tpu.memref_slice %arg2[%dma_start3A_19, %dma_start3A_20] : memref<20000x16xf32, #tpu.memory_space<hbm>> -> memref<20000x16xf32, #tpu.memory_space<hbm>>
      tpu.enqueue_indirect_dma source(%dma_start3A_21 : memref<20000x16xf32, #tpu.memory_space<hbm>>) target(%dma_start3A_15 : memref<128x16xf32, #tpu.memory_space<vmem>>) offsets(%dma_start3A_18 : memref<128xi32, #tpu.memory_space<vmem>>) semaphore(%arg7 : memref<!tpu.dma_semaphore, #tpu.memory_space<semaphore_mem>>)
      %mul3A_22 = arith.constant 8 : i32
      %mul3A_23 = arith.muli %add3A_9, %mul3A_22 : i32
      %add3A_24 = arith.constant 1 : i32
      %add3A_25 = arith.addi %mul3A_23, %add3A_24 : i32
      %dma_start3A_26 = arith.constant 128 : i32
      %dma_start3A_27 = arith.constant 0 : i32
      %dma_start3A_28 = tpu.memref_slice %arg6[%dma_start3A_26, %dma_start3A_27] : memref<1024x16xf32, #tpu.memory_space<vmem>> -> memref<128x16xf32, #tpu.memory_space<vmem>>
      %dma_start3A_29 = arith.constant 0 : i32
      %dma_start3A_30 = tpu.memref_slice %arg5[%add3A_25, %dma_start3A_29] : memref<80x128xi32, #tpu.memory_space<vmem>> -> memref<1x128xi32, #tpu.memory_space<vmem>>
      %dma_start3A_31 = tpu.memref_squeeze %dma_start3A_30 : memref<1x128xi32, #tpu.memory_space<vmem>> -> memref<128xi32, #tpu.memory_space<vmem>>
      %dma_start3A_32 = arith.constant 0 : i32
      %dma_start3A_33 = arith.constant 0 : i32
      %dma_start3A_34 = tpu.memref_slice %arg2[%dma_start3A_32, %dma_start3A_33] : memref<20000x16xf32, #tpu.memory_space<hbm>> -> memref<20000x16xf32, #tpu.memory_space<hbm>>
      tpu.enqueue_indirect_dma source(%dma_start3A_34 : memref<20000x16xf32, #tpu.memory_space<hbm>>) target(%dma_start3A_28 : memref<128x16xf32, #tpu.memory_space<vmem>>) offsets(%dma_start3A_31 : memref<128xi32, #tpu.memory_space<vmem>>) semaphore(%arg7 : memref<!tpu.dma_semaphore, #tpu.memory_space<semaphore_mem>>)
      %mul3A_35 = arith.constant 8 : i32
      %mul3A_36 = arith.muli %add3A_9, %mul3A_35 : i32
      %add3A_37 = arith.constant 2 : i32
      %add3A_38 = arith.addi %mul3A_36, %add3A_37 : i32
      %dma_start3A_39 = arith.constant 256 : i32
      %dma_start3A_40 = arith.constant 0 : i32
      %dma_start3A_41 = tpu.memref_slice %arg6[%dma_start3A_39, %dma_start3A_40] : memref<1024x16xf32, #tpu.memory_space<vmem>> -> memref<128x16xf32, #tpu.memory_space<vmem>>
      %dma_start3A_42 = arith.constant 0 : i32
      %dma_start3A_43 = tpu.memref_slice %arg5[%add3A_38, %dma_start3A_42] : memref<80x128xi32, #tpu.memory_space<vmem>> -> memref<1x128xi32, #tpu.memory_space<vmem>>
      %dma_start3A_44 = tpu.memref_squeeze %dma_start3A_43 : memref<1x128xi32, #tpu.memory_space<vmem>> -> memref<128xi32, #tpu.memory_space<vmem>>
      %dma_start3A_45 = arith.constant 0 : i32
      %dma_start3A_46 = arith.constant 0 : i32
      %dma_start3A_47 = tpu.memref_slice %arg2[%dma_start3A_45, %dma_start3A_46] : memref<20000x16xf32, #tpu.memory_space<hbm>> -> memref<20000x16xf32, #tpu.memory_space<hbm>>
      tpu.enqueue_indirect_dma source(%dma_start3A_47 : memref<20000x16xf32, #tpu.memory_space<hbm>>) target(%dma_start3A_41 : memref<128x16xf32, #tpu.memory_space<vmem>>) offsets(%dma_start3A_44 : memref<128xi32, #tpu.memory_space<vmem>>) semaphore(%arg7 : memref<!tpu.dma_semaphore, #tpu.memory_space<semaphore_mem>>)
      %mul3A_48 = arith.constant 8 : i32
      %mul3A_49 = arith.muli %add3A_9, %mul3A_48 : i32
      %add3A_50 = arith.constant 3 : i32
      %add3A_51 = arith.addi %mul3A_49, %add3A_50 : i32
      %dma_start3A_52 = arith.constant 384 : i32
      %dma_start3A_53 = arith.constant 0 : i32
      %dma_start3A_54 = tpu.memref_slice %arg6[%dma_start3A_52, %dma_start3A_53] : memref<1024x16xf32, #tpu.memory_space<vmem>> -> memref<128x16xf32, #tpu.memory_space<vmem>>
      %dma_start3A_55 = arith.constant 0 : i32
      %dma_start3A_56 = tpu.memref_slice %arg5[%add3A_51, %dma_start3A_55] : memref<80x128xi32, #tpu.memory_space<vmem>> -> memref<1x128xi32, #tpu.memory_space<vmem>>
      %dma_start3A_57 = tpu.memref_squeeze %dma_start3A_56 : memref<1x128xi32, #tpu.memory_space<vmem>> -> memref<128xi32, #tpu.memory_space<vmem>>
      %dma_start3A_58 = arith.constant 0 : i32
      %dma_start3A_59 = arith.constant 0 : i32
      %dma_start3A_60 = tpu.memref_slice %arg2[%dma_start3A_58, %dma_start3A_59] : memref<20000x16xf32, #tpu.memory_space<hbm>> -> memref<20000x16xf32, #tpu.memory_space<hbm>>
      tpu.enqueue_indirect_dma source(%dma_start3A_60 : memref<20000x16xf32, #tpu.memory_space<hbm>>) target(%dma_start3A_54 : memref<128x16xf32, #tpu.memory_space<vmem>>) offsets(%dma_start3A_57 : memref<128xi32, #tpu.memory_space<vmem>>) semaphore(%arg7 : memref<!tpu.dma_semaphore, #tpu.memory_space<semaphore_mem>>)
      %mul3A_61 = arith.constant 8 : i32
      %mul3A_62 = arith.muli %add3A_9, %mul3A_61 : i32
      %add3A_63 = arith.constant 4 : i32
      %add3A_64 = arith.addi %mul3A_62, %add3A_63 : i32
      %dma_start3A_65 = arith.constant 512 : i32
      %dma_start3A_66 = arith.constant 0 : i32
      %dma_start3A_67 = tpu.memref_slice %arg6[%dma_start3A_65, %dma_start3A_66] : memref<1024x16xf32, #tpu.memory_space<vmem>> -> memref<128x16xf32, #tpu.memory_space<vmem>>
      %dma_start3A_68 = arith.constant 0 : i32
      %dma_start3A_69 = tpu.memref_slice %arg5[%add3A_64, %dma_start3A_68] : memref<80x128xi32, #tpu.memory_space<vmem>> -> memref<1x128xi32, #tpu.memory_space<vmem>>
      %dma_start3A_70 = tpu.memref_squeeze %dma_start3A_69 : memref<1x128xi32, #tpu.memory_space<vmem>> -> memref<128xi32, #tpu.memory_space<vmem>>
      %dma_start3A_71 = arith.constant 0 : i32
      %dma_start3A_72 = arith.constant 0 : i32
      %dma_start3A_73 = tpu.memref_slice %arg2[%dma_start3A_71, %dma_start3A_72] : memref<20000x16xf32, #tpu.memory_space<hbm>> -> memref<20000x16xf32, #tpu.memory_space<hbm>>
      tpu.enqueue_indirect_dma source(%dma_start3A_73 : memref<20000x16xf32, #tpu.memory_space<hbm>>) target(%dma_start3A_67 : memref<128x16xf32, #tpu.memory_space<vmem>>) offsets(%dma_start3A_70 : memref<128xi32, #tpu.memory_space<vmem>>) semaphore(%arg7 : memref<!tpu.dma_semaphore, #tpu.memory_space<semaphore_mem>>)
      %mul3A_74 = arith.constant 8 : i32
      %mul3A_75 = arith.muli %add3A_9, %mul3A_74 : i32
      %add3A_76 = arith.constant 5 : i32
      %add3A_77 = arith.addi %mul3A_75, %add3A_76 : i32
      %dma_start3A_78 = arith.constant 640 : i32
      %dma_start3A_79 = arith.constant 0 : i32
      %dma_start3A_80 = tpu.memref_slice %arg6[%dma_start3A_78, %dma_start3A_79] : memref<1024x16xf32, #tpu.memory_space<vmem>> -> memref<128x16xf32, #tpu.memory_space<vmem>>
      %dma_start3A_81 = arith.constant 0 : i32
      %dma_start3A_82 = tpu.memref_slice %arg5[%add3A_77, %dma_start3A_81] : memref<80x128xi32, #tpu.memory_space<vmem>> -> memref<1x128xi32, #tpu.memory_space<vmem>>
      %dma_start3A_83 = tpu.memref_squeeze %dma_start3A_82 : memref<1x128xi32, #tpu.memory_space<vmem>> -> memref<128xi32, #tpu.memory_space<vmem>>
      %dma_start3A_84 = arith.constant 0 : i32
      %dma_start3A_85 = arith.constant 0 : i32
      %dma_start3A_86 = tpu.memref_slice %arg2[%dma_start3A_84, %dma_start3A_85] : memref<20000x16xf32, #tpu.memory_space<hbm>> -> memref<20000x16xf32, #tpu.memory_space<hbm>>
      tpu.enqueue_indirect_dma source(%dma_start3A_86 : memref<20000x16xf32, #tpu.memory_space<hbm>>) target(%dma_start3A_80 : memref<128x16xf32, #tpu.memory_space<vmem>>) offsets(%dma_start3A_83 : memref<128xi32, #tpu.memory_space<vmem>>) semaphore(%arg7 : memref<!tpu.dma_semaphore, #tpu.memory_space<semaphore_mem>>)
      %mul3A_87 = arith.constant 8 : i32
      %mul3A_88 = arith.muli %add3A_9, %mul3A_87 : i32
      %add3A_89 = arith.constant 6 : i32
      %add3A_90 = arith.addi %mul3A_88, %add3A_89 : i32
      %dma_start3A_91 = arith.constant 768 : i32
      %dma_start3A_92 = arith.constant 0 : i32
      %dma_start3A_93 = tpu.memref_slice %arg6[%dma_start3A_91, %dma_start3A_92] : memref<1024x16xf32, #tpu.memory_space<vmem>> -> memref<128x16xf32, #tpu.memory_space<vmem>>
      %dma_start3A_94 = arith.constant 0 : i32
      %dma_start3A_95 = tpu.memref_slice %arg5[%add3A_90, %dma_start3A_94] : memref<80x128xi32, #tpu.memory_space<vmem>> -> memref<1x128xi32, #tpu.memory_space<vmem>>
      %dma_start3A_96 = tpu.memref_squeeze %dma_start3A_95 : memref<1x128xi32, #tpu.memory_space<vmem>> -> memref<128xi32, #tpu.memory_space<vmem>>
      %dma_start3A_97 = arith.constant 0 : i32
      %dma_start3A_98 = arith.constant 0 : i32
      %dma_start3A_99 = tpu.memref_slice %arg2[%dma_start3A_97, %dma_start3A_98] : memref<20000x16xf32, #tpu.memory_space<hbm>> -> memref<20000x16xf32, #tpu.memory_space<hbm>>
      tpu.enqueue_indirect_dma source(%dma_start3A_99 : memref<20000x16xf32, #tpu.memory_space<hbm>>) target(%dma_start3A_93 : memref<128x16xf32, #tpu.memory_space<vmem>>) offsets(%dma_start3A_96 : memref<128xi32, #tpu.memory_space<vmem>>) semaphore(%arg7 : memref<!tpu.dma_semaphore, #tpu.memory_space<semaphore_mem>>)
      %mul3A_100 = arith.constant 8 : i32
      %mul3A_101 = arith.muli %add3A_9, %mul3A_100 : i32
      %add3A_102 = arith.constant 7 : i32
      %add3A_103 = arith.addi %mul3A_101, %add3A_102 : i32
      %dma_start3A_104 = arith.constant 896 : i32
      %dma_start3A_105 = arith.constant 0 : i32
      %dma_start3A_106 = tpu.memref_slice %arg6[%dma_start3A_104, %dma_start3A_105] : memref<1024x16xf32, #tpu.memory_space<vmem>> -> memref<128x16xf32, #tpu.memory_space<vmem>>
      %dma_start3A_107 = arith.constant 0 : i32
      %dma_start3A_108 = tpu.memref_slice %arg5[%add3A_103, %dma_start3A_107] : memref<80x128xi32, #tpu.memory_space<vmem>> -> memref<1x128xi32, #tpu.memory_space<vmem>>
      %dma_start3A_109 = tpu.memref_squeeze %dma_start3A_108 : memref<1x128xi32, #tpu.memory_space<vmem>> -> memref<128xi32, #tpu.memory_space<vmem>>
      %dma_start3A_110 = arith.constant 0 : i32
      %dma_start3A_111 = arith.constant 0 : i32
      %dma_start3A_112 = tpu.memref_slice %arg2[%dma_start3A_110, %dma_start3A_111] : memref<20000x16xf32, #tpu.memory_space<hbm>> -> memref<20000x16xf32, #tpu.memory_space<hbm>>
      tpu.enqueue_indirect_dma source(%dma_start3A_112 : memref<20000x16xf32, #tpu.memory_space<hbm>>) target(%dma_start3A_106 : memref<128x16xf32, #tpu.memory_space<vmem>>) offsets(%dma_start3A_109 : memref<128xi32, #tpu.memory_space<vmem>>) semaphore(%arg7 : memref<!tpu.dma_semaphore, #tpu.memory_space<semaphore_mem>>)
      %dma_wait3A = arith.constant 0 : i32
      %dma_wait3A_113 = arith.constant 0 : i32
      %dma_wait3A_114 = tpu.memref_slice %arg6[%dma_wait3A, %dma_wait3A_113] : memref<1024x16xf32, #tpu.memory_space<vmem>> -> memref<128x16xf32, #tpu.memory_space<vmem>>
      %dma_wait3A_115 = arith.constant 0 : i32
      %dma_wait3A_116 = tpu.memref_slice %arg5[%add3A_13, %dma_wait3A_115] : memref<80x128xi32, #tpu.memory_space<vmem>> -> memref<1x128xi32, #tpu.memory_space<vmem>>
      %dma_wait3A_117 = tpu.memref_squeeze %dma_wait3A_116 : memref<1x128xi32, #tpu.memory_space<vmem>> -> memref<128xi32, #tpu.memory_space<vmem>>
      %dma_wait3A_118 = arith.constant 0 : i32
      %dma_wait3A_119 = arith.constant 0 : i32
      %dma_wait3A_120 = tpu.memref_slice %arg2[%dma_wait3A_118, %dma_wait3A_119] : memref<20000x16xf32, #tpu.memory_space<hbm>> -> memref<20000x16xf32, #tpu.memory_space<hbm>>
      tpu.wait_indirect_dma semaphore(%arg7 : memref<!tpu.dma_semaphore, #tpu.memory_space<semaphore_mem>>) src(%dma_wait3A_120 : memref<20000x16xf32, #tpu.memory_space<hbm>>) dst(%dma_wait3A_114 : memref<128x16xf32, #tpu.memory_space<vmem>>)
      %dma_wait3A_121 = arith.constant 128 : i32
      %dma_wait3A_122 = arith.constant 0 : i32
      %dma_wait3A_123 = tpu.memref_slice %arg6[%dma_wait3A_121, %dma_wait3A_122] : memref<1024x16xf32, #tpu.memory_space<vmem>> -> memref<128x16xf32, #tpu.memory_space<vmem>>
      %dma_wait3A_124 = arith.constant 0 : i32
      %dma_wait3A_125 = tpu.memref_slice %arg5[%add3A_25, %dma_wait3A_124] : memref<80x128xi32, #tpu.memory_space<vmem>> -> memref<1x128xi32, #tpu.memory_space<vmem>>
      %dma_wait3A_126 = tpu.memref_squeeze %dma_wait3A_125 : memref<1x128xi32, #tpu.memory_space<vmem>> -> memref<128xi32, #tpu.memory_space<vmem>>
      %dma_wait3A_127 = arith.constant 0 : i32
      %dma_wait3A_128 = arith.constant 0 : i32
      %dma_wait3A_129 = tpu.memref_slice %arg2[%dma_wait3A_127, %dma_wait3A_128] : memref<20000x16xf32, #tpu.memory_space<hbm>> -> memref<20000x16xf32, #tpu.memory_space<hbm>>
      tpu.wait_indirect_dma semaphore(%arg7 : memref<!tpu.dma_semaphore, #tpu.memory_space<semaphore_mem>>) src(%dma_wait3A_129 : memref<20000x16xf32, #tpu.memory_space<hbm>>) dst(%dma_wait3A_123 : memref<128x16xf32, #tpu.memory_space<vmem>>)
      %dma_wait3A_130 = arith.constant 256 : i32
      %dma_wait3A_131 = arith.constant 0 : i32
      %dma_wait3A_132 = tpu.memref_slice %arg6[%dma_wait3A_130, %dma_wait3A_131] : memref<1024x16xf32, #tpu.memory_space<vmem>> -> memref<128x16xf32, #tpu.memory_space<vmem>>
      %dma_wait3A_133 = arith.constant 0 : i32
      %dma_wait3A_134 = tpu.memref_slice %arg5[%add3A_38, %dma_wait3A_133] : memref<80x128xi32, #tpu.memory_space<vmem>> -> memref<1x128xi32, #tpu.memory_space<vmem>>
      %dma_wait3A_135 = tpu.memref_squeeze %dma_wait3A_134 : memref<1x128xi32, #tpu.memory_space<vmem>> -> memref<128xi32, #tpu.memory_space<vmem>>
      %dma_wait3A_136 = arith.constant 0 : i32
      %dma_wait3A_137 = arith.constant 0 : i32
      %dma_wait3A_138 = tpu.memref_slice %arg2[%dma_wait3A_136, %dma_wait3A_137] : memref<20000x16xf32, #tpu.memory_space<hbm>> -> memref<20000x16xf32, #tpu.memory_space<hbm>>
      tpu.wait_indirect_dma semaphore(%arg7 : memref<!tpu.dma_semaphore, #tpu.memory_space<semaphore_mem>>) src(%dma_wait3A_138 : memref<20000x16xf32, #tpu.memory_space<hbm>>) dst(%dma_wait3A_132 : memref<128x16xf32, #tpu.memory_space<vmem>>)
      %dma_wait3A_139 = arith.constant 384 : i32
      %dma_wait3A_140 = arith.constant 0 : i32
      %dma_wait3A_141 = tpu.memref_slice %arg6[%dma_wait3A_139, %dma_wait3A_140] : memref<1024x16xf32, #tpu.memory_space<vmem>> -> memref<128x16xf32, #tpu.memory_space<vmem>>
      %dma_wait3A_142 = arith.constant 0 : i32
      %dma_wait3A_143 = tpu.memref_slice %arg5[%add3A_51, %dma_wait3A_142] : memref<80x128xi32, #tpu.memory_space<vmem>> -> memref<1x128xi32, #tpu.memory_space<vmem>>
      %dma_wait3A_144 = tpu.memref_squeeze %dma_wait3A_143 : memref<1x128xi32, #tpu.memory_space<vmem>> -> memref<128xi32, #tpu.memory_space<vmem>>
      %dma_wait3A_145 = arith.constant 0 : i32
      %dma_wait3A_146 = arith.constant 0 : i32
      %dma_wait3A_147 = tpu.memref_slice %arg2[%dma_wait3A_145, %dma_wait3A_146] : memref<20000x16xf32, #tpu.memory_space<hbm>> -> memref<20000x16xf32, #tpu.memory_space<hbm>>
      tpu.wait_indirect_dma semaphore(%arg7 : memref<!tpu.dma_semaphore, #tpu.memory_space<semaphore_mem>>) src(%dma_wait3A_147 : memref<20000x16xf32, #tpu.memory_space<hbm>>) dst(%dma_wait3A_141 : memref<128x16xf32, #tpu.memory_space<vmem>>)
      %dma_wait3A_148 = arith.constant 512 : i32
      %dma_wait3A_149 = arith.constant 0 : i32
      %dma_wait3A_150 = tpu.memref_slice %arg6[%dma_wait3A_148, %dma_wait3A_149] : memref<1024x16xf32, #tpu.memory_space<vmem>> -> memref<128x16xf32, #tpu.memory_space<vmem>>
      %dma_wait3A_151 = arith.constant 0 : i32
      %dma_wait3A_152 = tpu.memref_slice %arg5[%add3A_64, %dma_wait3A_151] : memref<80x128xi32, #tpu.memory_space<vmem>> -> memref<1x128xi32, #tpu.memory_space<vmem>>
      %dma_wait3A_153 = tpu.memref_squeeze %dma_wait3A_152 : memref<1x128xi32, #tpu.memory_space<vmem>> -> memref<128xi32, #tpu.memory_space<vmem>>
      %dma_wait3A_154 = arith.constant 0 : i32
      %dma_wait3A_155 = arith.constant 0 : i32
      %dma_wait3A_156 = tpu.memref_slice %arg2[%dma_wait3A_154, %dma_wait3A_155] : memref<20000x16xf32, #tpu.memory_space<hbm>> -> memref<20000x16xf32, #tpu.memory_space<hbm>>
      tpu.wait_indirect_dma semaphore(%arg7 : memref<!tpu.dma_semaphore, #tpu.memory_space<semaphore_mem>>) src(%dma_wait3A_156 : memref<20000x16xf32, #tpu.memory_space<hbm>>) dst(%dma_wait3A_150 : memref<128x16xf32, #tpu.memory_space<vmem>>)
      %dma_wait3A_157 = arith.constant 640 : i32
      %dma_wait3A_158 = arith.constant 0 : i32
      %dma_wait3A_159 = tpu.memref_slice %arg6[%dma_wait3A_157, %dma_wait3A_158] : memref<1024x16xf32, #tpu.memory_space<vmem>> -> memref<128x16xf32, #tpu.memory_space<vmem>>
      %dma_wait3A_160 = arith.constant 0 : i32
      %dma_wait3A_161 = tpu.memref_slice %arg5[%add3A_77, %dma_wait3A_160] : memref<80x128xi32, #tpu.memory_space<vmem>> -> memref<1x128xi32, #tpu.memory_space<vmem>>
      %dma_wait3A_162 = tpu.memref_squeeze %dma_wait3A_161 : memref<1x128xi32, #tpu.memory_space<vmem>> -> memref<128xi32, #tpu.memory_space<vmem>>
      %dma_wait3A_163 = arith.constant 0 : i32
      %dma_wait3A_164 = arith.constant 0 : i32
      %dma_wait3A_165 = tpu.memref_slice %arg2[%dma_wait3A_163, %dma_wait3A_164] : memref<20000x16xf32, #tpu.memory_space<hbm>> -> memref<20000x16xf32, #tpu.memory_space<hbm>>
      tpu.wait_indirect_dma semaphore(%arg7 : memref<!tpu.dma_semaphore, #tpu.memory_space<semaphore_mem>>) src(%dma_wait3A_165 : memref<20000x16xf32, #tpu.memory_space<hbm>>) dst(%dma_wait3A_159 : memref<128x16xf32, #tpu.memory_space<vmem>>)
      %dma_wait3A_166 = arith.constant 768 : i32
      %dma_wait3A_167 = arith.constant 0 : i32
      %dma_wait3A_168 = tpu.memref_slice %arg6[%dma_wait3A_166, %dma_wait3A_167] : memref<1024x16xf32, #tpu.memory_space<vmem>> -> memref<128x16xf32, #tpu.memory_space<vmem>>
      %dma_wait3A_169 = arith.constant 0 : i32
      %dma_wait3A_170 = tpu.memref_slice %arg5[%add3A_90, %dma_wait3A_169] : memref<80x128xi32, #tpu.memory_space<vmem>> -> memref<1x128xi32, #tpu.memory_space<vmem>>
      %dma_wait3A_171 = tpu.memref_squeeze %dma_wait3A_170 : memref<1x128xi32, #tpu.memory_space<vmem>> -> memref<128xi32, #tpu.memory_space<vmem>>
      %dma_wait3A_172 = arith.constant 0 : i32
      %dma_wait3A_173 = arith.constant 0 : i32
      %dma_wait3A_174 = tpu.memref_slice %arg2[%dma_wait3A_172, %dma_wait3A_173] : memref<20000x16xf32, #tpu.memory_space<hbm>> -> memref<20000x16xf32, #tpu.memory_space<hbm>>
      tpu.wait_indirect_dma semaphore(%arg7 : memref<!tpu.dma_semaphore, #tpu.memory_space<semaphore_mem>>) src(%dma_wait3A_174 : memref<20000x16xf32, #tpu.memory_space<hbm>>) dst(%dma_wait3A_168 : memref<128x16xf32, #tpu.memory_space<vmem>>)
      %dma_wait3A_175 = arith.constant 896 : i32
      %dma_wait3A_176 = arith.constant 0 : i32
      %dma_wait3A_177 = tpu.memref_slice %arg6[%dma_wait3A_175, %dma_wait3A_176] : memref<1024x16xf32, #tpu.memory_space<vmem>> -> memref<128x16xf32, #tpu.memory_space<vmem>>
      %dma_wait3A_178 = arith.constant 0 : i32
      %dma_wait3A_179 = tpu.memref_slice %arg5[%add3A_103, %dma_wait3A_178] : memref<80x128xi32, #tpu.memory_space<vmem>> -> memref<1x128xi32, #tpu.memory_space<vmem>>
      %dma_wait3A_180 = tpu.memref_squeeze %dma_wait3A_179 : memref<1x128xi32, #tpu.memory_space<vmem>> -> memref<128xi32, #tpu.memory_space<vmem>>
      %dma_wait3A_181 = arith.constant 0 : i32
      %dma_wait3A_182 = arith.constant 0 : i32
      %dma_wait3A_183 = tpu.memref_slice %arg2[%dma_wait3A_181, %dma_wait3A_182] : memref<20000x16xf32, #tpu.memory_space<hbm>> -> memref<20000x16xf32, #tpu.memory_space<hbm>>
      tpu.wait_indirect_dma semaphore(%arg7 : memref<!tpu.dma_semaphore, #tpu.memory_space<semaphore_mem>>) src(%dma_wait3A_183 : memref<20000x16xf32, #tpu.memory_space<hbm>>) dst(%dma_wait3A_177 : memref<128x16xf32, #tpu.memory_space<vmem>>)
      %mul3A_184 = arith.constant 10240 : i32
      %mul3A_185 = arith.muli %add3A, %mul3A_184 : i32
      %mul3A_186 = arith.constant 1024 : i32
      %mul3A_187 = arith.muli %add3A_9, %mul3A_186 : i32
      %add3A_188 = arith.addi %mul3A_185, %mul3A_187 : i32
      "tpu.region"() ({
        %run_scoped3A = tpu.sem_alloc : memref<!tpu.dma_semaphore, #tpu.memory_space<semaphore_mem>>
        %dma_start3A_189 = arith.constant 0 : i32
        %dma_start3A_190 = tpu.memref_slice %arg4[%add3A_188, %dma_start3A_189] : memref<327680x16xf32, #tpu.memory_space<hbm>> -> memref<1024x16xf32, #tpu.memory_space<hbm>>
        %dma_start3A_191 = arith.constant 0 : i32
        %dma_start3A_192 = tpu.memref_slice %arg4[%add3A_188, %dma_start3A_191] : memref<327680x16xf32, #tpu.memory_space<hbm>> -> memref<1024x16xf32, #tpu.memory_space<hbm>>
        tpu.enqueue_dma source(%arg6 : memref<1024x16xf32, #tpu.memory_space<vmem>>) target(%dma_start3A_192 : memref<1024x16xf32, #tpu.memory_space<hbm>>) target_semaphore(%run_scoped3A : memref<!tpu.dma_semaphore, #tpu.memory_space<semaphore_mem>>)
        %dma_wait3A_193 = arith.constant 0 : i32
        %dma_wait3A_194 = tpu.memref_slice %arg4[%add3A_188, %dma_wait3A_193] : memref<327680x16xf32, #tpu.memory_space<hbm>> -> memref<1024x16xf32, #tpu.memory_space<hbm>>
        %dma_wait3A_195 = arith.constant 0 : i32
        %dma_wait3A_196 = tpu.memref_slice %arg4[%add3A_188, %dma_wait3A_195] : memref<327680x16xf32, #tpu.memory_space<hbm>> -> memref<1024x16xf32, #tpu.memory_space<hbm>>
        tpu.wait_dma2 semaphore(%run_scoped3A : memref<!tpu.dma_semaphore, #tpu.memory_space<semaphore_mem>>) src(%arg6 : memref<1024x16xf32, #tpu.memory_space<vmem>>) dst(%dma_wait3A_196 : memref<1024x16xf32, #tpu.memory_space<hbm>>)
        tpu.yield
      }) : () -> ()
    }
    %scan3A_4 = arith.constant 10 : i32
    return
  }
}

#map = affine_map<(d0, d1) -> (0)>
#map1 = affine_map<(d0, d1) -> (0, 0, 0)>
module attributes {stable_mosaic.version = 14 : i64} {
  func.func @sk(%arg0: i32, %arg1: i32, %arg2: memref<327680xf32, #tpu.memory_space<hbm>>, %arg3: memref<327680xi32, #tpu.memory_space<hbm>>, %arg4: memref<32x2x40960xf32, #tpu.memory_space<hbm>>, %arg5: memref<2560xi32, #tpu.memory_space<vmem>>, %arg6: memref<2560xf32, #tpu.memory_space<vmem>>, %arg7: memref<40960xf32, #tpu.memory_space<vmem>>, %arg8: memref<40960xf32, #tpu.memory_space<vmem>>) attributes {dimension_semantics = [#tpu.dimension_semantics<core_parallel>, #tpu.dimension_semantics<subcore_parallel>], iteration_bounds = array<i64: 2, 16>, scalar_prefetch = 0 : i64, scratch_operands = 4 : i64, tpu.core_type = #tpu.core_type<sc_vector_subcore>, window_params = [{transform_indices = #map}, {transform_indices = #map}, {transform_indices = #map1}]} {
    %mul3A = arith.constant 2 : i32
    %mul3A_0 = arith.muli %arg1, %mul3A : i32
    %add3A = arith.addi %mul3A_0, %arg0 : i32
    %broadcast_in_dim3A = arith.constant 0.000000e+00 : f32
    %broadcast_in_dim3A_1 = vector.broadcast %broadcast_in_dim3A : f32 to vector<16xf32>
    %broadcast_in_dim3A_2 = arith.constant 1.000000e+00 : f32
    %broadcast_in_dim3A_3 = vector.broadcast %broadcast_in_dim3A_2 : f32 to vector<16xf32>
    %scan3A = arith.constant 0 : i32
    %scan3A_4 = arith.constant 2560 : i32
    %scan3A_5 = arith.addi %scan3A, %scan3A_4 : i32
    %scan3A_6 = arith.constant 1 : i32
    scf.for %scan3A_14 = %scan3A to %scan3A_5 step %scan3A_6  : i32 {
      %mul3A_15 = arith.constant 16 : i32
      %mul3A_16 = arith.muli %scan3A_14, %mul3A_15 : i32
      %add3A_17 = arith.constant 0 : i32
      %add3A_18 = arith.addi %add3A_17, %mul3A_16 : i32
      %swap3A = arith.index_cast %add3A_18 : i32 to index
      %swap3A_19 = tpu.vector_load %arg7[%swap3A] {strides = array<i32>} : memref<40960xf32, #tpu.memory_space<vmem>>, vector<16xf32>,
      tpu.vector_store %arg7[%swap3A], %broadcast_in_dim3A_1 {strides = array<i32>} : memref<40960xf32, #tpu.memory_space<vmem>>, vector<16xf32>,
      %swap3A_20 = arith.index_cast %add3A_18 : i32 to index
      %swap3A_21 = tpu.vector_load %arg8[%swap3A_20] {strides = array<i32>} : memref<40960xf32, #tpu.memory_space<vmem>>, vector<16xf32>,
      tpu.vector_store %arg8[%swap3A_20], %broadcast_in_dim3A_1 {strides = array<i32>} : memref<40960xf32, #tpu.memory_space<vmem>>, vector<16xf32>,
    }
    %scan3A_7 = arith.constant 2560 : i32
    %scan3A_8 = arith.constant 0 : i32
    %scan3A_9 = arith.constant 4 : i32
    %scan3A_10 = arith.addi %scan3A_8, %scan3A_9 : i32
    %scan3A_11 = arith.constant 1 : i32
    scf.for %scan3A_14 = %scan3A_8 to %scan3A_10 step %scan3A_11  : i32 {
      %mul3A_15 = arith.constant 1 : i32
      %mul3A_16 = arith.muli %scan3A_14, %mul3A_15 : i32
      %add3A_17 = arith.constant 0 : i32
      %add3A_18 = arith.addi %add3A_17, %mul3A_16 : i32
      %mul3A_19 = arith.constant 10240 : i32
      %mul3A_20 = arith.muli %add3A, %mul3A_19 : i32
      %mul3A_21 = arith.constant 2560 : i32
      %mul3A_22 = arith.muli %add3A_18, %mul3A_21 : i32
      %add3A_23 = arith.addi %mul3A_20, %mul3A_22 : i32
      "tpu.region"() ({
        %run_scoped3A_29 = tpu.sem_alloc : memref<!tpu.dma_semaphore, #tpu.memory_space<semaphore_mem>>
        %dma_start3A = tpu.memref_slice %arg3[%add3A_23] : memref<327680xi32, #tpu.memory_space<hbm>> -> memref<2560xi32, #tpu.memory_space<hbm>>
        %dma_start3A_30 = tpu.memref_slice %arg3[%add3A_23] : memref<327680xi32, #tpu.memory_space<hbm>> -> memref<2560xi32, #tpu.memory_space<hbm>>
        tpu.enqueue_dma source(%dma_start3A_30 : memref<2560xi32, #tpu.memory_space<hbm>>) target(%arg5 : memref<2560xi32, #tpu.memory_space<vmem>>) target_semaphore(%run_scoped3A_29 : memref<!tpu.dma_semaphore, #tpu.memory_space<semaphore_mem>>)
        %dma_wait3A = tpu.memref_slice %arg3[%add3A_23] : memref<327680xi32, #tpu.memory_space<hbm>> -> memref<2560xi32, #tpu.memory_space<hbm>>
        %dma_wait3A_31 = tpu.memref_slice %arg3[%add3A_23] : memref<327680xi32, #tpu.memory_space<hbm>> -> memref<2560xi32, #tpu.memory_space<hbm>>
        tpu.wait_dma2 semaphore(%run_scoped3A_29 : memref<!tpu.dma_semaphore, #tpu.memory_space<semaphore_mem>>) src(%dma_wait3A_31 : memref<2560xi32, #tpu.memory_space<hbm>>) dst(%arg5 : memref<2560xi32, #tpu.memory_space<vmem>>)
        tpu.yield
      }) : () -> ()
      "tpu.region"() ({
        %run_scoped3A_29 = tpu.sem_alloc : memref<!tpu.dma_semaphore, #tpu.memory_space<semaphore_mem>>
        %dma_start3A = tpu.memref_slice %arg2[%add3A_23] : memref<327680xf32, #tpu.memory_space<hbm>> -> memref<2560xf32, #tpu.memory_space<hbm>>
        %dma_start3A_30 = tpu.memref_slice %arg2[%add3A_23] : memref<327680xf32, #tpu.memory_space<hbm>> -> memref<2560xf32, #tpu.memory_space<hbm>>
        tpu.enqueue_dma source(%dma_start3A_30 : memref<2560xf32, #tpu.memory_space<hbm>>) target(%arg6 : memref<2560xf32, #tpu.memory_space<vmem>>) target_semaphore(%run_scoped3A_29 : memref<!tpu.dma_semaphore, #tpu.memory_space<semaphore_mem>>)
        %dma_wait3A = tpu.memref_slice %arg2[%add3A_23] : memref<327680xf32, #tpu.memory_space<hbm>> -> memref<2560xf32, #tpu.memory_space<hbm>>
        %dma_wait3A_31 = tpu.memref_slice %arg2[%add3A_23] : memref<327680xf32, #tpu.memory_space<hbm>> -> memref<2560xf32, #tpu.memory_space<hbm>>
        tpu.wait_dma2 semaphore(%run_scoped3A_29 : memref<!tpu.dma_semaphore, #tpu.memory_space<semaphore_mem>>) src(%dma_wait3A_31 : memref<2560xf32, #tpu.memory_space<hbm>>) dst(%arg6 : memref<2560xf32, #tpu.memory_space<vmem>>)
        tpu.yield
      }) : () -> ()
      %scan3A_24 = arith.constant 0 : i32
      %scan3A_25 = arith.constant 160 : i32
      %scan3A_26 = arith.addi %scan3A_24, %scan3A_25 : i32
      %scan3A_27 = arith.constant 1 : i32
      scf.for %scan3A_29 = %scan3A_24 to %scan3A_26 step %scan3A_27  : i32 {
        %mul3A_30 = arith.constant 16 : i32
        %mul3A_31 = arith.muli %scan3A_29, %mul3A_30 : i32
        %add3A_32 = arith.constant 0 : i32
        %add3A_33 = arith.addi %add3A_32, %mul3A_31 : i32
        %get3A = arith.index_cast %add3A_33 : i32 to index
        %get3A_34 = tpu.vector_load %arg5[%get3A] {strides = array<i32>} : memref<2560xi32, #tpu.memory_space<vmem>>, vector<16xi32>,
        %get3A_35 = arith.index_cast %add3A_33 : i32 to index
        %get3A_36 = tpu.vector_load %arg6[%get3A_35] {strides = array<i32>} : memref<2560xf32, #tpu.memory_space<vmem>>, vector<16xf32>,
        tpu.vector_store_idx %arg7[%get3A_34], %get3A_36 {add = true} : memref<40960xf32, #tpu.memory_space<vmem>>[vector<16xi32>], vector<16xf32>,
        tpu.vector_store_idx %arg8[%get3A_34], %broadcast_in_dim3A_3 {add = true} : memref<40960xf32, #tpu.memory_space<vmem>>[vector<16xi32>], vector<16xf32>,
      }
      %scan3A_28 = arith.constant 160 : i32
    }
    %scan3A_12 = arith.constant 4 : i32
    %run_scoped3A = arith.constant 0 : i32
    "tpu.region"() ({
      %run_scoped3A_14 = tpu.sem_alloc : memref<!tpu.dma_semaphore, #tpu.memory_space<semaphore_mem>>
      %dma_start3A = arith.constant 0 : i32
      %dma_start3A_15 = tpu.memref_slice %arg4[%add3A, %run_scoped3A, %dma_start3A] : memref<32x2x40960xf32, #tpu.memory_space<hbm>> -> memref<1x1x40960xf32, #tpu.memory_space<hbm>>
      %dma_start3A_16 = tpu.memref_squeeze %dma_start3A_15 : memref<1x1x40960xf32, #tpu.memory_space<hbm>> -> memref<40960xf32, #tpu.memory_space<hbm>>
      %dma_start3A_17 = arith.constant 0 : i32
      %dma_start3A_18 = tpu.memref_slice %arg4[%add3A, %run_scoped3A, %dma_start3A_17] : memref<32x2x40960xf32, #tpu.memory_space<hbm>> -> memref<1x1x40960xf32, #tpu.memory_space<hbm>>
      %dma_start3A_19 = tpu.memref_squeeze %dma_start3A_18 : memref<1x1x40960xf32, #tpu.memory_space<hbm>> -> memref<40960xf32, #tpu.memory_space<hbm>>
      tpu.enqueue_dma source(%arg7 : memref<40960xf32, #tpu.memory_space<vmem>>) target(%dma_start3A_19 : memref<40960xf32, #tpu.memory_space<hbm>>) target_semaphore(%run_scoped3A_14 : memref<!tpu.dma_semaphore, #tpu.memory_space<semaphore_mem>>)
      %dma_wait3A = arith.constant 0 : i32
      %dma_wait3A_20 = tpu.memref_slice %arg4[%add3A, %run_scoped3A, %dma_wait3A] : memref<32x2x40960xf32, #tpu.memory_space<hbm>> -> memref<1x1x40960xf32, #tpu.memory_space<hbm>>
      %dma_wait3A_21 = tpu.memref_squeeze %dma_wait3A_20 : memref<1x1x40960xf32, #tpu.memory_space<hbm>> -> memref<40960xf32, #tpu.memory_space<hbm>>
      %dma_wait3A_22 = arith.constant 0 : i32
      %dma_wait3A_23 = tpu.memref_slice %arg4[%add3A, %run_scoped3A, %dma_wait3A_22] : memref<32x2x40960xf32, #tpu.memory_space<hbm>> -> memref<1x1x40960xf32, #tpu.memory_space<hbm>>
      %dma_wait3A_24 = tpu.memref_squeeze %dma_wait3A_23 : memref<1x1x40960xf32, #tpu.memory_space<hbm>> -> memref<40960xf32, #tpu.memory_space<hbm>>
      tpu.wait_dma2 semaphore(%run_scoped3A_14 : memref<!tpu.dma_semaphore, #tpu.memory_space<semaphore_mem>>) src(%arg7 : memref<40960xf32, #tpu.memory_space<vmem>>) dst(%dma_wait3A_24 : memref<40960xf32, #tpu.memory_space<hbm>>)
      tpu.yield
    }) : () -> ()
    %run_scoped3A_13 = arith.constant 1 : i32
    "tpu.region"() ({
      %run_scoped3A_14 = tpu.sem_alloc : memref<!tpu.dma_semaphore, #tpu.memory_space<semaphore_mem>>
      %dma_start3A = arith.constant 0 : i32
      %dma_start3A_15 = tpu.memref_slice %arg4[%add3A, %run_scoped3A_13, %dma_start3A] : memref<32x2x40960xf32, #tpu.memory_space<hbm>> -> memref<1x1x40960xf32, #tpu.memory_space<hbm>>
      %dma_start3A_16 = tpu.memref_squeeze %dma_start3A_15 : memref<1x1x40960xf32, #tpu.memory_space<hbm>> -> memref<40960xf32, #tpu.memory_space<hbm>>
      %dma_start3A_17 = arith.constant 0 : i32
      %dma_start3A_18 = tpu.memref_slice %arg4[%add3A, %run_scoped3A_13, %dma_start3A_17] : memref<32x2x40960xf32, #tpu.memory_space<hbm>> -> memref<1x1x40960xf32, #tpu.memory_space<hbm>>
      %dma_start3A_19 = tpu.memref_squeeze %dma_start3A_18 : memref<1x1x40960xf32, #tpu.memory_space<hbm>> -> memref<40960xf32, #tpu.memory_space<hbm>>
      tpu.enqueue_dma source(%arg8 : memref<40960xf32, #tpu.memory_space<vmem>>) target(%dma_start3A_19 : memref<40960xf32, #tpu.memory_space<hbm>>) target_semaphore(%run_scoped3A_14 : memref<!tpu.dma_semaphore, #tpu.memory_space<semaphore_mem>>)
      %dma_wait3A = arith.constant 0 : i32
      %dma_wait3A_20 = tpu.memref_slice %arg4[%add3A, %run_scoped3A_13, %dma_wait3A] : memref<32x2x40960xf32, #tpu.memory_space<hbm>> -> memref<1x1x40960xf32, #tpu.memory_space<hbm>>
      %dma_wait3A_21 = tpu.memref_squeeze %dma_wait3A_20 : memref<1x1x40960xf32, #tpu.memory_space<hbm>> -> memref<40960xf32, #tpu.memory_space<hbm>>
      %dma_wait3A_22 = arith.constant 0 : i32
      %dma_wait3A_23 = tpu.memref_slice %arg4[%add3A, %run_scoped3A_13, %dma_wait3A_22] : memref<32x2x40960xf32, #tpu.memory_space<hbm>> -> memref<1x1x40960xf32, #tpu.memory_space<hbm>>
      %dma_wait3A_24 = tpu.memref_squeeze %dma_wait3A_23 : memref<1x1x40960xf32, #tpu.memory_space<hbm>> -> memref<40960xf32, #tpu.memory_space<hbm>>
      tpu.wait_dma2 semaphore(%run_scoped3A_14 : memref<!tpu.dma_semaphore, #tpu.memory_space<semaphore_mem>>) src(%arg8 : memref<40960xf32, #tpu.memory_space<vmem>>) dst(%dma_wait3A_24 : memref<40960xf32, #tpu.memory_space<hbm>>)
      tpu.yield
    }) : () -> ()
    return
  }
}

module attributes {stable_mosaic.version = 14 : i64} {
  func.func @body(%arg0: i32, %arg1: memref<8x10240xf32, #tpu.memory_space<vmem>>, %arg2: memref<10240x16xf32, #tpu.memory_space<vmem>>, %arg3: memref<128x8xf32, #tpu.memory_space<vmem>>, %arg4: memref<128x1xf32, #tpu.memory_space<vmem>>, %arg5: memref<256x128xf32, #tpu.memory_space<vmem>>, %arg6: memref<256x1xf32, #tpu.memory_space<vmem>>, %arg7: memref<1x1x10240xf32, #tpu.memory_space<vmem>>) attributes {dimension_semantics = [#tpu.dimension_semantics<arbitrary>], iteration_bounds = array<i64: 32>, scalar_prefetch = 0 : i64, scratch_operands = 0 : i64, tpu.core_type = #tpu.core_type<tc>, window_params = [{transform_indices = @transform_0, window_bounds = array<i64: 8, 10240>}, {transform_indices = @transform_1, window_bounds = array<i64: 10240, 16>}, {pipeline_mode = #tpu.pipeline_mode<synchronous>, transform_indices = @transform_2, window_bounds = array<i64: 128, 8>}, {pipeline_mode = #tpu.pipeline_mode<synchronous>, transform_indices = @transform_3, window_bounds = array<i64: 128, 1>}, {pipeline_mode = #tpu.pipeline_mode<synchronous>, transform_indices = @transform_4, window_bounds = array<i64: 256, 128>}, {pipeline_mode = #tpu.pipeline_mode<synchronous>, transform_indices = @transform_5, window_bounds = array<i64: 256, 1>}, {transform_indices = @transform_6, window_bounds = array<i64: 1, 1, 10240>}]} {
    %iota3A = tpu.iota {dimensions = array<i32: 1>} : vector<16x256xi32>
    %jit3A = arith.constant 16 : i32
    %div3A = vector.broadcast %jit3A : i32 to vector<16x256xi32>
    %div3A_0 = arith.divsi %iota3A, %div3A : vector<16x256xi32>
    %sign3A = arith.constant 0 : i32
    %sign3A_1 = vector.broadcast %sign3A : i32 to vector<16x256xi32>
    %sign3A_2 = arith.cmpi sgt, %iota3A, %sign3A_1 : vector<16x256xi32>
    %sign3A_3 = arith.extui %sign3A_2 : vector<16x256xi1> to vector<16x256xi32>
    %sign3A_4 = arith.constant 0 : i32
    %sign3A_5 = vector.broadcast %sign3A_4 : i32 to vector<16x256xi32>
    %sign3A_6 = arith.cmpi slt, %iota3A, %sign3A_5 : vector<16x256xi32>
    %sign3A_7 = arith.extui %sign3A_6 : vector<16x256xi1> to vector<16x256xi32>
    %sign3A_8 = arith.subi %sign3A_3, %sign3A_7 : vector<16x256xi32>
    %sign3A_9 = arith.constant 0 : i32
    %sign3A_10 = arith.cmpi sgt, %jit3A, %sign3A_9 : i32
    %sign3A_11 = arith.extui %sign3A_10 : i1 to i32
    %sign3A_12 = arith.constant 0 : i32
    %sign3A_13 = arith.cmpi slt, %jit3A, %sign3A_12 : i32
    %sign3A_14 = arith.extui %sign3A_13 : i1 to i32
    %sign3A_15 = arith.subi %sign3A_11, %sign3A_14 : i32
    %ne3A = vector.broadcast %sign3A_15 : i32 to vector<16x256xi32>
    %ne3A_16 = arith.cmpi ne, %sign3A_8, %ne3A : vector<16x256xi32>
    %rem3A = vector.broadcast %jit3A : i32 to vector<16x256xi32>
    %rem3A_17 = arith.remsi %iota3A, %rem3A : vector<16x256xi32>
    %ne3A_18 = arith.constant 0 : i32
    %ne3A_19 = vector.broadcast %ne3A_18 : i32 to vector<16x256xi32>
    %ne3A_20 = arith.cmpi ne, %rem3A_17, %ne3A_19 : vector<16x256xi32>
    %and3A = arith.andi %ne3A_16, %ne3A_20 : vector<16x256xi1>
    %sub3A = arith.constant 1 : i32
    %sub3A_21 = vector.broadcast %sub3A : i32 to vector<16x256xi32>
    %sub3A_22 = arith.subi %div3A_0, %sub3A_21 : vector<16x256xi32>
    %select_n3A = arith.select %and3A, %sub3A_22, %div3A_0 : vector<16x256xi1>, vector<16x256xi32>
    %iota3A_23 = tpu.iota {dimensions = array<i32: 0>} : vector<16x256xi32>
    %eq3A = arith.cmpi eq, %select_n3A, %iota3A_23 : vector<16x256xi32>
    %convert_element_type3A = arith.extui %eq3A : vector<16x256xi1> to vector<16x256xi32>
    %convert_element_type3A_24 = arith.sitofp %convert_element_type3A : vector<16x256xi32> to vector<16x256xf32>
    %get3A = arith.constant 0 : index
    %get3A_25 = arith.constant 0 : index
    %get3A_26 = vector.load %arg5[%get3A, %get3A_25] : memref<256x128xf32, #tpu.memory_space<vmem>>, vector<256x128xf32>
    %dot_general3A = arith.constant dense<0.000000e+00> : vector<16x128xf32>
    %dot_general3A_27 = tpu.matmul %convert_element_type3A_24, %get3A_26, %dot_general3A {dimension_numbers = #tpu.dot_dimension_numbers<[1], [0], [0], [1], [0, 0, 1, 1], [], []>, precision = #tpu.contract_precision<fp32>, transpose_lhs_hint = false} : vector<16x256xf32>, vector<256x128xf32>, vector<16x128xf32> -> vector<16x128xf32>
    %get3A_28 = arith.constant 0 : index
    %get3A_29 = arith.constant 0 : index
    %get3A_30 = vector.load %arg6[%get3A_28, %get3A_29] : memref<256x1xf32, #tpu.memory_space<vmem>>, vector<256x1xf32>
    %dot_general3A_31 = arith.constant dense<0.000000e+00> : vector<16x1xf32>
    %dot_general3A_32 = tpu.matmul %convert_element_type3A_24, %get3A_30, %dot_general3A_31 {dimension_numbers = #tpu.dot_dimension_numbers<[1], [0], [0], [1], [0, 0, 1, 1], [], []>, precision = #tpu.contract_precision<fp32>, transpose_lhs_hint = false} : vector<16x256xf32>, vector<256x1xf32>, vector<16x1xf32> -> vector<16x1xf32>
    %get3A_33 = arith.constant 0 : index
    %get3A_34 = arith.constant 0 : index
    %get3A_35 = vector.load %arg3[%get3A_33, %get3A_34] : memref<128x8xf32, #tpu.memory_space<vmem>>, vector<128x8xf32>
    %get3A_36 = arith.constant 0 : index
    %get3A_37 = arith.constant 0 : index
    %get3A_38 = vector.load %arg1[%get3A_36, %get3A_37] : memref<8x10240xf32, #tpu.memory_space<vmem>>, vector<8x10240xf32>
    %convert_element_type3A_39 = arith.truncf %get3A_35 : vector<128x8xf32> to vector<128x8xbf16>
    %convert_element_type3A_40 = arith.extf %convert_element_type3A_39 : vector<128x8xbf16> to vector<128x8xf32>
    %sub3A_41 = arith.subf %get3A_35, %convert_element_type3A_40 : vector<128x8xf32>
    %convert_element_type3A_42 = arith.truncf %sub3A_41 : vector<128x8xf32> to vector<128x8xbf16>
    %convert_element_type3A_43 = arith.truncf %get3A_38 : vector<8x10240xf32> to vector<8x10240xbf16>
    %convert_element_type3A_44 = arith.extf %convert_element_type3A_43 : vector<8x10240xbf16> to vector<8x10240xf32>
    %sub3A_45 = arith.subf %get3A_38, %convert_element_type3A_44 : vector<8x10240xf32>
    %convert_element_type3A_46 = arith.truncf %sub3A_45 : vector<8x10240xf32> to vector<8x10240xbf16>
    %dot_general3A_47 = arith.constant dense<0.000000e+00> : vector<128x10240xf32>
    %dot_general3A_48 = tpu.matmul %convert_element_type3A_39, %convert_element_type3A_43, %dot_general3A_47 {dimension_numbers = #tpu.dot_dimension_numbers<[1], [0], [0], [1], [0, 0, 1, 1], [], []>, transpose_lhs_hint = false} : vector<128x8xbf16>, vector<8x10240xbf16>, vector<128x10240xf32> -> vector<128x10240xf32>
    %dot_general3A_49 = arith.constant dense<0.000000e+00> : vector<128x10240xf32>
    %dot_general3A_50 = tpu.matmul %convert_element_type3A_42, %convert_element_type3A_43, %dot_general3A_49 {dimension_numbers = #tpu.dot_dimension_numbers<[1], [0], [0], [1], [0, 0, 1, 1], [], []>, transpose_lhs_hint = false} : vector<128x8xbf16>, vector<8x10240xbf16>, vector<128x10240xf32> -> vector<128x10240xf32>
    %dot_general3A_51 = arith.constant dense<0.000000e+00> : vector<128x10240xf32>
    %dot_general3A_52 = tpu.matmul %convert_element_type3A_39, %convert_element_type3A_46, %dot_general3A_51 {dimension_numbers = #tpu.dot_dimension_numbers<[1], [0], [0], [1], [0, 0, 1, 1], [], []>, transpose_lhs_hint = false} : vector<128x8xbf16>, vector<8x10240xbf16>, vector<128x10240xf32> -> vector<128x10240xf32>
    %add3A = arith.addf %dot_general3A_50, %dot_general3A_52 : vector<128x10240xf32>
    %add3A_53 = arith.addf %dot_general3A_48, %add3A : vector<128x10240xf32>
    %get3A_54 = arith.constant 0 : index
    %get3A_55 = arith.constant 0 : index
    %get3A_56 = vector.load %arg4[%get3A_54, %get3A_55] : memref<128x1xf32, #tpu.memory_space<vmem>>, vector<128x1xf32>
    %add3A_57 = vector.broadcast %get3A_56 : vector<128x1xf32> to vector<128x10240xf32>
    %add3A_58 = arith.addf %add3A_53, %add3A_57 : vector<128x10240xf32>
    %max3A = arith.constant 0.000000e+00 : f32
    %max3A_59 = vector.broadcast %max3A : f32 to vector<128x10240xf32>
    %max3A_60 = arith.maximumf %add3A_58, %max3A_59 : vector<128x10240xf32>
    %convert_element_type3A_61 = arith.truncf %dot_general3A_27 : vector<16x128xf32> to vector<16x128xbf16>
    %convert_element_type3A_62 = arith.extf %convert_element_type3A_61 : vector<16x128xbf16> to vector<16x128xf32>
    %sub3A_63 = arith.subf %dot_general3A_27, %convert_element_type3A_62 : vector<16x128xf32>
    %convert_element_type3A_64 = arith.truncf %sub3A_63 : vector<16x128xf32> to vector<16x128xbf16>
    %convert_element_type3A_65 = arith.truncf %max3A_60 : vector<128x10240xf32> to vector<128x10240xbf16>
    %convert_element_type3A_66 = arith.extf %convert_element_type3A_65 : vector<128x10240xbf16> to vector<128x10240xf32>
    %sub3A_67 = arith.subf %max3A_60, %convert_element_type3A_66 : vector<128x10240xf32>
    %convert_element_type3A_68 = arith.truncf %sub3A_67 : vector<128x10240xf32> to vector<128x10240xbf16>
    %dot_general3A_69 = arith.constant dense<0.000000e+00> : vector<16x10240xf32>
    %dot_general3A_70 = tpu.matmul %convert_element_type3A_61, %convert_element_type3A_65, %dot_general3A_69 {dimension_numbers = #tpu.dot_dimension_numbers<[1], [0], [0], [1], [0, 0, 1, 1], [], []>, transpose_lhs_hint = false} : vector<16x128xbf16>, vector<128x10240xbf16>, vector<16x10240xf32> -> vector<16x10240xf32>
    %dot_general3A_71 = arith.constant dense<0.000000e+00> : vector<16x10240xf32>
    %dot_general3A_72 = tpu.matmul %convert_element_type3A_64, %convert_element_type3A_65, %dot_general3A_71 {dimension_numbers = #tpu.dot_dimension_numbers<[1], [0], [0], [1], [0, 0, 1, 1], [], []>, transpose_lhs_hint = false} : vector<16x128xbf16>, vector<128x10240xbf16>, vector<16x10240xf32> -> vector<16x10240xf32>
    %dot_general3A_73 = arith.constant dense<0.000000e+00> : vector<16x10240xf32>
    %dot_general3A_74 = tpu.matmul %convert_element_type3A_61, %convert_element_type3A_68, %dot_general3A_73 {dimension_numbers = #tpu.dot_dimension_numbers<[1], [0], [0], [1], [0, 0, 1, 1], [], []>, transpose_lhs_hint = false} : vector<16x128xbf16>, vector<128x10240xbf16>, vector<16x10240xf32> -> vector<16x10240xf32>
    %add3A_75 = arith.addf %dot_general3A_72, %dot_general3A_74 : vector<16x10240xf32>
    %add3A_76 = arith.addf %dot_general3A_70, %add3A_75 : vector<16x10240xf32>
    %add3A_77 = vector.broadcast %dot_general3A_32 : vector<16x1xf32> to vector<16x10240xf32>
    %add3A_78 = arith.addf %add3A_76, %add3A_77 : vector<16x10240xf32>
    %get3A_79 = arith.constant 0 : index
    %get3A_80 = arith.constant 0 : index
    %get3A_81 = vector.load %arg2[%get3A_79, %get3A_80] : memref<10240x16xf32, #tpu.memory_space<vmem>>, vector<10240x16xf32>
    %transpose3A = tpu.transpose %get3A_81, [1, 0] : vector<10240x16xf32> -> vector<16x10240xf32>
    %mul3A = arith.mulf %add3A_78, %transpose3A : vector<16x10240xf32>
    %reduce_sum3A = arith.constant dense<0.000000e+00> : vector<10240xf32>
    %reduce_sum3A_82 = vector.multi_reduction <add>, %mul3A, %reduce_sum3A [0] : vector<16x10240xf32> to vector<10240xf32>
    %broadcast_in_dim3A = vector.shape_cast %reduce_sum3A_82 : vector<10240xf32> to vector<1x10240xf32>
    %swap3A = arith.constant 0 : index
    %swap3A_83 = arith.constant 0 : index
    %swap3A_84 = arith.constant 0 : index
    %swap3A_85 = vector.load %arg7[%swap3A, %swap3A_83, %swap3A_84] : memref<1x1x10240xf32, #tpu.memory_space<vmem>>, vector<1x1x10240xf32>
    %swap3A_86 = vector.shape_cast %swap3A_85 : vector<1x1x10240xf32> to vector<1x10240xf32>
    %swap3A_87 = vector.shape_cast %broadcast_in_dim3A : vector<1x10240xf32> to vector<1x1x10240xf32>
    tpu.vector_store %arg7[%swap3A, %swap3A_83, %swap3A_84], %swap3A_87 {strides = array<i32>} : memref<1x1x10240xf32, #tpu.memory_space<vmem>>, vector<1x1x10240xf32>,
    return
  }
  func.func @transform_0(%arg0: i32) -> (i32, i32) {
    %c0_i32 = arith.constant 0 : i32
    %c0_i32_0 = arith.constant 0 : i32
    return %c0_i32, %arg0 : i32, i32
  }
  func.func @transform_1(%arg0: i32) -> (i32, i32) {
    %c0_i32 = arith.constant 0 : i32
    %c0_i32_0 = arith.constant 0 : i32
    return %arg0, %c0_i32 : i32, i32
  }
  func.func @transform_2(%arg0: i32) -> (i32, i32) {
    %c0_i32 = arith.constant 0 : i32
    %c0_i32_0 = arith.constant 0 : i32
    %c0_i32_1 = arith.constant 0 : i32
    return %c0_i32, %c0_i32_0 : i32, i32
  }
  func.func @transform_3(%arg0: i32) -> (i32, i32) {
    %c0_i32 = arith.constant 0 : i32
    %c0_i32_0 = arith.constant 0 : i32
    %c0_i32_1 = arith.constant 0 : i32
    return %c0_i32, %c0_i32_0 : i32, i32
  }
  func.func @transform_4(%arg0: i32) -> (i32, i32) {
    %c0_i32 = arith.constant 0 : i32
    %c0_i32_0 = arith.constant 0 : i32
    %c0_i32_1 = arith.constant 0 : i32
    return %c0_i32, %c0_i32_0 : i32, i32
  }
  func.func @transform_5(%arg0: i32) -> (i32, i32) {
    %c0_i32 = arith.constant 0 : i32
    %c0_i32_0 = arith.constant 0 : i32
    %c0_i32_1 = arith.constant 0 : i32
    return %c0_i32, %c0_i32_0 : i32, i32
  }
  func.func @transform_6(%arg0: i32) -> (i32, i32, i32) {
    %c0_i32 = arith.constant 0 : i32
    %c0_i32_0 = arith.constant 0 : i32
    %c0_i32_1 = arith.constant 0 : i32
    return %arg0, %c0_i32, %c0_i32_0 : i32, i32, i32
  }
}

module attributes {stable_mosaic.version = 14 : i64} {
  func.func @body(%arg0: memref<16x10240xf32, #tpu.memory_space<vmem>>, %arg1: memref<16x10240xf32, #tpu.memory_space<vmem>>, %arg2: memref<64x81920xf32, #tpu.memory_space<vmem>>, %arg3: memref<10240x1xi32, #tpu.memory_space<vmem>>, %arg4: memref<10240x1xi32, #tpu.memory_space<vmem>>, %arg5: memref<16x16xf32, #tpu.memory_space<vmem>>, %arg6: memref<16x16xf32, #tpu.memory_space<vmem>>, %arg7: memref<16x16xf32, #tpu.memory_space<vmem>>, %arg8: memref<16x16xf32, #tpu.memory_space<vmem>>, %arg9: memref<1x16xf32, #tpu.memory_space<vmem>>, %arg10: memref<1x16xf32, #tpu.memory_space<vmem>>, %arg11: memref<1x16xf32, #tpu.memory_space<vmem>>, %arg12: memref<1x16xf32, #tpu.memory_space<vmem>>, %arg13: memref<8x1xf32, #tpu.memory_space<vmem>>, %arg14: memref<8x1xf32, #tpu.memory_space<vmem>>, %arg15: memref<8x1xf32, #tpu.memory_space<vmem>>, %arg16: memref<8x1xf32, #tpu.memory_space<vmem>>, %arg17: memref<1x1xf32, #tpu.memory_space<vmem>>, %arg18: memref<1x1xf32, #tpu.memory_space<vmem>>, %arg19: memref<1x128xf32, #tpu.memory_space<vmem>>, %arg20: memref<8x128xf32, #tpu.memory_space<vmem>>, %arg21: memref<8x128xf32, #tpu.memory_space<vmem>>) attributes {dimension_semantics = [], scalar_prefetch = 0 : i64, scratch_operands = 0 : i64, tpu.core_type = #tpu.core_type<tc>} {
    %get3A = arith.constant 0 : index
    %get3A_0 = arith.constant 0 : index
    %get3A_1 = vector.load %arg2[%get3A, %get3A_0] : memref<64x81920xf32, #tpu.memory_space<vmem>>, vector<64x81920xf32>
    %reduce_sum3A = arith.constant dense<0.000000e+00> : vector<81920xf32>
    %reduce_sum3A_2 = vector.multi_reduction <add>, %get3A_1, %reduce_sum3A [0] : vector<64x81920xf32> to vector<81920xf32>
    %broadcast_in_dim3A = vector.shape_cast %reduce_sum3A_2 : vector<81920xf32> to vector<1x81920xf32>
    %slice3A = vector.extract_strided_slice %broadcast_in_dim3A {offsets = [0, 0], sizes = [1, 40960], strides = [1, 1]} : vector<1x81920xf32> to vector<1x40960xf32>
    %slice3A_3 = vector.extract_strided_slice %broadcast_in_dim3A {offsets = [0, 40960], sizes = [1, 40960], strides = [1, 1]} : vector<1x81920xf32> to vector<1x40960xf32>
    %max3A = arith.constant 1.000000e+00 : f32
    %max3A_4 = vector.broadcast %max3A : f32 to vector<1x40960xf32>
    %max3A_5 = arith.maximumf %slice3A_3, %max3A_4 : vector<1x40960xf32>
    %div3A = arith.divf %slice3A, %max3A_5 : vector<1x40960xf32>
    %get3A_6 = arith.constant 0 : index
    %get3A_7 = arith.constant 0 : index
    %get3A_8 = vector.load %arg5[%get3A_6, %get3A_7] : memref<16x16xf32, #tpu.memory_space<vmem>>, vector<16x16xf32>
    %get3A_9 = arith.constant 0 : index
    %get3A_10 = arith.constant 0 : index
    %get3A_11 = vector.load %arg6[%get3A_9, %get3A_10] : memref<16x16xf32, #tpu.memory_space<vmem>>, vector<16x16xf32>
    %add3A = arith.addf %get3A_8, %get3A_11 : vector<16x16xf32>
    %reduce_sum3A_12 = arith.constant dense<0.000000e+00> : vector<16xf32>
    %reduce_sum3A_13 = vector.multi_reduction <add>, %add3A, %reduce_sum3A_12 [0] : vector<16x16xf32> to vector<16xf32>
    %broadcast_in_dim3A_14 = vector.shape_cast %reduce_sum3A_13 : vector<16xf32> to vector<1x16xf32>
    %get3A_15 = arith.constant 0 : index
    %get3A_16 = arith.constant 0 : index
    %get3A_17 = vector.load %arg7[%get3A_15, %get3A_16] : memref<16x16xf32, #tpu.memory_space<vmem>>, vector<16x16xf32>
    %get3A_18 = arith.constant 0 : index
    %get3A_19 = arith.constant 0 : index
    %get3A_20 = vector.load %arg8[%get3A_18, %get3A_19] : memref<16x16xf32, #tpu.memory_space<vmem>>, vector<16x16xf32>
    %add3A_21 = arith.addf %get3A_17, %get3A_20 : vector<16x16xf32>
    %reduce_sum3A_22 = arith.constant dense<0.000000e+00> : vector<16xf32>
    %reduce_sum3A_23 = vector.multi_reduction <add>, %add3A_21, %reduce_sum3A_22 [0] : vector<16x16xf32> to vector<16xf32>
    %broadcast_in_dim3A_24 = vector.shape_cast %reduce_sum3A_23 : vector<16xf32> to vector<1x16xf32>
    %get3A_25 = arith.constant 0 : index
    %get3A_26 = arith.constant 0 : index
    %get3A_27 = vector.load %arg9[%get3A_25, %get3A_26] : memref<1x16xf32, #tpu.memory_space<vmem>>, vector<1x16xf32>
    %reduce_sum3A_28 = vector.shape_cast %get3A_27 : vector<1x16xf32> to vector<1x1x16xf32>
    %reduce_sum3A_29 = arith.constant dense<0.000000e+00> : vector<1xf32>
    %reduce_sum3A_30 = vector.multi_reduction <add>, %reduce_sum3A_28, %reduce_sum3A_29 [1, 2] : vector<1x1x16xf32> to vector<1xf32>
    %reduce_sum3A_31 = vector.shape_cast %reduce_sum3A_30 : vector<1xf32> to vector<1x1x1xf32>
    %reduce_sum3A_32 = vector.extract %reduce_sum3A_31[0, 0, 0] : f32 from vector<1x1x1xf32>
    %get3A_33 = arith.constant 0 : index
    %get3A_34 = arith.constant 0 : index
    %get3A_35 = vector.load %arg10[%get3A_33, %get3A_34] : memref<1x16xf32, #tpu.memory_space<vmem>>, vector<1x16xf32>
    %reduce_sum3A_36 = vector.shape_cast %get3A_35 : vector<1x16xf32> to vector<1x1x16xf32>
    %reduce_sum3A_37 = arith.constant dense<0.000000e+00> : vector<1xf32>
    %reduce_sum3A_38 = vector.multi_reduction <add>, %reduce_sum3A_36, %reduce_sum3A_37 [1, 2] : vector<1x1x16xf32> to vector<1xf32>
    %reduce_sum3A_39 = vector.shape_cast %reduce_sum3A_38 : vector<1xf32> to vector<1x1x1xf32>
    %reduce_sum3A_40 = vector.extract %reduce_sum3A_39[0, 0, 0] : f32 from vector<1x1x1xf32>
    %add3A_41 = arith.addf %reduce_sum3A_32, %reduce_sum3A_40 : f32
    %get3A_42 = arith.constant 0 : index
    %get3A_43 = arith.constant 0 : index
    %get3A_44 = vector.load %arg11[%get3A_42, %get3A_43] : memref<1x16xf32, #tpu.memory_space<vmem>>, vector<1x16xf32>
    %reduce_sum3A_45 = vector.shape_cast %get3A_44 : vector<1x16xf32> to vector<1x1x16xf32>
    %reduce_sum3A_46 = arith.constant dense<0.000000e+00> : vector<1xf32>
    %reduce_sum3A_47 = vector.multi_reduction <add>, %reduce_sum3A_45, %reduce_sum3A_46 [1, 2] : vector<1x1x16xf32> to vector<1xf32>
    %reduce_sum3A_48 = vector.shape_cast %reduce_sum3A_47 : vector<1xf32> to vector<1x1x1xf32>
    %reduce_sum3A_49 = vector.extract %reduce_sum3A_48[0, 0, 0] : f32 from vector<1x1x1xf32>
    %get3A_50 = arith.constant 0 : index
    %get3A_51 = arith.constant 0 : index
    %get3A_52 = vector.load %arg12[%get3A_50, %get3A_51] : memref<1x16xf32, #tpu.memory_space<vmem>>, vector<1x16xf32>
    %reduce_sum3A_53 = vector.shape_cast %get3A_52 : vector<1x16xf32> to vector<1x1x16xf32>
    %reduce_sum3A_54 = arith.constant dense<0.000000e+00> : vector<1xf32>
    %reduce_sum3A_55 = vector.multi_reduction <add>, %reduce_sum3A_53, %reduce_sum3A_54 [1, 2] : vector<1x1x16xf32> to vector<1xf32>
    %reduce_sum3A_56 = vector.shape_cast %reduce_sum3A_55 : vector<1xf32> to vector<1x1x1xf32>
    %reduce_sum3A_57 = vector.extract %reduce_sum3A_56[0, 0, 0] : f32 from vector<1x1x1xf32>
    %add3A_58 = arith.addf %reduce_sum3A_49, %reduce_sum3A_57 : f32
    %get3A_59 = arith.constant 0 : index
    %get3A_60 = arith.constant 0 : index
    %get3A_61 = vector.load %arg0[%get3A_59, %get3A_60] : memref<16x10240xf32, #tpu.memory_space<vmem>>, vector<16x10240xf32>
    %dot_general3A = arith.constant dense<0.000000e+00> : vector<1x10240xf32>
    %dot_general3A_62 = tpu.matmul %broadcast_in_dim3A_14, %get3A_61, %dot_general3A {dimension_numbers = #tpu.dot_dimension_numbers<[1], [0], [0], [1], [0, 0, 1, 1], [], []>, precision = #tpu.contract_precision<fp32>, transpose_lhs_hint = false} : vector<1x16xf32>, vector<16x10240xf32>, vector<1x10240xf32> -> vector<1x10240xf32>
    %get3A_63 = arith.constant 0 : index
    %get3A_64 = arith.constant 0 : index
    %get3A_65 = vector.load %arg1[%get3A_63, %get3A_64] : memref<16x10240xf32, #tpu.memory_space<vmem>>, vector<16x10240xf32>
    %dot_general3A_66 = arith.constant dense<0.000000e+00> : vector<1x10240xf32>
    %dot_general3A_67 = tpu.matmul %broadcast_in_dim3A_24, %get3A_65, %dot_general3A_66 {dimension_numbers = #tpu.dot_dimension_numbers<[1], [0], [0], [1], [0, 0, 1, 1], [], []>, precision = #tpu.contract_precision<fp32>, transpose_lhs_hint = false} : vector<1x16xf32>, vector<16x10240xf32>, vector<1x10240xf32> -> vector<1x10240xf32>
    %slice3A_68 = vector.extract_strided_slice %div3A {offsets = [0, 0], sizes = [1, 10240], strides = [1, 1]} : vector<1x40960xf32> to vector<1x10240xf32>
    %add3A_69 = arith.addf %dot_general3A_62, %slice3A_68 : vector<1x10240xf32>
    %slice3A_70 = vector.extract_strided_slice %div3A {offsets = [0, 30720], sizes = [1, 10240], strides = [1, 1]} : vector<1x40960xf32> to vector<1x10240xf32>
    %add3A_71 = arith.addf %add3A_69, %slice3A_70 : vector<1x10240xf32>
    %add3A_72 = vector.broadcast %add3A_41 : f32 to vector<1x10240xf32>
    %add3A_73 = arith.addf %add3A_71, %add3A_72 : vector<1x10240xf32>
    %tanh3A = math.tanh %add3A_73 : vector<1x10240xf32>
    %slice3A_74 = vector.extract_strided_slice %div3A {offsets = [0, 10240], sizes = [1, 10240], strides = [1, 1]} : vector<1x40960xf32> to vector<1x10240xf32>
    %add3A_75 = arith.addf %dot_general3A_67, %slice3A_74 : vector<1x10240xf32>
    %slice3A_76 = vector.extract_strided_slice %div3A {offsets = [0, 20480], sizes = [1, 10240], strides = [1, 1]} : vector<1x40960xf32> to vector<1x10240xf32>
    %add3A_77 = arith.addf %add3A_75, %slice3A_76 : vector<1x10240xf32>
    %add3A_78 = vector.broadcast %add3A_58 : f32 to vector<1x10240xf32>
    %add3A_79 = arith.addf %add3A_77, %add3A_78 : vector<1x10240xf32>
    %tanh3A_80 = math.tanh %add3A_79 : vector<1x10240xf32>
    %iota3A = tpu.iota {dimensions = array<i32: 1>} : vector<10240x128xi32>
    %get3A_81 = arith.constant 0 : index
    %get3A_82 = arith.constant 0 : index
    %get3A_83 = vector.load %arg3[%get3A_81, %get3A_82] : memref<10240x1xi32, #tpu.memory_space<vmem>>, vector<10240x1xi32>
    %eq3A = vector.broadcast %get3A_83 : vector<10240x1xi32> to vector<10240x128xi32>
    %eq3A_84 = arith.cmpi eq, %iota3A, %eq3A : vector<10240x128xi32>
    %convert_element_type3A = arith.extui %eq3A_84 : vector<10240x128xi1> to vector<10240x128xi32>
    %convert_element_type3A_85 = arith.sitofp %convert_element_type3A : vector<10240x128xi32> to vector<10240x128xf32>
    %iota3A_86 = tpu.iota {dimensions = array<i32: 1>} : vector<10240x128xi32>
    %get3A_87 = arith.constant 0 : index
    %get3A_88 = arith.constant 0 : index
    %get3A_89 = vector.load %arg4[%get3A_87, %get3A_88] : memref<10240x1xi32, #tpu.memory_space<vmem>>, vector<10240x1xi32>
    %eq3A_90 = vector.broadcast %get3A_89 : vector<10240x1xi32> to vector<10240x128xi32>
    %eq3A_91 = arith.cmpi eq, %iota3A_86, %eq3A_90 : vector<10240x128xi32>
    %convert_element_type3A_92 = arith.extui %eq3A_91 : vector<10240x128xi1> to vector<10240x128xi32>
    %convert_element_type3A_93 = arith.sitofp %convert_element_type3A_92 : vector<10240x128xi32> to vector<10240x128xf32>
    %dot_general3A_94 = arith.constant dense<0.000000e+00> : vector<1x128xf32>
    %dot_general3A_95 = tpu.matmul %tanh3A, %convert_element_type3A_85, %dot_general3A_94 {dimension_numbers = #tpu.dot_dimension_numbers<[1], [0], [0], [1], [0, 0, 1, 1], [], []>, precision = #tpu.contract_precision<fp32>, transpose_lhs_hint = false} : vector<1x10240xf32>, vector<10240x128xf32>, vector<1x128xf32> -> vector<1x128xf32>
    %tanh3A_96 = math.tanh %dot_general3A_95 : vector<1x128xf32>
    %dot_general3A_97 = arith.constant dense<0.000000e+00> : vector<1x128xf32>
    %dot_general3A_98 = tpu.matmul %tanh3A_80, %convert_element_type3A_93, %dot_general3A_97 {dimension_numbers = #tpu.dot_dimension_numbers<[1], [0], [0], [1], [0, 0, 1, 1], [], []>, precision = #tpu.contract_precision<fp32>, transpose_lhs_hint = false} : vector<1x10240xf32>, vector<10240x128xf32>, vector<1x128xf32> -> vector<1x128xf32>
    %tanh3A_99 = math.tanh %dot_general3A_98 : vector<1x128xf32>
    %get3A_100 = arith.constant 0 : index
    %get3A_101 = arith.constant 0 : index
    %get3A_102 = vector.load %arg13[%get3A_100, %get3A_101] : memref<8x1xf32, #tpu.memory_space<vmem>>, vector<8x1xf32>
    %dot_general3A_103 = arith.constant dense<0.000000e+00> : vector<8x128xf32>
    %dot_general3A_104 = tpu.matmul %get3A_102, %tanh3A_96, %dot_general3A_103 {dimension_numbers = #tpu.dot_dimension_numbers<[1], [0], [0], [1], [0, 0, 1, 1], [], []>, precision = #tpu.contract_precision<fp32>, transpose_lhs_hint = false} : vector<8x1xf32>, vector<1x128xf32>, vector<8x128xf32> -> vector<8x128xf32>
    %get3A_105 = arith.constant 0 : index
    %get3A_106 = arith.constant 0 : index
    %get3A_107 = vector.load %arg14[%get3A_105, %get3A_106] : memref<8x1xf32, #tpu.memory_space<vmem>>, vector<8x1xf32>
    %add3A_108 = vector.broadcast %get3A_107 : vector<8x1xf32> to vector<8x128xf32>
    %add3A_109 = arith.addf %dot_general3A_104, %add3A_108 : vector<8x128xf32>
    %swap3A = arith.constant 0 : index
    %swap3A_110 = arith.constant 0 : index
    %swap3A_111 = vector.load %arg20[%swap3A, %swap3A_110] : memref<8x128xf32, #tpu.memory_space<vmem>>, vector<8x128xf32>
    tpu.vector_store %arg20[%swap3A, %swap3A_110], %add3A_109 {strides = array<i32>} : memref<8x128xf32, #tpu.memory_space<vmem>>, vector<8x128xf32>,
    %get3A_112 = arith.constant 0 : index
    %get3A_113 = arith.constant 0 : index
    %get3A_114 = vector.load %arg15[%get3A_112, %get3A_113] : memref<8x1xf32, #tpu.memory_space<vmem>>, vector<8x1xf32>
    %dot_general3A_115 = arith.constant dense<0.000000e+00> : vector<8x128xf32>
    %dot_general3A_116 = tpu.matmul %get3A_114, %tanh3A_99, %dot_general3A_115 {dimension_numbers = #tpu.dot_dimension_numbers<[1], [0], [0], [1], [0, 0, 1, 1], [], []>, precision = #tpu.contract_precision<fp32>, transpose_lhs_hint = false} : vector<8x1xf32>, vector<1x128xf32>, vector<8x128xf32> -> vector<8x128xf32>
    %get3A_117 = arith.constant 0 : index
    %get3A_118 = arith.constant 0 : index
    %get3A_119 = vector.load %arg16[%get3A_117, %get3A_118] : memref<8x1xf32, #tpu.memory_space<vmem>>, vector<8x1xf32>
    %add3A_120 = vector.broadcast %get3A_119 : vector<8x1xf32> to vector<8x128xf32>
    %add3A_121 = arith.addf %dot_general3A_116, %add3A_120 : vector<8x128xf32>
    %swap3A_122 = arith.constant 0 : index
    %swap3A_123 = arith.constant 0 : index
    %swap3A_124 = vector.load %arg21[%swap3A_122, %swap3A_123] : memref<8x128xf32, #tpu.memory_space<vmem>>, vector<8x128xf32>
    tpu.vector_store %arg21[%swap3A_122, %swap3A_123], %add3A_121 {strides = array<i32>} : memref<8x128xf32, #tpu.memory_space<vmem>>, vector<8x128xf32>,
    %add3A_125 = arith.addf %tanh3A_96, %tanh3A_99 : vector<1x128xf32>
    %get3A_126 = arith.constant 0 : index
    %get3A_127 = arith.constant 0 : index
    %get3A_128 = vector.load %arg17[%get3A_126, %get3A_127] : memref<1x1xf32, #tpu.memory_space<vmem>>, vector<1x1xf32>
    %mul3A = vector.broadcast %get3A_128 : vector<1x1xf32> to vector<1x128xf32>
    %mul3A_129 = arith.mulf %add3A_125, %mul3A : vector<1x128xf32>
    %get3A_130 = arith.constant 0 : index
    %get3A_131 = arith.constant 0 : index
    %get3A_132 = vector.load %arg18[%get3A_130, %get3A_131] : memref<1x1xf32, #tpu.memory_space<vmem>>, vector<1x1xf32>
    %add3A_133 = vector.broadcast %get3A_132 : vector<1x1xf32> to vector<1x128xf32>
    %add3A_134 = arith.addf %mul3A_129, %add3A_133 : vector<1x128xf32>
    %logistic3A = arith.negf %add3A_134 : vector<1x128xf32>
    %logistic3A_135 = math.exp %logistic3A : vector<1x128xf32>
    %logistic3A_136 = arith.constant 1.000000e+00 : f32
    %logistic3A_137 = vector.broadcast %logistic3A_136 : f32 to vector<1x128xf32>
    %logistic3A_138 = arith.addf %logistic3A_137, %logistic3A_135 : vector<1x128xf32>
    %logistic3A_139 = arith.divf %logistic3A_137, %logistic3A_138 : vector<1x128xf32>
    %swap3A_140 = arith.constant 0 : index
    %swap3A_141 = arith.constant 0 : index
    %swap3A_142 = vector.load %arg19[%swap3A_140, %swap3A_141] : memref<1x128xf32, #tpu.memory_space<vmem>>, vector<1x128xf32>
    tpu.vector_store %arg19[%swap3A_140, %swap3A_141], %logistic3A_139 {strides = array<i32>} : memref<1x128xf32, #tpu.memory_space<vmem>>, vector<1x128xf32>,
    return
  }
}

</mosaic_0001>

<sc_bundles>
// kernel: kernel.12.cloned.1.call-start
scs
__scs_entry_jumppad:
0x0: {  	(pc) =	sbr.rel $0x88, $3  }
0x1: {  	(tag) =	ssettag $0x0;
	lr =	simm.s32 $0x1  }
0x2: {  	[smem:$0x3F83] =	sst lr;
	_ =	strace $0xD0000000  }
0x3: {  	_ = 	snop  }
0x4: {  	_ = 	snop  }
0x5: {  	_ = 	snop  }
0x6: {  	_ = 	snop  }
0x7: {  	_ = 	snop  }
__scs_overlays_trampoline_lowered:
0x8: {  	[smem:$0x3F92] =	sst s0  }
0x9: {  	[smem:$0x3F93] =	sst s1  }
0xa: {  	[smem:$0x3F94] =	sst s2  }
0xb: {  	[smem:$0x3F95] =	sst s3  }
0xc: {  	[smem:$0x3F96] =	sst s4  }
0xd: {  	[smem:$0x3F97] =	sst s5  }
0xe: {  	[smem:$0x3F98] =	sst s6  }
0xf: {  	[smem:$0x3F99] =	sst s7  }
0x10: {  	[smem:$0x3F9A] =	sst s8  }
0x11: {  	[smem:$0x3F9B] =	sst s9;
	s0 =	simm.s32 @!p0 $0x0  }
0x12: {  	s1 =	sld [smem:$0x3F81];
	s0 =	simm.s32 @p0 $0x1  }
0x13: {  	[smem:$0x3F9C] =	sst s0;
	s0 =	simm.s32 @!p1 $0x0  }
0x14: {  	s2 =	sld [smem:$0x3F80];
	s0 =	simm.s32 @p1 $0x1  }
0x15: {  	[smem:$0x3F9D] =	sst s0;
	s0 =	simm.s32 @!p2 $0x0  }
0x16: {  	s3 =	sld [smem:$0x3FDB];
	s0 =	simm.s32 @p2 $0x1  }
0x17: {  	s4 =	simm.s32 $0x1BF5;
	[smem:$0x3F9F] =	sst s0  }
0x18: {  	s0 =	sld [smem:$0x3F82];
	_ =	swait.ge [sflag:s4], $0x0  }
0x19: {  	s7 =	sld [smem:$0x3F83]  }
0x1a: {  	s8 =	sadd.s32 $0xFFFFE003, lr  }
0x1b: {  	s9 =	sadd.s32 $0xFFFFFEF7, lr;
	s5 =	simm.s32 $0xFFFFFFFF;
	p2 =	slt.u32 s8, $0xFFFFF086  }
0x1c: {  	p1 =	slt.u32 s9, $0xF7A;
	s5 =	simm.s32 @!p2 $0x0  }
0x1d: {  	s5 =	simm.s32 @p1 $0x1;
	p0 =	seq.s32 s7, s2  }
0x1e: {  	s7 =	smul.u32 @!p0 $0xF7A, s2;
	p2 =	seq.s32 @!p0 s5, $0x0  }
0x1f: {  	s9 =	smul.u32 $0xF7A, s1;
	s8 =	simm.s32 @!p0 $0x1BF5;
	p2 =	por !p2, p0  }
0x20: {  	[sflag:s8] =	ssyncset.s32 @!p0 $0xFFFFF086;
	s6 =	sadd.s32 @!p0 s3, s7;
	s7 =	simm.s32 @!p0 $0x108  }
0x21: {  	s3 =	sadd.s32 s3, s9;
	s6 =	sadd.s32 @!p0 $0x88, s6;
	s7 =	simm.s32 @p2 $0x1082  }
0x22: {  	[simem:s7], [sflag:s8] =	dma.local @!p0 [hbm:s6], $0xF7A  }
0x23: {  	s9 =	sor.u32 $0xD0000000, s2;
	s6 =	simm.s32 $0x108;
	_ =	swait.ge @!p0 [sflag:s8], $0x0  }
0x24: {  	s3 =	sadd.s32 $0x88, s3;
	s6 =	simm.s32 @!p1 $0x1082;
	[sflag:s4] =	ssyncset.s32 $0xFFFFF086  }
0x25: {  	[simem:s6], [sflag:s4] =	dma.local [hbm:s3], $0xF7A  }
0x26: {  	[smem:$0x3F83] =	sst s1;
	(tag) =	ssettag s2;
	_ =	strace s9  }
0x27: {  	s1 =	sld [smem:$0x3F93]  }
0x28: {  	s2 =	sld [smem:$0x3F94]  }
0x29: {  	s4 =	sld [smem:$0x3F96]  }
0x2a: {  	p0 =	seq.s32 s5, $0x0;
	s5 =	sld [smem:$0x3F97]  }
0x2b: {  	s6 =	sld [smem:$0x3F98]  }
0x2c: {  	s7 =	sld [smem:$0x3F99]  }
0x2d: {  	s3 =	simm.s32 $0x108;
	s8 =	sld [smem:$0x3F9A]  }
0x2e: {  	s3 =	simm.s32 @!p0 $0x1082;
	s9 =	sld [smem:$0x3F9B]  }
0x2f: {  	lr =	sadd.s32 s0, s3;
	s0 =	sld [smem:$0x3F92]  }
0x30: {  	s3 =	sld [smem:$0x3F95]  }
0x31: {  	[smem:$0x3F9E] =	sst s10  }
0x32: {  	s10 =	sld [smem:$0x3F9C];
	_ =	sdelay $0x3  }
0x33: {  	p0 =	seq.s32 s10, $0x1;
	s10 =	sld [smem:$0x3F9E];
	_ =	sdelay $0x3  }
0x34: {  	[smem:$0x3F9E] =	sst s10  }
0x35: {  	s10 =	sld [smem:$0x3F9D];
	_ =	sdelay $0x3  }
0x36: {  	p1 =	seq.s32 s10, $0x1;
	s10 =	sld [smem:$0x3F9E];
	_ =	sdelay $0x3  }
0x37: {  	[smem:$0x3F9E] =	sst s10  }
0x38: {  	s10 =	sld [smem:$0x3F9F]  }
0x39: {  	_ = 	snop;
	(pc) =	sbr.ind lr, $3  }
0x3a: {  	_ = 	snop  }
0x3b: {  	_ = 	snop  }
0x3c: {  	p2 =	seq.s32 s10, $0x1;
	s10 =	sld [smem:$0x3F9E]  }
0x3d: {  	_ =	shalt  }
0x3e: {  	_ =	shalt  }
0x3f: {  	_ =	shalt  }
0x40: {  	_ =	shalt  }
0x41: {  	_ =	shalt  }
0x42: {  	_ =	shalt  }
0x43: {  	_ =	shalt  }
0x44: {  	_ =	shalt  }
0x45: {  	_ =	shalt  }
0x46: {  	_ =	shalt  }
0x47: {  	_ =	shalt  }
0x48: {  	_ =	shalt  }
0x49: {  	_ =	shalt  }
0x4a: {  	_ =	shalt  }
0x4b: {  	_ =	shalt  }
0x4c: {  	_ =	shalt  }
0x4d: {  	_ =	shalt  }
0x4e: {  	_ =	shalt  }
0x4f: {  	_ =	shalt  }
0x50: {  	_ =	shalt  }
0x51: {  	_ =	shalt  }
0x52: {  	_ =	shalt  }
0x53: {  	_ =	shalt  }
0x54: {  	_ =	shalt  }
0x55: {  	_ =	shalt  }
0x56: {  	_ =	shalt  }
0x57: {  	_ =	shalt  }
0x58: {  	_ =	shalt  }
0x59: {  	_ =	shalt  }
0x5a: {  	_ =	shalt  }
0x5b: {  	_ =	shalt  }
0x5c: {  	_ =	shalt  }
0x5d: {  	_ =	shalt  }
0x5e: {  	_ =	shalt  }
0x5f: {  	_ =	shalt  }
0x60: {  	_ =	shalt  }
0x61: {  	_ =	shalt  }
0x62: {  	_ =	shalt  }
0x63: {  	_ =	shalt  }
0x64: {  	_ =	shalt  }
0x65: {  	_ =	shalt  }
0x66: {  	_ =	shalt  }
0x67: {  	_ =	shalt  }
0x68: {  	_ =	shalt  }
0x69: {  	_ =	shalt  }
0x6a: {  	_ =	shalt  }
0x6b: {  	_ =	shalt  }
0x6c: {  	_ =	shalt  }
0x6d: {  	_ =	shalt  }
0x6e: {  	_ =	shalt  }
0x6f: {  	_ =	shalt  }
0x70: {  	_ =	shalt  }
0x71: {  	_ =	shalt  }
0x72: {  	_ =	shalt  }
0x73: {  	_ =	shalt  }
0x74: {  	_ =	shalt  }
0x75: {  	_ =	shalt  }
0x76: {  	_ =	shalt  }
0x77: {  	_ =	shalt  }
0x78: {  	_ =	shalt  }
0x79: {  	_ =	shalt  }
0x7a: {  	_ =	shalt  }
0x7b: {  	_ =	shalt  }
0x7c: {  	_ =	shalt  }
0x7d: {  	_ =	shalt  }
0x7e: {  	_ =	shalt  }
0x7f: {  	_ =	shalt  }
0x80: {  	_ =	shalt  }
0x81: {  	_ =	shalt  }
0x82: {  	_ =	shalt  }
0x83: {  	_ =	shalt  }
0x84: {  	_ =	shalt  }
0x85: {  	_ =	shalt  }
0x86: {  	_ =	shalt  }
0x87: {  	_ =	shalt  }
.Lfunc_end0:
.L_simem_size_0:
called_computation.1_lowered:
.L_overlay_start_0:
0x88: {  	s2 =	sld [smem:$0x3FD9]  }
0x89: {  	s3 =	sld [smem:$0x3FFE];
	_ =	sdelay $0x1  }
0x8a: {  	s1 =	srdreg.scid  }
0x8b: {  	s0 =	sand.u32 $0x1, s1  }
0x8c: {  	s17 =	sshll.u32 s0, $0xA;
	s2 =	sadd.s32 s3, s2  }
0x8d: {  	s2 =	sadd.s32 s2, s17  }
0x8e: {  	[smem:$0x3FAA] =	sst s2  }
0x8f: {  	_ = 	snop  }
0x90: {  	(tm) =	ssettm $0x1  }
0x91: {  	s18 =	sld [smem:$0x3FFB];
	_ =	sdelay $0x3  }
0x92: {  	_ =	strace s18  }
0x93: {  	s2 =	sld [smem:$0x3FFC];
	_ =	sdelay $0x3  }
0x94: {  	_ =	strace s2  }
0x95: {  	s2 =	sld [smem:$0x3FFD];
	_ =	sdelay $0x3  }
0x96: {  	_ =	strace s2  }
0x97: {  	_ =	strace $0x8FFFFFFF  }
0x98: {  	s19 =	sld [smem:$0x3FDB];
	_ =	sdelay $0x1  }
0x99: {  	s20 =	simm.s32 $_scs_section_size  }
0x9a: {  	s4 =	simm.s32 $_size__tile_overlayer_lowered;
	s5 =	simm.s32 $_tile_overlayer_lowered  }
0x9b: {  	s6 =	simm.s32 $0x1BFF;
	s21 =	sshll.u32 s5, $0x1;
	s3 =	sadd.s32 s20, s19  }
0x9c: {  	s22 =	simm.s32 $0x0;
	s4 =	sshll.u32 s4, $0x1;
	s5 =	sadd.s32 s21, s3  }
0x9d: {  	[timem:s22], [sflag:s6] =	dma.local [hbm:s5], s4  }
0x9e: {  	_ =	swait.ge [sflag:s6], s4  }
0x9f: {  	s4 =	ssub.s32 $0x0, s4;
	[sflag:s6] =	ssyncset.done $0x0  }
0xa0: {  	[sflag:s6] =	ssyncadd.s32 s4;
	_ =	sdelay $0x1  }
0xa1: {  	s23 =	simm.s32 $0x1B8B  }
0xa2: {  	_ =	swait.ge [sflag:s23], $0x1  }
0xa3: {  	[sflag:s23] =	ssyncset.done $0x0  }
0xa4: {  	[sflag:s23] =	ssyncadd.s32 $0xFFFFFFFF  }
0xa5: {  	s4 =	sld [smem:$0x0]  }
0xa6: {  	s5 =	sand.u32 $0xFFFFFFFE, s1  }
0xa7: {  	p0 =	sne.s32 s1, s5  }
0xa8: {  	s5 =	sshll.u32 @p0 s5, $0xE  }
0xa9: {  	s5 =	sadd.s32 @p0 $0x11B8D, s5;
	s6 =	sshll.u32 @p0 s4, $0x11  }
0xaa: {  	s5 =	sor.u32 @p0 s6, s5  }
0xab: {  	[sflag:s5] =	ssyncadd.remote.s32 @p0 $0x1;
	_ =	sdelay $0x1  }
0xac: {  	s5 =	simm.s32 @p0 $0x1B8D  }
0xad: {  	_ =	swait.eq @p0 [sflag:s5], $0x1  }
0xae: {  	[sflag:s5] =	ssyncadd.s32 @p0 $0xFFFFFFFF  }
0xaf: {  	s6 =	sshll.u32 @!p0 s1, $0xE  }
0xb0: {  	s6 =	sor.u32 @!p0 $0x4000, s6;
	s5 =	simm.s32 @!p0 $0x1B8D  }
0xb1: {  	s4 =	sshll.u32 @!p0 s4, $0x11;
	s6 =	sadd.s32 @!p0 $0x11B8D, s6;
	_ =	swait.eq @!p0 [sflag:s5], $0x1  }
0xb2: {  	s4 =	sor.u32 @!p0 s4, s6;
	[sflag:s5] =	ssyncadd.s32 @!p0 $0xFFFFFFFF  }
0xb3: {  	s25 =	simm.s32 $0x1B8E;
	s24 =	sld [smem:$0x3FFE];
	[sflag:s4] =	ssyncadd.remote.s32 @!p0 $0x1  }
0xb4: {  	s26 =	simm.s32 $execute0_lowered;
	[smem:$0x3FD2] =	sst s25  }
0xb5: {  	s5 =	sshll.u32 s26, $0x1;
	_ =	strace $0x8000004F;
	[dreg:$0x1] =	wrdreg $0xFFFFFFFF  }
0xb6: {  	s28 =	simm.s32 $_size_execute0_lowered;
	s3 =	sadd.s32 s3, s5;
	[dreg:$0x0] =	wrdreg $0x0  }
0xb7: {  	s5 =	sshll.u32 s28, $0x1;
	[dreg:$0x2] =	wrdreg s3  }
0xb8: {  	[dreg:$0x3] =	wrdreg s5  }
0xb9: {  	[dreg:$0x4] =	wrdreg $0xC0  }
0xba: {  	_ =	task [dreg:s22], $0x5FFFF  }
0xbb: {  	[dreg:$0x1] =	wrdreg $0xFFFFFFFF  }
0xbc: {  	[dreg:$0x0] =	wrdreg $0x60  }
0xbd: {  	[dreg:$0x2] =	wrdreg s24  }
0xbe: {  	[dreg:$0x3] =	wrdreg $0x9  }
0xbf: {  	_ =	task.clear_ibuf [dreg:s22], $0x4FFFF;
	_ =	strace $0x9000004F  }
0xc0: {  	s29 =	simm.s32 $0x9;
	_ =	strace $0x80000051  }
0xc1: {  	_ =	swait.ge [sflag:s29], $0x1  }
0xc2: {  	[sflag:s29] =	ssyncadd.s32 $0xFFFFFFFF  }
0xc3: {  	_ =	strace $0x90000051  }
0xc4: {  	_ =	sfence  }
0xc5: {  	s30 =	sld [smem:$0x0];
	_ =	sdelay $0x2  }
0xc6: {  	s31 =	sshll.u32 s1, $0xD;
	s1 =	sshrl.u32 s1, $0x2  }
0xc7: {  	s4 =	sand.u32 $0x4000, s31;
	s1 =	sadd.s32 s1, s30  }
0xc8: {  	s0 =	sor.u32 s4, s0;
	s1 =	sshll.u32 s1, $0x11  }
0xc9: {  	s0 =	sor.u32 s1, s0  }
0xca: {  	s0 =	sadd.s32 $0x8F2B, s0  }
0xcb: {  	[sflag:s0] =	ssyncadd.remote.s32 $0x1  }
0xcc: {  	_ =	sfence.sel $0xFFFF  }
0xcd: {  	[dreg:$0x0] =	wrdreg $0xFFFFFFFF;
	(pc) =	sbr.abs _section_cstart, $3  }
0xce: {  	[dreg:$0x1] =	wrdreg $0xFFFFFFFF  }
0xcf: {  	_ =	task.clear_ibuf [dreg:s22], $0x2FFFF;
	_ =	strace $0x9FFFFFFF  }
0xd0: {  	(tm) =	ssettm $0x7FFFFFFF  }
0xd1: {  	_ =	shalt  }
tec
execute0_lowered:
.L_overlay_start_1:
0x0: {  	(tag) =	ssettag $0x1  }
0x1: {  	s1 =	srdreg.scid  }
0x2: {  	s0 =	stileid.u32;
	s3 =	rddreg [dreg:$0x0]  }
0x3: {  	s2 =	simm.s32 $0x0;
	s15 =	simm.s32 $0xA00;
	s16 =	simm.s32 $0x1400  }
0x4: {  	s17 =	simm.s32 $0xB400;
	s4 =	sand.u32 $0x1, s1;
	s5 =	sshll.u32 s0, $0x1  }
0x5: {  	s18 =	simm.s32 $0x0;
	s1 =	rddreg [dreg:$0x1];
	s5 =	sor.u32 s4, s5  }
0x6: {  	[smem:$0x7FF] =	sst s2;
	s4 =	ssub.s32 $0x2, s4;
	s6 =	smul.u32 $0x14000, s5  }
0x7: {  	s13 =	sadd.s32 $0x67A00, s3;
	s5 =	smul.u32 $0x2800, s5;
	s31 =	sshrl.u32 s4, $0x1  }
0x8: {  	s12 =	sadd.s32 $0xC1A00, s3;
	_ =	strace $0x80000050;
	s7 =	ssub.s32 s4, s31  }
0x9: {  	s6 =	sshrl.u32 s6, $0x3;
	s10 =	sshrl.u32 s5, $0x3;
	s5 =	smax.u32 s7, $0x1  }
0xa: {  	s6 =	sadd.s32 s6, s3;
	s9 =	sadd.s32 $0x140, s10;
	s7 =	sadd.s32 s13, s10  }
0xb: {  	s11 =	sadd.s32 $0x280, s10;
	s14 =	sadd.s32 $0x3C0, s10;
	s3 =	sadd.s32 $0x71A00, s6  }
0xc: {  	s4 =	sadd.s32 $0x72E00, s6;
	s6 =	sadd.s32 s12, s10;
	s8 =	sadd.s32 s12, s9  }
0xd: {  	s9 =	sadd.s32 s13, s9;
	s10 =	sadd.s32 s12, s11;
	s11 =	sadd.s32 s13, s11  }
0xe: {  	v0 =	vimm.f32 $0.0e+00;
	v1 =	vimm.f32 $1.000000000e+00;
	s12 =	sadd.s32 s12, s14;
	s13 =	sadd.s32 s13, s14;
	s14 =	simm.s32 $0x1  }
.LBB2_1:
0xf: {  	s19 =	simm.s32 $0x40;
	s20 =	simm.s32 $0x0  }
.LBB2_2:
0x10: {  	p0 =	sne.s32 s19, $0x27FC0;
	[tilespmem:s20+$0x1400] =	vst v0;
	s21 =	smov.u32 s19;
	s19 =	sadd.s32 $0x40, s19  }
.Ltmp0:
0x11: {  	[tilespmem:s20+$0xB400] =	vst v0;
	(pc) =	sbr.rel @p0 .LBB2_2-.Ltmp0, $2  }
0x12: {  	_ =	sdelay $0x2  }
0x13: {  	s20 =	sshra.s32 s21, $0x2  }
0x14: {  	[tilespmem:s20+$0x1400] =	vst v0  }
0x15: {  	[tilespmem:s20+$0xB400] =	vst v0;
	s19 =	simm.s32 $0x0  }
0x16: {  	[tilespmem:s19], [sflag:$0x1] =	stream.linear.gather [hbm4b:s6+s19], $0xA00, $0x38;
	[tilespmem:$0x15400] =	vst v63  }
0x17: {  	_ =	swait.ge [sflag:s14], $0xA00  }
0x18: {  	[sflag:s14] =	ssyncset.done $0x0  }
0x19: {  	[sflag:s14] =	ssyncadd.s32 $0xFFFFF600  }
0x1a: {  	[tilespmem:s15], [sflag:$0x1] =	stream.linear.gather [hbm4b:s7+s19], $0xA00, $0x38;
	[tilespmem:$0x15400] =	vst v63  }
0x1b: {  	_ =	swait.ge [sflag:s14], $0xA00  }
0x1c: {  	[sflag:s14] =	ssyncset.done $0x0  }
0x1d: {  	s20 =	simm.s32 $0x0;
	[sflag:s14] =	ssyncadd.s32 $0xFFFFF600  }
0x1e: {  	s19 =	simm.s32 $0x40;
	v2 =	vld [tilespmem:s20+$0x0]  }
.LBB2_4:
0x1f: {  	p0 =	sne.s32 s19, $0x27C0;
	_ =	sdelay $0x1  }
0x20: {  	v3 =	vld [tilespmem:s20+$0xA00];
	_ =	sdelay $0x2  }
.Ltmp1:
0x21: {  	(pc) =	sbr.rel @p0 .LBB2_4-.Ltmp1, $4  }
0x22: {  	_ = 	snop  }
0x23: {  	[tilespmem:v2+s16+$0x0] =	vst.idx.add.f32.msk $0xffff, v3  }
0x24: {  	s20 =	sshra.s32 s19, $0x2;
	[tilespmem:v2+s17+$0x0] =	vst.idx.add.f32.msk $0xffff, v1  }
0x25: {  	s19 =	sadd.s32 $0x40, s19;
	v2 =	vld [tilespmem:s20+$0x0]  }
0x26: {  	_ =	sdelay $0x2  }
0x27: {  	v3 =	vld [tilespmem:s20+$0xA00];
	_ =	sdelay $0x4  }
0x28: {  	[tilespmem:v2+s16+$0x0] =	vst.idx.add.f32.msk $0xffff, v3  }
0x29: {  	s19 =	simm.s32 $0x0;
	[tilespmem:v2+s17+$0x0] =	vst.idx.add.f32.msk $0xffff, v1  }
0x2a: {  	[tilespmem:s19], [sflag:$0x1] =	stream.linear.gather [hbm4b:s8+s19], $0xA00, $0x38;
	[tilespmem:$0x15400] =	vst v63  }
0x2b: {  	_ =	swait.ge [sflag:s14], $0xA00  }
0x2c: {  	[sflag:s14] =	ssyncset.done $0x0  }
0x2d: {  	[sflag:s14] =	ssyncadd.s32 $0xFFFFF600  }
0x2e: {  	[tilespmem:s15], [sflag:$0x1] =	stream.linear.gather [hbm4b:s9+s19], $0xA00, $0x38;
	[tilespmem:$0x15400] =	vst v63  }
0x2f: {  	_ =	swait.ge [sflag:s14], $0xA00  }
0x30: {  	[sflag:s14] =	ssyncset.done $0x0  }
0x31: {  	s20 =	simm.s32 $0x0;
	[sflag:s14] =	ssyncadd.s32 $0xFFFFF600  }
0x32: {  	s19 =	simm.s32 $0x40;
	v2 =	vld [tilespmem:s20+$0x0]  }
.LBB2_6:
0x33: {  	p0 =	sne.s32 s19, $0x27C0;
	_ =	sdelay $0x1  }
0x34: {  	v3 =	vld [tilespmem:s20+$0xA00];
	_ =	sdelay $0x2  }
.Ltmp2:
0x35: {  	(pc) =	sbr.rel @p0 .LBB2_6-.Ltmp2, $4  }
0x36: {  	_ = 	snop  }
0x37: {  	[tilespmem:v2+s16+$0x0] =	vst.idx.add.f32.msk $0xffff, v3  }
0x38: {  	s20 =	sshra.s32 s19, $0x2;
	[tilespmem:v2+s17+$0x0] =	vst.idx.add.f32.msk $0xffff, v1  }
0x39: {  	s19 =	sadd.s32 $0x40, s19;
	v2 =	vld [tilespmem:s20+$0x0]  }
0x3a: {  	_ =	sdelay $0x2  }
0x3b: {  	v3 =	vld [tilespmem:s20+$0xA00];
	_ =	sdelay $0x4  }
0x3c: {  	[tilespmem:v2+s16+$0x0] =	vst.idx.add.f32.msk $0xffff, v3  }
0x3d: {  	s19 =	simm.s32 $0x0;
	[tilespmem:v2+s17+$0x0] =	vst.idx.add.f32.msk $0xffff, v1  }
0x3e: {  	[tilespmem:s19], [sflag:$0x1] =	stream.linear.gather [hbm4b:s10+s19], $0xA00, $0x38;
	[tilespmem:$0x15400] =	vst v63  }
0x3f: {  	_ =	swait.ge [sflag:s14], $0xA00  }
0x40: {  	[sflag:s14] =	ssyncset.done $0x0  }
0x41: {  	[sflag:s14] =	ssyncadd.s32 $0xFFFFF600  }
0x42: {  	[tilespmem:s15], [sflag:$0x1] =	stream.linear.gather [hbm4b:s11+s19], $0xA00, $0x38;
	[tilespmem:$0x15400] =	vst v63  }
0x43: {  	_ =	swait.ge [sflag:s14], $0xA00  }
0x44: {  	[sflag:s14] =	ssyncset.done $0x0  }
0x45: {  	s20 =	simm.s32 $0x0;
	[sflag:s14] =	ssyncadd.s32 $0xFFFFF600  }
0x46: {  	s19 =	simm.s32 $0x40;
	v2 =	vld [tilespmem:s20+$0x0]  }
.LBB2_8:
0x47: {  	p0 =	sne.s32 s19, $0x27C0;
	_ =	sdelay $0x1  }
0x48: {  	v3 =	vld [tilespmem:s20+$0xA00];
	_ =	sdelay $0x2  }
.Ltmp3:
0x49: {  	(pc) =	sbr.rel @p0 .LBB2_8-.Ltmp3, $4  }
0x4a: {  	_ = 	snop  }
0x4b: {  	[tilespmem:v2+s16+$0x0] =	vst.idx.add.f32.msk $0xffff, v3  }
0x4c: {  	s20 =	sshra.s32 s19, $0x2;
	[tilespmem:v2+s17+$0x0] =	vst.idx.add.f32.msk $0xffff, v1  }
0x4d: {  	s19 =	sadd.s32 $0x40, s19;
	v2 =	vld [tilespmem:s20+$0x0]  }
0x4e: {  	_ =	sdelay $0x2  }
0x4f: {  	v3 =	vld [tilespmem:s20+$0xA00];
	_ =	sdelay $0x4  }
0x50: {  	[tilespmem:v2+s16+$0x0] =	vst.idx.add.f32.msk $0xffff, v3  }
0x51: {  	s19 =	simm.s32 $0x0;
	[tilespmem:v2+s17+$0x0] =	vst.idx.add.f32.msk $0xffff, v1  }
0x52: {  	[tilespmem:s19], [sflag:$0x1] =	stream.linear.gather [hbm4b:s12+s19], $0xA00, $0x38;
	[tilespmem:$0x15400] =	vst v63  }
0x53: {  	_ =	swait.ge [sflag:s14], $0xA00  }
0x54: {  	[sflag:s14] =	ssyncset.done $0x0  }
0x55: {  	[sflag:s14] =	ssyncadd.s32 $0xFFFFF600  }
0x56: {  	[tilespmem:s15], [sflag:$0x1] =	stream.linear.gather [hbm4b:s13+s19], $0xA00, $0x38;
	[tilespmem:$0x15400] =	vst v63  }
0x57: {  	_ =	swait.ge [sflag:s14], $0xA00  }
0x58: {  	[sflag:s14] =	ssyncset.done $0x0  }
0x59: {  	s20 =	simm.s32 $0x0;
	[sflag:s14] =	ssyncadd.s32 $0xFFFFF600  }
0x5a: {  	s19 =	simm.s32 $0x40;
	v2 =	vld [tilespmem:s20+$0x0]  }
.LBB2_10:
0x5b: {  	p0 =	sne.s32 s19, $0x27C0;
	_ =	sdelay $0x1  }
0x5c: {  	v3 =	vld [tilespmem:s20+$0xA00];
	_ =	sdelay $0x2  }
.Ltmp4:
0x5d: {  	(pc) =	sbr.rel @p0 .LBB2_10-.Ltmp4, $4  }
0x5e: {  	_ = 	snop  }
0x5f: {  	[tilespmem:v2+s16+$0x0] =	vst.idx.add.f32.msk $0xffff, v3  }
0x60: {  	s20 =	sshra.s32 s19, $0x2;
	[tilespmem:v2+s17+$0x0] =	vst.idx.add.f32.msk $0xffff, v1  }
0x61: {  	s19 =	sadd.s32 $0x40, s19;
	v2 =	vld [tilespmem:s20+$0x0]  }
0x62: {  	_ =	sdelay $0x2  }
0x63: {  	v3 =	vld [tilespmem:s20+$0xA00];
	_ =	sdelay $0x4  }
0x64: {  	[tilespmem:v2+s16+$0x0] =	vst.idx.add.f32.msk $0xffff, v3  }
0x65: {  	[tilespmem:v2+s17+$0x0] =	vst.idx.add.f32.msk $0xffff, v1  }
0x66: {  	[hbm4b:s3+s2] =	stream.linear.scatter [tilespmem:s16], [sflag:$0x1], $0xA000, $0x38;
	[tilespmem:$0x15400] =	vst v63  }
0x67: {  	s18 =	sadd.s32 $0x1, s18;
	_ =	swait.ge [sflag:s14], $0xA000  }
0x68: {  	p0 =	sne.s32 s18, s5;
	[sflag:s14] =	ssyncset.done $0x0  }
.Ltmp5:
0x69: {  	[sflag:s14] =	ssyncadd.s32 $0xFFFF6000;
	(pc) =	sbr.rel @p0 .LBB2_1-.Ltmp5, $4  }
0x6a: {  	[hbm4b:s4+s2] =	stream.linear.scatter [tilespmem:s17], [sflag:$0x1], $0xA000, $0x38;
	[tilespmem:$0x15400] =	vst v63  }
0x6b: {  	_ =	swait.ge [sflag:s14], $0xA000  }
0x6c: {  	[sflag:s14] =	ssyncset.done $0x0  }
0x6d: {  	[sflag:s14] =	ssyncadd.s32 $0xFFFF6000  }
0x6e: {  	_ =	sfence.sel $0x180000  }
0x6f: {  	[bflag:$0x0] =	sbarrier.arrive $0xFFFF  }
0x70: {  	p0 =	sne.s32 s0, $0x0;
	_ =	strace $0x90000050  }
0x71: {  	s0 =	sadd.s32 @!p0 $0x100000, s1;
	[bflag:$0x2] =	sbarrier.arrive $0xFFFF  }
0x72: {  	[sflag:s0] =	ssyncadd.tile.s32 @!p0 $0x1;
	_ =	shalt  }
.Lfunc_end2:
_tile_overlayer_lowered:
.L_overlay_start_2:
0x73: {  	(tag) =	ssettag $0x2  }
0x74: {  	s0 =	rddreg [dreg:$0x0];
	s2 =	stileid.u32  }
0x75: {  	s1 =	rddreg [dreg:$0x1];
	p0 =	sne.s32 s2, $0x0  }
0x76: {  	s3 =	rddreg [dreg:$0x2];
	[bflag:$0x3] =	sbarrier.arrive $0xFFFF;
	s2 =	simm.s32 @!p0 $0x1C01  }
0x77: {  	[timem:s3], [sflag:s2] =	dma.local @!p0 [hbm:s0], s1  }
0x78: {  	s0 =	simm.s32 @!p0 $0x1  }
0x79: {  	_ =	swait.ge @!p0 [sflag:s0], s1  }
0x7a: {  	s1 =	ssub.s32 @!p0 $0x0, s1;
	[sflag:s0] =	ssyncset.done @!p0 $0x0  }
0x7b: {  	[sflag:s0] =	ssyncadd.s32 @!p0 s1  }
0x7c: {  	[bflag:$0x3] =	sbarrier.arrive $0xFFFF  }
0x7d: {  	_ =	shalt  }

// kernel: kernel.15.cloned.1.call-start
scs
__scs_entry_jumppad:
0x0: {  	(pc) =	sbr.rel $0x88, $3  }
0x1: {  	(tag) =	ssettag $0x0;
	lr =	simm.s32 $0x1  }
0x2: {  	[smem:$0x3F83] =	sst lr;
	_ =	strace $0xD0000000  }
0x3: {  	_ = 	snop  }
0x4: {  	_ = 	snop  }
0x5: {  	_ = 	snop  }
0x6: {  	_ = 	snop  }
0x7: {  	_ = 	snop  }
__scs_overlays_trampoline_lowered:
0x8: {  	[smem:$0x3F92] =	sst s0  }
0x9: {  	[smem:$0x3F93] =	sst s1  }
0xa: {  	[smem:$0x3F94] =	sst s2  }
0xb: {  	[smem:$0x3F95] =	sst s3  }
0xc: {  	[smem:$0x3F96] =	sst s4  }
0xd: {  	[smem:$0x3F97] =	sst s5  }
0xe: {  	[smem:$0x3F98] =	sst s6  }
0xf: {  	[smem:$0x3F99] =	sst s7  }
0x10: {  	[smem:$0x3F9A] =	sst s8  }
0x11: {  	[smem:$0x3F9B] =	sst s9;
	s0 =	simm.s32 @!p0 $0x0  }
0x12: {  	s1 =	sld [smem:$0x3F81];
	s0 =	simm.s32 @p0 $0x1  }
0x13: {  	[smem:$0x3F9C] =	sst s0;
	s0 =	simm.s32 @!p1 $0x0  }
0x14: {  	s2 =	sld [smem:$0x3F80];
	s0 =	simm.s32 @p1 $0x1  }
0x15: {  	[smem:$0x3F9D] =	sst s0;
	s0 =	simm.s32 @!p2 $0x0  }
0x16: {  	s3 =	sld [smem:$0x3FDB];
	s0 =	simm.s32 @p2 $0x1  }
0x17: {  	s4 =	simm.s32 $0x1BF5;
	[smem:$0x3F9F] =	sst s0  }
0x18: {  	s0 =	sld [smem:$0x3F82];
	_ =	swait.ge [sflag:s4], $0x0  }
0x19: {  	s7 =	sld [smem:$0x3F83]  }
0x1a: {  	s8 =	sadd.s32 $0xFFFFE003, lr  }
0x1b: {  	s9 =	sadd.s32 $0xFFFFFEF7, lr;
	s5 =	simm.s32 $0xFFFFFFFF;
	p2 =	slt.u32 s8, $0xFFFFF086  }
0x1c: {  	p1 =	slt.u32 s9, $0xF7A;
	s5 =	simm.s32 @!p2 $0x0  }
0x1d: {  	s5 =	simm.s32 @p1 $0x1;
	p0 =	seq.s32 s7, s2  }
0x1e: {  	s7 =	smul.u32 @!p0 $0xF7A, s2;
	p2 =	seq.s32 @!p0 s5, $0x0  }
0x1f: {  	s9 =	smul.u32 $0xF7A, s1;
	s8 =	simm.s32 @!p0 $0x1BF5;
	p2 =	por !p2, p0  }
0x20: {  	[sflag:s8] =	ssyncset.s32 @!p0 $0xFFFFF086;
	s6 =	sadd.s32 @!p0 s3, s7;
	s7 =	simm.s32 @!p0 $0x108  }
0x21: {  	s3 =	sadd.s32 s3, s9;
	s6 =	sadd.s32 @!p0 $0x88, s6;
	s7 =	simm.s32 @p2 $0x1082  }
0x22: {  	[simem:s7], [sflag:s8] =	dma.local @!p0 [hbm:s6], $0xF7A  }
0x23: {  	s9 =	sor.u32 $0xD0000000, s2;
	s6 =	simm.s32 $0x108;
	_ =	swait.ge @!p0 [sflag:s8], $0x0  }
0x24: {  	s3 =	sadd.s32 $0x88, s3;
	s6 =	simm.s32 @!p1 $0x1082;
	[sflag:s4] =	ssyncset.s32 $0xFFFFF086  }
0x25: {  	[simem:s6], [sflag:s4] =	dma.local [hbm:s3], $0xF7A  }
0x26: {  	[smem:$0x3F83] =	sst s1;
	(tag) =	ssettag s2;
	_ =	strace s9  }
0x27: {  	s1 =	sld [smem:$0x3F93]  }
0x28: {  	s2 =	sld [smem:$0x3F94]  }
0x29: {  	s4 =	sld [smem:$0x3F96]  }
0x2a: {  	p0 =	seq.s32 s5, $0x0;
	s5 =	sld [smem:$0x3F97]  }
0x2b: {  	s6 =	sld [smem:$0x3F98]  }
0x2c: {  	s7 =	sld [smem:$0x3F99]  }
0x2d: {  	s3 =	simm.s32 $0x108;
	s8 =	sld [smem:$0x3F9A]  }
0x2e: {  	s3 =	simm.s32 @!p0 $0x1082;
	s9 =	sld [smem:$0x3F9B]  }
0x2f: {  	lr =	sadd.s32 s0, s3;
	s0 =	sld [smem:$0x3F92]  }
0x30: {  	s3 =	sld [smem:$0x3F95]  }
0x31: {  	[smem:$0x3F9E] =	sst s10  }
0x32: {  	s10 =	sld [smem:$0x3F9C];
	_ =	sdelay $0x3  }
0x33: {  	p0 =	seq.s32 s10, $0x1;
	s10 =	sld [smem:$0x3F9E];
	_ =	sdelay $0x3  }
0x34: {  	[smem:$0x3F9E] =	sst s10  }
0x35: {  	s10 =	sld [smem:$0x3F9D];
	_ =	sdelay $0x3  }
0x36: {  	p1 =	seq.s32 s10, $0x1;
	s10 =	sld [smem:$0x3F9E];
	_ =	sdelay $0x3  }
0x37: {  	[smem:$0x3F9E] =	sst s10  }
0x38: {  	s10 =	sld [smem:$0x3F9F]  }
0x39: {  	_ = 	snop;
	(pc) =	sbr.ind lr, $3  }
0x3a: {  	_ = 	snop  }
0x3b: {  	_ = 	snop  }
0x3c: {  	p2 =	seq.s32 s10, $0x1;
	s10 =	sld [smem:$0x3F9E]  }
0x3d: {  	_ =	shalt  }
0x3e: {  	_ =	shalt  }
0x3f: {  	_ =	shalt  }
0x40: {  	_ =	shalt  }
0x41: {  	_ =	shalt  }
0x42: {  	_ =	shalt  }
0x43: {  	_ =	shalt  }
0x44: {  	_ =	shalt  }
0x45: {  	_ =	shalt  }
0x46: {  	_ =	shalt  }
0x47: {  	_ =	shalt  }
0x48: {  	_ =	shalt  }
0x49: {  	_ =	shalt  }
0x4a: {  	_ =	shalt  }
0x4b: {  	_ =	shalt  }
0x4c: {  	_ =	shalt  }
0x4d: {  	_ =	shalt  }
0x4e: {  	_ =	shalt  }
0x4f: {  	_ =	shalt  }
0x50: {  	_ =	shalt  }
0x51: {  	_ =	shalt  }
0x52: {  	_ =	shalt  }
0x53: {  	_ =	shalt  }
0x54: {  	_ =	shalt  }
0x55: {  	_ =	shalt  }
0x56: {  	_ =	shalt  }
0x57: {  	_ =	shalt  }
0x58: {  	_ =	shalt  }
0x59: {  	_ =	shalt  }
0x5a: {  	_ =	shalt  }
0x5b: {  	_ =	shalt  }
0x5c: {  	_ =	shalt  }
0x5d: {  	_ =	shalt  }
0x5e: {  	_ =	shalt  }
0x5f: {  	_ =	shalt  }
0x60: {  	_ =	shalt  }
0x61: {  	_ =	shalt  }
0x62: {  	_ =	shalt  }
0x63: {  	_ =	shalt  }
0x64: {  	_ =	shalt  }
0x65: {  	_ =	shalt  }
0x66: {  	_ =	shalt  }
0x67: {  	_ =	shalt  }
0x68: {  	_ =	shalt  }
0x69: {  	_ =	shalt  }
0x6a: {  	_ =	shalt  }
0x6b: {  	_ =	shalt  }
0x6c: {  	_ =	shalt  }
0x6d: {  	_ =	shalt  }
0x6e: {  	_ =	shalt  }
0x6f: {  	_ =	shalt  }
0x70: {  	_ =	shalt  }
0x71: {  	_ =	shalt  }
0x72: {  	_ =	shalt  }
0x73: {  	_ =	shalt  }
0x74: {  	_ =	shalt  }
0x75: {  	_ =	shalt  }
0x76: {  	_ =	shalt  }
0x77: {  	_ =	shalt  }
0x78: {  	_ =	shalt  }
0x79: {  	_ =	shalt  }
0x7a: {  	_ =	shalt  }
0x7b: {  	_ =	shalt  }
0x7c: {  	_ =	shalt  }
0x7d: {  	_ =	shalt  }
0x7e: {  	_ =	shalt  }
0x7f: {  	_ =	shalt  }
0x80: {  	_ =	shalt  }
0x81: {  	_ =	shalt  }
0x82: {  	_ =	shalt  }
0x83: {  	_ =	shalt  }
0x84: {  	_ =	shalt  }
0x85: {  	_ =	shalt  }
0x86: {  	_ =	shalt  }
0x87: {  	_ =	shalt  }
.Lfunc_end0:
.L_simem_size_0:
called_computation.2_lowered:
.L_overlay_start_0:
0x88: {  	s2 =	sld [smem:$0x3FD9]  }
0x89: {  	s3 =	sld [smem:$0x3FFE];
	_ =	sdelay $0x1  }
0x8a: {  	s1 =	srdreg.scid  }
0x8b: {  	s0 =	sand.u32 $0x1, s1  }
0x8c: {  	s16 =	sshll.u32 s0, $0xA;
	s2 =	sadd.s32 s3, s2  }
0x8d: {  	s2 =	sadd.s32 s2, s16  }
0x8e: {  	[smem:$0x3FAA] =	sst s2  }
0x8f: {  	_ = 	snop  }
0x90: {  	(tm) =	ssettm $0x1  }
0x91: {  	s17 =	sld [smem:$0x3FFB];
	_ =	sdelay $0x3  }
0x92: {  	_ =	strace s17  }
0x93: {  	s2 =	sld [smem:$0x3FFC];
	_ =	sdelay $0x3  }
0x94: {  	_ =	strace s2  }
0x95: {  	s2 =	sld [smem:$0x3FFD];
	_ =	sdelay $0x3  }
0x96: {  	_ =	strace s2  }
0x97: {  	_ =	strace $0x8FFFFFFF  }
0x98: {  	s18 =	sld [smem:$0x3FDB];
	_ =	sdelay $0x1  }
0x99: {  	s19 =	simm.s32 $_scs_section_size  }
0x9a: {  	s4 =	simm.s32 $_size__tile_overlayer_lowered;
	s5 =	simm.s32 $_tile_overlayer_lowered  }
0x9b: {  	s22 =	simm.s32 $0x1BFF;
	s21 =	sshll.u32 s5, $0x1;
	s2 =	sadd.s32 s19, s18  }
0x9c: {  	s6 =	simm.s32 $0x0;
	s20 =	sshll.u32 s4, $0x1;
	s4 =	sadd.s32 s21, s2  }
0x9d: {  	[timem:s6], [sflag:s22] =	dma.local [hbm:s4], s20  }
0x9e: {  	_ =	swait.ge [sflag:s22], s20  }
0x9f: {  	s3 =	ssub.s32 $0x0, s20;
	[sflag:s22] =	ssyncset.done $0x0  }
0xa0: {  	[sflag:s22] =	ssyncadd.s32 s3;
	_ =	sdelay $0x1  }
0xa1: {  	s23 =	simm.s32 $0x1B8B  }
0xa2: {  	_ =	swait.ge [sflag:s23], $0x1  }
0xa3: {  	[sflag:s23] =	ssyncset.done $0x0  }
0xa4: {  	s25 =	simm.s32 $0x1B8E;
	s24 =	sld [smem:$0x3FFE];
	[sflag:s23] =	ssyncadd.s32 $0xFFFFFFFF  }
0xa5: {  	s26 =	simm.s32 $execute0_lowered;
	[smem:$0x3FD2] =	sst s25  }
0xa6: {  	s4 =	sshll.u32 s26, $0x1;
	_ =	strace $0x80000046;
	[dreg:$0x1] =	wrdreg $0xFFFFFFFF  }
0xa7: {  	s28 =	simm.s32 $_size_execute0_lowered;
	s2 =	sadd.s32 s2, s4;
	[dreg:$0x0] =	wrdreg $0x0  }
0xa8: {  	s4 =	sshll.u32 s28, $0x1;
	[dreg:$0x2] =	wrdreg s2  }
0xa9: {  	[dreg:$0x3] =	wrdreg s4  }
0xaa: {  	[dreg:$0x4] =	wrdreg $0xC0  }
0xab: {  	_ =	task [dreg:s6], $0x5FFFF  }
0xac: {  	[dreg:$0x1] =	wrdreg $0xFFFFFFFF  }
0xad: {  	[dreg:$0x0] =	wrdreg $0x60  }
0xae: {  	[dreg:$0x2] =	wrdreg s24  }
0xaf: {  	[dreg:$0x3] =	wrdreg $0xA  }
0xb0: {  	_ =	task.clear_ibuf [dreg:s6], $0x4FFFF;
	_ =	strace $0x90000046  }
0xb1: {  	s29 =	simm.s32 $0xA;
	_ =	strace $0x80000048  }
0xb2: {  	_ =	swait.ge [sflag:s29], $0x1  }
0xb3: {  	[sflag:s29] =	ssyncadd.s32 $0xFFFFFFFF  }
0xb4: {  	_ =	strace $0x90000048  }
0xb5: {  	_ =	sfence  }
0xb6: {  	s30 =	sld [smem:$0x0];
	_ =	sdelay $0x2  }
0xb7: {  	s31 =	sshll.u32 s1, $0xD;
	s1 =	sshrl.u32 s1, $0x2  }
0xb8: {  	s3 =	sand.u32 $0x4000, s31;
	s1 =	sadd.s32 s1, s30  }
0xb9: {  	s0 =	sor.u32 s3, s0;
	s1 =	sshll.u32 s1, $0x11  }
0xba: {  	s0 =	sor.u32 s1, s0  }
0xbb: {  	s0 =	sadd.s32 $0x8F2B, s0  }
0xbc: {  	[sflag:s0] =	ssyncadd.remote.s32 $0x1  }
0xbd: {  	_ =	sfence.sel $0xFFFF  }
0xbe: {  	[dreg:$0x0] =	wrdreg $0xFFFFFFFF;
	(pc) =	sbr.abs _section_cstart, $3  }
0xbf: {  	[dreg:$0x1] =	wrdreg $0xFFFFFFFF  }
0xc0: {  	_ =	task.clear_ibuf [dreg:s6], $0x2FFFF;
	_ =	strace $0x9FFFFFFF  }
0xc1: {  	(tm) =	ssettm $0x7FFFFFFF  }
tec
execute0_lowered:
.L_overlay_start_1:
0x0: {  	(tag) =	ssettag $0x1  }
0x1: {  	s4 =	rddreg [dreg:$0x0]  }
0x2: {  	s0 =	rddreg [dreg:$0x1];
	s3 =	srdreg.scid  }
0x3: {  	s1 =	stileid.u32;
	s2 =	simm.s32 $0x0;
	s10 =	simm.s32 $0x3000  }
0x4: {  	s11 =	simm.s32 $0x3800;
	s12 =	simm.s32 $0x4000;
	s13 =	simm.s32 $0x4800  }
0x5: {  	s14 =	simm.s32 $0x5000;
	s15 =	simm.s32 $0x5800;
	s16 =	simm.s32 $0x6000  }
0x6: {  	s17 =	simm.s32 $0x1;
	s18 =	simm.s32 $0x0;
	s3 =	sand.u32 $0x1, s3  }
0x7: {  	s5 =	smul.u32 $0x50000, s1;
	[smem:$0x7FF] =	sst s2;
	s6 =	sshll.u32 s1, $0x1  }
0x8: {  	s7 =	smul.u32 $0x28000, s3;
	s6 =	sor.u32 s3, s6;
	s30 =	ssub.s32 $0x2, s3  }
0x9: {  	_ =	strace $0x80000047;
	s6 =	smul.u32 $0x500, s6;
	s8 =	sshrl.u32 s30, $0x1  }
0xa: {  	s3 =	sadd.s32 $0xDC00, s4;
	s5 =	sadd.s32 s7, s5;
	s31 =	ssub.s32 s30, s8  }
0xb: {  	s7 =	simm.s32 $0x2;
	s5 =	sshrl.u32 s5, $0x3;
	s6 =	sadd.s32 s6, s4  }
0xc: {  	s8 =	simm.s32 $0x80;
	s9 =	sadd.s32 s5, s4;
	s4 =	sadd.s32 $0x3C00, s6  }
0xd: {  	s5 =	smax.u32 s31, $0x1;
	s6 =	sadd.s32 $0x17A00, s9;
	s9 =	simm.s32 $0x2800  }
.LBB2_1:
0xe: {  	[tilespmem:s2], [sflag:$0x2] =	stream.linear.gather [hbm4b:s4+s2], $0x2800, $0x38;
	[tilespmem:$0x6800] =	vst v63  }
0xf: {  	_ =	swait.ge [sflag:s7], $0x2800  }
0x10: {  	[sflag:s7] =	ssyncset.done $0x0  }
0x11: {  	s19 =	simm.s32 $0x0;
	[sflag:s7] =	ssyncadd.s32 $0xFFFFD800  }
0x12: {  	[tilespmem:s9], [sflag:$0x1] =	stream.indirect.gather [hbm4b:s3+s8], $0x10, s19, s8, $0xb8;
	[tilespmem:$0x6800] =	vst v63  }
0x13: {  	s24 =	simm.s32 $0x80  }
0x14: {  	[tilespmem:s10], [sflag:$0x1] =	stream.indirect.gather [hbm4b:s3+s8], $0x10, s24, s8, $0xb8;
	[tilespmem:$0x6800] =	vst v63  }
0x15: {  	s25 =	simm.s32 $0x100  }
0x16: {  	[tilespmem:s11], [sflag:$0x1] =	stream.indirect.gather [hbm4b:s3+s8], $0x10, s25, s8, $0xb8;
	[tilespmem:$0x6800] =	vst v63  }
0x17: {  	s26 =	simm.s32 $0x180  }
0x18: {  	[tilespmem:s12], [sflag:$0x1] =	stream.indirect.gather [hbm4b:s3+s8], $0x10, s26, s8, $0xb8;
	[tilespmem:$0x6800] =	vst v63  }
0x19: {  	s28 =	simm.s32 $0x200  }
0x1a: {  	[tilespmem:s13], [sflag:$0x1] =	stream.indirect.gather [hbm4b:s3+s8], $0x10, s28, s8, $0xb8;
	[tilespmem:$0x6800] =	vst v63  }
0x1b: {  	s29 =	simm.s32 $0x280  }
0x1c: {  	[tilespmem:s14], [sflag:$0x1] =	stream.indirect.gather [hbm4b:s3+s8], $0x10, s29, s8, $0xb8;
	[tilespmem:$0x6800] =	vst v63  }
0x1d: {  	s30 =	simm.s32 $0x300  }
0x1e: {  	[tilespmem:s15], [sflag:$0x1] =	stream.indirect.gather [hbm4b:s3+s8], $0x10, s30, s8, $0xb8;
	[tilespmem:$0x6800] =	vst v63  }
0x1f: {  	s31 =	simm.s32 $0x380  }
0x20: {  	[tilespmem:s16], [sflag:$0x1] =	stream.indirect.gather [hbm4b:s3+s8], $0x10, s31, s8, $0xb8;
	[tilespmem:$0x6800] =	vst v63  }
0x21: {  	_ =	swait.ge [sflag:s17], $0x800  }
0x22: {  	[sflag:s17] =	ssyncset.done $0x0  }
0x23: {  	[sflag:s17] =	ssyncadd.s32 $0xFFFFF800  }
0x24: {  	_ =	swait.ge [sflag:s17], $0x800  }
0x25: {  	[sflag:s17] =	ssyncset.done $0x0  }
0x26: {  	[sflag:s17] =	ssyncadd.s32 $0xFFFFF800  }
0x27: {  	_ =	swait.ge [sflag:s17], $0x800  }
0x28: {  	[sflag:s17] =	ssyncset.done $0x0  }
0x29: {  	[sflag:s17] =	ssyncadd.s32 $0xFFFFF800  }
0x2a: {  	_ =	swait.ge [sflag:s17], $0x800  }
0x2b: {  	[sflag:s17] =	ssyncset.done $0x0  }
0x2c: {  	[sflag:s17] =	ssyncadd.s32 $0xFFFFF800  }
0x2d: {  	_ =	swait.ge [sflag:s17], $0x800  }
0x2e: {  	[sflag:s17] =	ssyncset.done $0x0  }
0x2f: {  	[sflag:s17] =	ssyncadd.s32 $0xFFFFF800  }
0x30: {  	_ =	swait.ge [sflag:s17], $0x800  }
0x31: {  	[sflag:s17] =	ssyncset.done $0x0  }
0x32: {  	[sflag:s17] =	ssyncadd.s32 $0xFFFFF800  }
0x33: {  	_ =	swait.ge [sflag:s17], $0x800  }
0x34: {  	[sflag:s17] =	ssyncset.done $0x0  }
0x35: {  	[sflag:s17] =	ssyncadd.s32 $0xFFFFF800  }
0x36: {  	_ =	swait.ge [sflag:s17], $0x800  }
0x37: {  	[sflag:s17] =	ssyncset.done $0x0  }
0x38: {  	[sflag:s17] =	ssyncadd.s32 $0xFFFFF800  }
0x39: {  	[hbm4b:s6+s2] =	stream.linear.scatter [tilespmem:s9], [sflag:$0x2], $0x4000, $0x38;
	[tilespmem:$0x6800] =	vst v63  }
0x3a: {  	s20 =	simm.s32 $0x1000;
	_ =	swait.ge [sflag:s7], $0x4000  }
0x3b: {  	s22 =	simm.s32 $0x2000;
	s19 =	sadd.s32 $0x800, s6;
	[sflag:s7] =	ssyncset.done $0x0  }
.LBB2_2:
0x3c: {  	s23 =	sshra.s32 s20, $0x2  }
0x3d: {  	[sflag:s7] =	ssyncadd.s32 $0xFFFFC000;
	s20 =	smov.u32 s22;
	s21 =	sadd.s32 $0x1000, s22  }
0x3e: {  	[tilespmem:s9], [sflag:$0x1] =	stream.indirect.gather [hbm4b:s3+s8], $0x10, s23, s8, $0xb8;
	[tilespmem:$0x6800] =	vst v63  }
0x3f: {  	p0 =	sne.s32 s22, $0x9000;
	s22 =	sadd.s32 $0x80, s23  }
0x40: {  	[tilespmem:s10], [sflag:$0x1] =	stream.indirect.gather [hbm4b:s3+s8], $0x10, s22, s8, $0xb8;
	[tilespmem:$0x6800] =	vst v63  }
0x41: {  	s22 =	sadd.s32 $0x100, s23  }
0x42: {  	[tilespmem:s11], [sflag:$0x1] =	stream.indirect.gather [hbm4b:s3+s8], $0x10, s22, s8, $0xb8;
	[tilespmem:$0x6800] =	vst v63  }
0x43: {  	s22 =	sadd.s32 $0x180, s23  }
0x44: {  	[tilespmem:s12], [sflag:$0x1] =	stream.indirect.gather [hbm4b:s3+s8], $0x10, s22, s8, $0xb8;
	[tilespmem:$0x6800] =	vst v63  }
0x45: {  	s22 =	sadd.s32 $0x200, s23  }
0x46: {  	[tilespmem:s13], [sflag:$0x1] =	stream.indirect.gather [hbm4b:s3+s8], $0x10, s22, s8, $0xb8;
	[tilespmem:$0x6800] =	vst v63  }
0x47: {  	s22 =	sadd.s32 $0x280, s23  }
0x48: {  	[tilespmem:s14], [sflag:$0x1] =	stream.indirect.gather [hbm4b:s3+s8], $0x10, s22, s8, $0xb8;
	[tilespmem:$0x6800] =	vst v63  }
0x49: {  	s22 =	sadd.s32 $0x300, s23  }
0x4a: {  	[tilespmem:s15], [sflag:$0x1] =	stream.indirect.gather [hbm4b:s3+s8], $0x10, s22, s8, $0xb8;
	[tilespmem:$0x6800] =	vst v63  }
0x4b: {  	s22 =	sadd.s32 $0x380, s23  }
0x4c: {  	[tilespmem:s16], [sflag:$0x1] =	stream.indirect.gather [hbm4b:s3+s8], $0x10, s22, s8, $0xb8;
	[tilespmem:$0x6800] =	vst v63  }
0x4d: {  	_ =	swait.ge [sflag:s17], $0x800  }
0x4e: {  	[sflag:s17] =	ssyncset.done $0x0  }
0x4f: {  	[sflag:s17] =	ssyncadd.s32 $0xFFFFF800  }
0x50: {  	_ =	swait.ge [sflag:s17], $0x800  }
0x51: {  	[sflag:s17] =	ssyncset.done $0x0  }
0x52: {  	[sflag:s17] =	ssyncadd.s32 $0xFFFFF800  }
0x53: {  	_ =	swait.ge [sflag:s17], $0x800  }
0x54: {  	[sflag:s17] =	ssyncset.done $0x0  }
0x55: {  	[sflag:s17] =	ssyncadd.s32 $0xFFFFF800  }
0x56: {  	_ =	swait.ge [sflag:s17], $0x800  }
0x57: {  	[sflag:s17] =	ssyncset.done $0x0  }
0x58: {  	[sflag:s17] =	ssyncadd.s32 $0xFFFFF800  }
0x59: {  	_ =	swait.ge [sflag:s17], $0x800  }
0x5a: {  	[sflag:s17] =	ssyncset.done $0x0  }
0x5b: {  	[sflag:s17] =	ssyncadd.s32 $0xFFFFF800  }
0x5c: {  	_ =	swait.ge [sflag:s17], $0x800  }
0x5d: {  	[sflag:s17] =	ssyncset.done $0x0  }
0x5e: {  	[sflag:s17] =	ssyncadd.s32 $0xFFFFF800  }
0x5f: {  	_ =	swait.ge [sflag:s17], $0x800  }
0x60: {  	[sflag:s17] =	ssyncset.done $0x0  }
0x61: {  	[sflag:s17] =	ssyncadd.s32 $0xFFFFF800  }
0x62: {  	_ =	swait.ge [sflag:s17], $0x800  }
.Ltmp0:
0x63: {  	[sflag:s17] =	ssyncset.done $0x0;
	(pc) =	sbr.rel @p0 .LBB2_2-.Ltmp0, $4  }
0x64: {  	[sflag:s17] =	ssyncadd.s32 $0xFFFFF800  }
0x65: {  	[hbm4b:s19+s2] =	stream.linear.scatter [tilespmem:s9], [sflag:$0x2], $0x4000, $0x38;
	[tilespmem:$0x6800] =	vst v63  }
0x66: {  	_ =	swait.ge [sflag:s7], $0x4000  }
0x67: {  	s22 =	smov.u32 s21;
	s19 =	sadd.s32 $0x800, s19;
	[sflag:s7] =	ssyncset.done $0x0  }
0x68: {  	s20 =	sshra.s32 s20, $0x2;
	[sflag:s7] =	ssyncadd.s32 $0xFFFFC000  }
0x69: {  	[tilespmem:s9], [sflag:$0x1] =	stream.indirect.gather [hbm4b:s3+s8], $0x10, s20, s8, $0xb8;
	[tilespmem:$0x6800] =	vst v63  }
0x6a: {  	s21 =	sadd.s32 $0x80, s20  }
0x6b: {  	[tilespmem:s10], [sflag:$0x1] =	stream.indirect.gather [hbm4b:s3+s8], $0x10, s21, s8, $0xb8;
	[tilespmem:$0x6800] =	vst v63  }
0x6c: {  	s26 =	sadd.s32 $0x100, s20  }
0x6d: {  	[tilespmem:s11], [sflag:$0x1] =	stream.indirect.gather [hbm4b:s3+s8], $0x10, s26, s8, $0xb8;
	[tilespmem:$0x6800] =	vst v63  }
0x6e: {  	s28 =	sadd.s32 $0x180, s20  }
0x6f: {  	[tilespmem:s12], [sflag:$0x1] =	stream.indirect.gather [hbm4b:s3+s8], $0x10, s28, s8, $0xb8;
	[tilespmem:$0x6800] =	vst v63  }
0x70: {  	s29 =	sadd.s32 $0x200, s20  }
0x71: {  	[tilespmem:s13], [sflag:$0x1] =	stream.indirect.gather [hbm4b:s3+s8], $0x10, s29, s8, $0xb8;
	[tilespmem:$0x6800] =	vst v63  }
0x72: {  	s30 =	sadd.s32 $0x280, s20  }
0x73: {  	[tilespmem:s14], [sflag:$0x1] =	stream.indirect.gather [hbm4b:s3+s8], $0x10, s30, s8, $0xb8;
	[tilespmem:$0x6800] =	vst v63  }
0x74: {  	s31 =	sadd.s32 $0x300, s20  }
0x75: {  	[tilespmem:s15], [sflag:$0x1] =	stream.indirect.gather [hbm4b:s3+s8], $0x10, s31, s8, $0xb8;
	[tilespmem:$0x6800] =	vst v63  }
0x76: {  	s20 =	sadd.s32 $0x380, s20  }
0x77: {  	[tilespmem:s16], [sflag:$0x1] =	stream.indirect.gather [hbm4b:s3+s8], $0x10, s20, s8, $0xb8;
	[tilespmem:$0x6800] =	vst v63  }
0x78: {  	_ =	swait.ge [sflag:s17], $0x800  }
0x79: {  	[sflag:s17] =	ssyncset.done $0x0  }
0x7a: {  	[sflag:s17] =	ssyncadd.s32 $0xFFFFF800  }
0x7b: {  	_ =	swait.ge [sflag:s17], $0x800  }
0x7c: {  	[sflag:s17] =	ssyncset.done $0x0  }
0x7d: {  	[sflag:s17] =	ssyncadd.s32 $0xFFFFF800  }
0x7e: {  	_ =	swait.ge [sflag:s17], $0x800  }
0x7f: {  	[sflag:s17] =	ssyncset.done $0x0  }
0x80: {  	[sflag:s17] =	ssyncadd.s32 $0xFFFFF800  }
0x81: {  	_ =	swait.ge [sflag:s17], $0x800  }
0x82: {  	[sflag:s17] =	ssyncset.done $0x0  }
0x83: {  	[sflag:s17] =	ssyncadd.s32 $0xFFFFF800  }
0x84: {  	_ =	swait.ge [sflag:s17], $0x800  }
0x85: {  	[sflag:s17] =	ssyncset.done $0x0  }
0x86: {  	[sflag:s17] =	ssyncadd.s32 $0xFFFFF800  }
0x87: {  	_ =	swait.ge [sflag:s17], $0x800  }
0x88: {  	[sflag:s17] =	ssyncset.done $0x0  }
0x89: {  	[sflag:s17] =	ssyncadd.s32 $0xFFFFF800  }
0x8a: {  	_ =	swait.ge [sflag:s17], $0x800  }
0x8b: {  	[sflag:s17] =	ssyncset.done $0x0  }
0x8c: {  	[sflag:s17] =	ssyncadd.s32 $0xFFFFF800  }
0x8d: {  	s18 =	sadd.s32 $0x1, s18;
	_ =	swait.ge [sflag:s17], $0x800  }
0x8e: {  	p0 =	sne.s32 s18, s5;
	[sflag:s17] =	ssyncset.done $0x0  }
.Ltmp1:
0x8f: {  	[sflag:s17] =	ssyncadd.s32 $0xFFFFF800;
	(pc) =	sbr.rel @p0 .LBB2_1-.Ltmp1, $4  }
0x90: {  	[hbm4b:s19+s2] =	stream.linear.scatter [tilespmem:s9], [sflag:$0x2], $0x4000, $0x38;
	[tilespmem:$0x6800] =	vst v63  }
0x91: {  	_ =	swait.ge [sflag:s7], $0x4000  }
0x92: {  	[sflag:s7] =	ssyncset.done $0x0  }
0x93: {  	[sflag:s7] =	ssyncadd.s32 $0xFFFFC000  }
0x94: {  	_ =	sfence.sel $0x180000  }
0x95: {  	[bflag:$0x0] =	sbarrier.arrive $0xFFFF  }
0x96: {  	p0 =	sne.s32 s1, $0x0;
	_ =	strace $0x90000047  }
0x97: {  	s0 =	sadd.s32 @!p0 $0x100000, s0;
	[bflag:$0x2] =	sbarrier.arrive $0xFFFF  }
0x98: {  	[sflag:s0] =	ssyncadd.tile.s32 @!p0 $0x1;
	_ =	shalt  }
.Lfunc_end2:
_tile_overlayer_lowered:
.L_overlay_start_2:
0x99: {  	(tag) =	ssettag $0x2  }
0x9a: {  	s0 =	rddreg [dreg:$0x0];
	s2 =	stileid.u32  }
0x9b: {  	s1 =	rddreg [dreg:$0x1];
	p0 =	sne.s32 s2, $0x0  }
0x9c: {  	s3 =	rddreg [dreg:$0x2];
	[bflag:$0x3] =	sbarrier.arrive $0xFFFF;
	s2 =	simm.s32 @!p0 $0x1C02  }
0x9d: {  	[timem:s3], [sflag:s2] =	dma.local @!p0 [hbm:s0], s1  }
0x9e: {  	s0 =	simm.s32 @!p0 $0x2  }
0x9f: {  	_ =	swait.ge @!p0 [sflag:s0], s1  }
0xa0: {  	s1 =	ssub.s32 @!p0 $0x0, s1;
	[sflag:s0] =	ssyncset.done @!p0 $0x0  }
0xa1: {  	[sflag:s0] =	ssyncadd.s32 @!p0 s1  }
0xa2: {  	[bflag:$0x3] =	sbarrier.arrive $0xFFFF  }
0xa3: {  	_ =	shalt  }

// kernel: kernel.18.cloned.1.call-start
scs
__scs_entry_jumppad:
0x0: {  	(pc) =	sbr.rel $0x88, $3  }
0x1: {  	(tag) =	ssettag $0x0;
	lr =	simm.s32 $0x1  }
0x2: {  	[smem:$0x3F83] =	sst lr;
	_ =	strace $0xD0000000  }
0x3: {  	_ = 	snop  }
0x4: {  	_ = 	snop  }
0x5: {  	_ = 	snop  }
0x6: {  	_ = 	snop  }
0x7: {  	_ = 	snop  }
__scs_overlays_trampoline_lowered:
0x8: {  	[smem:$0x3F92] =	sst s0  }
0x9: {  	[smem:$0x3F93] =	sst s1  }
0xa: {  	[smem:$0x3F94] =	sst s2  }
0xb: {  	[smem:$0x3F95] =	sst s3  }
0xc: {  	[smem:$0x3F96] =	sst s4  }
0xd: {  	[smem:$0x3F97] =	sst s5  }
0xe: {  	[smem:$0x3F98] =	sst s6  }
0xf: {  	[smem:$0x3F99] =	sst s7  }
0x10: {  	[smem:$0x3F9A] =	sst s8  }
0x11: {  	[smem:$0x3F9B] =	sst s9;
	s0 =	simm.s32 @!p0 $0x0  }
0x12: {  	s1 =	sld [smem:$0x3F81];
	s0 =	simm.s32 @p0 $0x1  }
0x13: {  	[smem:$0x3F9C] =	sst s0;
	s0 =	simm.s32 @!p1 $0x0  }
0x14: {  	s2 =	sld [smem:$0x3F80];
	s0 =	simm.s32 @p1 $0x1  }
0x15: {  	[smem:$0x3F9D] =	sst s0;
	s0 =	simm.s32 @!p2 $0x0  }
0x16: {  	s3 =	sld [smem:$0x3FDB];
	s0 =	simm.s32 @p2 $0x1  }
0x17: {  	s4 =	simm.s32 $0x1BF5;
	[smem:$0x3F9F] =	sst s0  }
0x18: {  	s0 =	sld [smem:$0x3F82];
	_ =	swait.ge [sflag:s4], $0x0  }
0x19: {  	s7 =	sld [smem:$0x3F83]  }
0x1a: {  	s8 =	sadd.s32 $0xFFFFE003, lr  }
0x1b: {  	s9 =	sadd.s32 $0xFFFFFEF7, lr;
	s5 =	simm.s32 $0xFFFFFFFF;
	p2 =	slt.u32 s8, $0xFFFFF086  }
0x1c: {  	p1 =	slt.u32 s9, $0xF7A;
	s5 =	simm.s32 @!p2 $0x0  }
0x1d: {  	s5 =	simm.s32 @p1 $0x1;
	p0 =	seq.s32 s7, s2  }
0x1e: {  	s7 =	smul.u32 @!p0 $0xF7A, s2;
	p2 =	seq.s32 @!p0 s5, $0x0  }
0x1f: {  	s9 =	smul.u32 $0xF7A, s1;
	s8 =	simm.s32 @!p0 $0x1BF5;
	p2 =	por !p2, p0  }
0x20: {  	[sflag:s8] =	ssyncset.s32 @!p0 $0xFFFFF086;
	s6 =	sadd.s32 @!p0 s3, s7;
	s7 =	simm.s32 @!p0 $0x108  }
0x21: {  	s3 =	sadd.s32 s3, s9;
	s6 =	sadd.s32 @!p0 $0x88, s6;
	s7 =	simm.s32 @p2 $0x1082  }
0x22: {  	[simem:s7], [sflag:s8] =	dma.local @!p0 [hbm:s6], $0xF7A  }
0x23: {  	s9 =	sor.u32 $0xD0000000, s2;
	s6 =	simm.s32 $0x108;
	_ =	swait.ge @!p0 [sflag:s8], $0x0  }
0x24: {  	s3 =	sadd.s32 $0x88, s3;
	s6 =	simm.s32 @!p1 $0x1082;
	[sflag:s4] =	ssyncset.s32 $0xFFFFF086  }
0x25: {  	[simem:s6], [sflag:s4] =	dma.local [hbm:s3], $0xF7A  }
0x26: {  	[smem:$0x3F83] =	sst s1;
	(tag) =	ssettag s2;
	_ =	strace s9  }
0x27: {  	s1 =	sld [smem:$0x3F93]  }
0x28: {  	s2 =	sld [smem:$0x3F94]  }
0x29: {  	s4 =	sld [smem:$0x3F96]  }
0x2a: {  	p0 =	seq.s32 s5, $0x0;
	s5 =	sld [smem:$0x3F97]  }
0x2b: {  	s6 =	sld [smem:$0x3F98]  }
0x2c: {  	s7 =	sld [smem:$0x3F99]  }
0x2d: {  	s3 =	simm.s32 $0x108;
	s8 =	sld [smem:$0x3F9A]  }
0x2e: {  	s3 =	simm.s32 @!p0 $0x1082;
	s9 =	sld [smem:$0x3F9B]  }
0x2f: {  	lr =	sadd.s32 s0, s3;
	s0 =	sld [smem:$0x3F92]  }
0x30: {  	s3 =	sld [smem:$0x3F95]  }
0x31: {  	[smem:$0x3F9E] =	sst s10  }
0x32: {  	s10 =	sld [smem:$0x3F9C];
	_ =	sdelay $0x3  }
0x33: {  	p0 =	seq.s32 s10, $0x1;
	s10 =	sld [smem:$0x3F9E];
	_ =	sdelay $0x3  }
0x34: {  	[smem:$0x3F9E] =	sst s10  }
0x35: {  	s10 =	sld [smem:$0x3F9D];
	_ =	sdelay $0x3  }
0x36: {  	p1 =	seq.s32 s10, $0x1;
	s10 =	sld [smem:$0x3F9E];
	_ =	sdelay $0x3  }
0x37: {  	[smem:$0x3F9E] =	sst s10  }
0x38: {  	s10 =	sld [smem:$0x3F9F]  }
0x39: {  	_ = 	snop;
	(pc) =	sbr.ind lr, $3  }
0x3a: {  	_ = 	snop  }
0x3b: {  	_ = 	snop  }
0x3c: {  	p2 =	seq.s32 s10, $0x1;
	s10 =	sld [smem:$0x3F9E]  }
0x3d: {  	_ =	shalt  }
0x3e: {  	_ =	shalt  }
0x3f: {  	_ =	shalt  }
0x40: {  	_ =	shalt  }
0x41: {  	_ =	shalt  }
0x42: {  	_ =	shalt  }
0x43: {  	_ =	shalt  }
0x44: {  	_ =	shalt  }
0x45: {  	_ =	shalt  }
0x46: {  	_ =	shalt  }
0x47: {  	_ =	shalt  }
0x48: {  	_ =	shalt  }
0x49: {  	_ =	shalt  }
0x4a: {  	_ =	shalt  }
0x4b: {  	_ =	shalt  }
0x4c: {  	_ =	shalt  }
0x4d: {  	_ =	shalt  }
0x4e: {  	_ =	shalt  }
0x4f: {  	_ =	shalt  }
0x50: {  	_ =	shalt  }
0x51: {  	_ =	shalt  }
0x52: {  	_ =	shalt  }
0x53: {  	_ =	shalt  }
0x54: {  	_ =	shalt  }
0x55: {  	_ =	shalt  }
0x56: {  	_ =	shalt  }
0x57: {  	_ =	shalt  }
0x58: {  	_ =	shalt  }
0x59: {  	_ =	shalt  }
0x5a: {  	_ =	shalt  }
0x5b: {  	_ =	shalt  }
0x5c: {  	_ =	shalt  }
0x5d: {  	_ =	shalt  }
0x5e: {  	_ =	shalt  }
0x5f: {  	_ =	shalt  }
0x60: {  	_ =	shalt  }
0x61: {  	_ =	shalt  }
0x62: {  	_ =	shalt  }
0x63: {  	_ =	shalt  }
0x64: {  	_ =	shalt  }
0x65: {  	_ =	shalt  }
0x66: {  	_ =	shalt  }
0x67: {  	_ =	shalt  }
0x68: {  	_ =	shalt  }
0x69: {  	_ =	shalt  }
0x6a: {  	_ =	shalt  }
0x6b: {  	_ =	shalt  }
0x6c: {  	_ =	shalt  }
0x6d: {  	_ =	shalt  }
0x6e: {  	_ =	shalt  }
0x6f: {  	_ =	shalt  }
0x70: {  	_ =	shalt  }
0x71: {  	_ =	shalt  }
0x72: {  	_ =	shalt  }
0x73: {  	_ =	shalt  }
0x74: {  	_ =	shalt  }
0x75: {  	_ =	shalt  }
0x76: {  	_ =	shalt  }
0x77: {  	_ =	shalt  }
0x78: {  	_ =	shalt  }
0x79: {  	_ =	shalt  }
0x7a: {  	_ =	shalt  }
0x7b: {  	_ =	shalt  }
0x7c: {  	_ =	shalt  }
0x7d: {  	_ =	shalt  }
0x7e: {  	_ =	shalt  }
0x7f: {  	_ =	shalt  }
0x80: {  	_ =	shalt  }
0x81: {  	_ =	shalt  }
0x82: {  	_ =	shalt  }
0x83: {  	_ =	shalt  }
0x84: {  	_ =	shalt  }
0x85: {  	_ =	shalt  }
0x86: {  	_ =	shalt  }
0x87: {  	_ =	shalt  }
.Lfunc_end0:
.L_simem_size_0:
called_computation.3_lowered:
.L_overlay_start_0:
0x88: {  	s2 =	sld [smem:$0x3FD9]  }
0x89: {  	s3 =	sld [smem:$0x3FFE];
	_ =	sdelay $0x1  }
0x8a: {  	s1 =	srdreg.scid  }
0x8b: {  	s0 =	sand.u32 $0x1, s1  }
0x8c: {  	s17 =	sshll.u32 s0, $0xA;
	s2 =	sadd.s32 s3, s2  }
0x8d: {  	s2 =	sadd.s32 s2, s17  }
0x8e: {  	[smem:$0x3FAA] =	sst s2  }
0x8f: {  	_ = 	snop  }
0x90: {  	(tm) =	ssettm $0x1  }
0x91: {  	s18 =	sld [smem:$0x3FFB];
	_ =	sdelay $0x3  }
0x92: {  	_ =	strace s18  }
0x93: {  	s2 =	sld [smem:$0x3FFC];
	_ =	sdelay $0x3  }
0x94: {  	_ =	strace s2  }
0x95: {  	s2 =	sld [smem:$0x3FFD];
	_ =	sdelay $0x3  }
0x96: {  	_ =	strace s2  }
0x97: {  	_ =	strace $0x8FFFFFFF  }
0x98: {  	s19 =	sld [smem:$0x3FDB];
	_ =	sdelay $0x1  }
0x99: {  	s20 =	simm.s32 $_scs_section_size  }
0x9a: {  	s4 =	simm.s32 $_size__tile_overlayer_lowered;
	s5 =	simm.s32 $_tile_overlayer_lowered  }
0x9b: {  	s6 =	simm.s32 $0x1BFF;
	s21 =	sshll.u32 s5, $0x1;
	s3 =	sadd.s32 s20, s19  }
0x9c: {  	s22 =	simm.s32 $0x0;
	s4 =	sshll.u32 s4, $0x1;
	s5 =	sadd.s32 s21, s3  }
0x9d: {  	[timem:s22], [sflag:s6] =	dma.local [hbm:s5], s4  }
0x9e: {  	_ =	swait.ge [sflag:s6], s4  }
0x9f: {  	s4 =	ssub.s32 $0x0, s4;
	[sflag:s6] =	ssyncset.done $0x0  }
0xa0: {  	[sflag:s6] =	ssyncadd.s32 s4;
	_ =	sdelay $0x1  }
0xa1: {  	s23 =	simm.s32 $0x1B8B  }
0xa2: {  	_ =	swait.ge [sflag:s23], $0x1  }
0xa3: {  	[sflag:s23] =	ssyncset.done $0x0  }
0xa4: {  	[sflag:s23] =	ssyncadd.s32 $0xFFFFFFFF  }
0xa5: {  	s4 =	sld [smem:$0x0]  }
0xa6: {  	s5 =	sand.u32 $0xFFFFFFFE, s1  }
0xa7: {  	p0 =	sne.s32 s1, s5  }
0xa8: {  	s5 =	sshll.u32 @p0 s5, $0xE  }
0xa9: {  	s5 =	sadd.s32 @p0 $0x11B8D, s5;
	s6 =	sshll.u32 @p0 s4, $0x11  }
0xaa: {  	s5 =	sor.u32 @p0 s6, s5  }
0xab: {  	[sflag:s5] =	ssyncadd.remote.s32 @p0 $0x1;
	_ =	sdelay $0x1  }
0xac: {  	s5 =	simm.s32 @p0 $0x1B8D  }
0xad: {  	_ =	swait.eq @p0 [sflag:s5], $0x1  }
0xae: {  	[sflag:s5] =	ssyncadd.s32 @p0 $0xFFFFFFFF  }
0xaf: {  	s6 =	sshll.u32 @!p0 s1, $0xE  }
0xb0: {  	s6 =	sor.u32 @!p0 $0x4000, s6;
	s5 =	simm.s32 @!p0 $0x1B8D  }
0xb1: {  	s4 =	sshll.u32 @!p0 s4, $0x11;
	s6 =	sadd.s32 @!p0 $0x11B8D, s6;
	_ =	swait.eq @!p0 [sflag:s5], $0x1  }
0xb2: {  	s4 =	sor.u32 @!p0 s4, s6;
	[sflag:s5] =	ssyncadd.s32 @!p0 $0xFFFFFFFF  }
0xb3: {  	s25 =	simm.s32 $0x1B8E;
	s24 =	sld [smem:$0x3FFE];
	[sflag:s4] =	ssyncadd.remote.s32 @!p0 $0x1  }
0xb4: {  	s26 =	simm.s32 $execute0_lowered;
	[smem:$0x3FD2] =	sst s25  }
0xb5: {  	s5 =	sshll.u32 s26, $0x1;
	_ =	strace $0x8000004C;
	[dreg:$0x1] =	wrdreg $0xFFFFFFFF  }
0xb6: {  	s28 =	simm.s32 $_size_execute0_lowered;
	s3 =	sadd.s32 s3, s5;
	[dreg:$0x0] =	wrdreg $0x0  }
0xb7: {  	s5 =	sshll.u32 s28, $0x1;
	[dreg:$0x2] =	wrdreg s3  }
0xb8: {  	[dreg:$0x3] =	wrdreg s5  }
0xb9: {  	[dreg:$0x4] =	wrdreg $0xC0  }
0xba: {  	_ =	task [dreg:s22], $0x5FFFF  }
0xbb: {  	[dreg:$0x1] =	wrdreg $0xFFFFFFFF  }
0xbc: {  	[dreg:$0x0] =	wrdreg $0x60  }
0xbd: {  	[dreg:$0x2] =	wrdreg s24  }
0xbe: {  	[dreg:$0x3] =	wrdreg $0xA  }
0xbf: {  	_ =	task.clear_ibuf [dreg:s22], $0x4FFFF;
	_ =	strace $0x9000004C  }
0xc0: {  	s29 =	simm.s32 $0xA;
	_ =	strace $0x8000004E  }
0xc1: {  	_ =	swait.ge [sflag:s29], $0x1  }
0xc2: {  	[sflag:s29] =	ssyncadd.s32 $0xFFFFFFFF  }
0xc3: {  	_ =	strace $0x9000004E  }
0xc4: {  	_ =	sfence  }
0xc5: {  	s30 =	sld [smem:$0x0];
	_ =	sdelay $0x2  }
0xc6: {  	s31 =	sshll.u32 s1, $0xD;
	s1 =	sshrl.u32 s1, $0x2  }
0xc7: {  	s4 =	sand.u32 $0x4000, s31;
	s1 =	sadd.s32 s1, s30  }
0xc8: {  	s0 =	sor.u32 s4, s0;
	s1 =	sshll.u32 s1, $0x11  }
0xc9: {  	s0 =	sor.u32 s1, s0  }
0xca: {  	s0 =	sadd.s32 $0x8F2B, s0  }
0xcb: {  	[sflag:s0] =	ssyncadd.remote.s32 $0x1  }
0xcc: {  	_ =	sfence.sel $0xFFFF  }
0xcd: {  	[dreg:$0x0] =	wrdreg $0xFFFFFFFF;
	(pc) =	sbr.abs _section_cstart, $3  }
0xce: {  	[dreg:$0x1] =	wrdreg $0xFFFFFFFF  }
0xcf: {  	_ =	task.clear_ibuf [dreg:s22], $0x2FFFF;
	_ =	strace $0x9FFFFFFF  }
0xd0: {  	(tm) =	ssettm $0x7FFFFFFF  }
0xd1: {  	_ =	shalt  }
tec
execute0_lowered:
.L_overlay_start_1:
0x0: {  	(tag) =	ssettag $0x1  }
0x1: {  	s1 =	srdreg.scid  }
0x2: {  	s0 =	stileid.u32;
	s3 =	rddreg [dreg:$0x0]  }
0x3: {  	s2 =	simm.s32 $0x0;
	s15 =	simm.s32 $0xA00;
	s16 =	simm.s32 $0x1400  }
0x4: {  	s17 =	simm.s32 $0xB400;
	s4 =	sand.u32 $0x1, s1;
	s5 =	sshll.u32 s0, $0x1  }
0x5: {  	s18 =	simm.s32 $0x0;
	s1 =	rddreg [dreg:$0x1];
	s5 =	sor.u32 s4, s5  }
0x6: {  	[smem:$0x7FF] =	sst s2;
	s4 =	ssub.s32 $0x2, s4;
	s6 =	smul.u32 $0x14000, s5  }
0x7: {  	s13 =	sadd.s32 $0x3C00, s3;
	s5 =	smul.u32 $0x2800, s5;
	s31 =	sshrl.u32 s4, $0x1  }
0x8: {  	s12 =	sadd.s32 $0x16BA00, s3;
	_ =	strace $0x8000004D;
	s7 =	ssub.s32 s4, s31  }
0x9: {  	s6 =	sshrl.u32 s6, $0x3;
	s10 =	sshrl.u32 s5, $0x3;
	s5 =	smax.u32 s7, $0x1  }
0xa: {  	s6 =	sadd.s32 s6, s3;
	s9 =	sadd.s32 $0x140, s10;
	s7 =	sadd.s32 s13, s10  }
0xb: {  	s11 =	sadd.s32 $0x280, s10;
	s14 =	sadd.s32 $0x3C0, s10;
	s3 =	sadd.s32 $0x17A00, s6  }
0xc: {  	s4 =	sadd.s32 $0x18E00, s6;
	s6 =	sadd.s32 s12, s10;
	s8 =	sadd.s32 s12, s9  }
0xd: {  	s9 =	sadd.s32 s13, s9;
	s10 =	sadd.s32 s12, s11;
	s11 =	sadd.s32 s13, s11  }
0xe: {  	v0 =	vimm.f32 $0.0e+00;
	v1 =	vimm.f32 $1.000000000e+00;
	s12 =	sadd.s32 s12, s14;
	s13 =	sadd.s32 s13, s14;
	s14 =	simm.s32 $0x1  }
.LBB2_1:
0xf: {  	s19 =	simm.s32 $0x40;
	s20 =	simm.s32 $0x0  }
.LBB2_2:
0x10: {  	p0 =	sne.s32 s19, $0x27FC0;
	[tilespmem:s20+$0x1400] =	vst v0;
	s21 =	smov.u32 s19;
	s19 =	sadd.s32 $0x40, s19  }
.Ltmp0:
0x11: {  	[tilespmem:s20+$0xB400] =	vst v0;
	(pc) =	sbr.rel @p0 .LBB2_2-.Ltmp0, $2  }
0x12: {  	_ =	sdelay $0x2  }
0x13: {  	s20 =	sshra.s32 s21, $0x2  }
0x14: {  	[tilespmem:s20+$0x1400] =	vst v0  }
0x15: {  	[tilespmem:s20+$0xB400] =	vst v0;
	s19 =	simm.s32 $0x0  }
0x16: {  	[tilespmem:s19], [sflag:$0x1] =	stream.linear.gather [hbm4b:s6+s19], $0xA00, $0x38;
	[tilespmem:$0x15400] =	vst v63  }
0x17: {  	_ =	swait.ge [sflag:s14], $0xA00  }
0x18: {  	[sflag:s14] =	ssyncset.done $0x0  }
0x19: {  	[sflag:s14] =	ssyncadd.s32 $0xFFFFF600  }
0x1a: {  	[tilespmem:s15], [sflag:$0x1] =	stream.linear.gather [hbm4b:s7+s19], $0xA00, $0x38;
	[tilespmem:$0x15400] =	vst v63  }
0x1b: {  	_ =	swait.ge [sflag:s14], $0xA00  }
0x1c: {  	[sflag:s14] =	ssyncset.done $0x0  }
0x1d: {  	s20 =	simm.s32 $0x0;
	[sflag:s14] =	ssyncadd.s32 $0xFFFFF600  }
0x1e: {  	s19 =	simm.s32 $0x40;
	v2 =	vld [tilespmem:s20+$0x0]  }
.LBB2_4:
0x1f: {  	p0 =	sne.s32 s19, $0x27C0;
	_ =	sdelay $0x1  }
0x20: {  	v3 =	vld [tilespmem:s20+$0xA00];
	_ =	sdelay $0x2  }
.Ltmp1:
0x21: {  	(pc) =	sbr.rel @p0 .LBB2_4-.Ltmp1, $4  }
0x22: {  	_ = 	snop  }
0x23: {  	[tilespmem:v2+s16+$0x0] =	vst.idx.add.f32.msk $0xffff, v3  }
0x24: {  	s20 =	sshra.s32 s19, $0x2;
	[tilespmem:v2+s17+$0x0] =	vst.idx.add.f32.msk $0xffff, v1  }
0x25: {  	s19 =	sadd.s32 $0x40, s19;
	v2 =	vld [tilespmem:s20+$0x0]  }
0x26: {  	_ =	sdelay $0x2  }
0x27: {  	v3 =	vld [tilespmem:s20+$0xA00];
	_ =	sdelay $0x4  }
0x28: {  	[tilespmem:v2+s16+$0x0] =	vst.idx.add.f32.msk $0xffff, v3  }
0x29: {  	s19 =	simm.s32 $0x0;
	[tilespmem:v2+s17+$0x0] =	vst.idx.add.f32.msk $0xffff, v1  }
0x2a: {  	[tilespmem:s19], [sflag:$0x1] =	stream.linear.gather [hbm4b:s8+s19], $0xA00, $0x38;
	[tilespmem:$0x15400] =	vst v63  }
0x2b: {  	_ =	swait.ge [sflag:s14], $0xA00  }
0x2c: {  	[sflag:s14] =	ssyncset.done $0x0  }
0x2d: {  	[sflag:s14] =	ssyncadd.s32 $0xFFFFF600  }
0x2e: {  	[tilespmem:s15], [sflag:$0x1] =	stream.linear.gather [hbm4b:s9+s19], $0xA00, $0x38;
	[tilespmem:$0x15400] =	vst v63  }
0x2f: {  	_ =	swait.ge [sflag:s14], $0xA00  }
0x30: {  	[sflag:s14] =	ssyncset.done $0x0  }
0x31: {  	s20 =	simm.s32 $0x0;
	[sflag:s14] =	ssyncadd.s32 $0xFFFFF600  }
0x32: {  	s19 =	simm.s32 $0x40;
	v2 =	vld [tilespmem:s20+$0x0]  }
.LBB2_6:
0x33: {  	p0 =	sne.s32 s19, $0x27C0;
	_ =	sdelay $0x1  }
0x34: {  	v3 =	vld [tilespmem:s20+$0xA00];
	_ =	sdelay $0x2  }
.Ltmp2:
0x35: {  	(pc) =	sbr.rel @p0 .LBB2_6-.Ltmp2, $4  }
0x36: {  	_ = 	snop  }
0x37: {  	[tilespmem:v2+s16+$0x0] =	vst.idx.add.f32.msk $0xffff, v3  }
0x38: {  	s20 =	sshra.s32 s19, $0x2;
	[tilespmem:v2+s17+$0x0] =	vst.idx.add.f32.msk $0xffff, v1  }
0x39: {  	s19 =	sadd.s32 $0x40, s19;
	v2 =	vld [tilespmem:s20+$0x0]  }
0x3a: {  	_ =	sdelay $0x2  }
0x3b: {  	v3 =	vld [tilespmem:s20+$0xA00];
	_ =	sdelay $0x4  }
0x3c: {  	[tilespmem:v2+s16+$0x0] =	vst.idx.add.f32.msk $0xffff, v3  }
0x3d: {  	s19 =	simm.s32 $0x0;
	[tilespmem:v2+s17+$0x0] =	vst.idx.add.f32.msk $0xffff, v1  }
0x3e: {  	[tilespmem:s19], [sflag:$0x1] =	stream.linear.gather [hbm4b:s10+s19], $0xA00, $0x38;
	[tilespmem:$0x15400] =	vst v63  }
0x3f: {  	_ =	swait.ge [sflag:s14], $0xA00  }
0x40: {  	[sflag:s14] =	ssyncset.done $0x0  }
0x41: {  	[sflag:s14] =	ssyncadd.s32 $0xFFFFF600  }
0x42: {  	[tilespmem:s15], [sflag:$0x1] =	stream.linear.gather [hbm4b:s11+s19], $0xA00, $0x38;
	[tilespmem:$0x15400] =	vst v63  }
0x43: {  	_ =	swait.ge [sflag:s14], $0xA00  }
0x44: {  	[sflag:s14] =	ssyncset.done $0x0  }
0x45: {  	s20 =	simm.s32 $0x0;
	[sflag:s14] =	ssyncadd.s32 $0xFFFFF600  }
0x46: {  	s19 =	simm.s32 $0x40;
	v2 =	vld [tilespmem:s20+$0x0]  }
.LBB2_8:
0x47: {  	p0 =	sne.s32 s19, $0x27C0;
	_ =	sdelay $0x1  }
0x48: {  	v3 =	vld [tilespmem:s20+$0xA00];
	_ =	sdelay $0x2  }
.Ltmp3:
0x49: {  	(pc) =	sbr.rel @p0 .LBB2_8-.Ltmp3, $4  }
0x4a: {  	_ = 	snop  }
0x4b: {  	[tilespmem:v2+s16+$0x0] =	vst.idx.add.f32.msk $0xffff, v3  }
0x4c: {  	s20 =	sshra.s32 s19, $0x2;
	[tilespmem:v2+s17+$0x0] =	vst.idx.add.f32.msk $0xffff, v1  }
0x4d: {  	s19 =	sadd.s32 $0x40, s19;
	v2 =	vld [tilespmem:s20+$0x0]  }
0x4e: {  	_ =	sdelay $0x2  }
0x4f: {  	v3 =	vld [tilespmem:s20+$0xA00];
	_ =	sdelay $0x4  }
0x50: {  	[tilespmem:v2+s16+$0x0] =	vst.idx.add.f32.msk $0xffff, v3  }
0x51: {  	s19 =	simm.s32 $0x0;
	[tilespmem:v2+s17+$0x0] =	vst.idx.add.f32.msk $0xffff, v1  }
0x52: {  	[tilespmem:s19], [sflag:$0x1] =	stream.linear.gather [hbm4b:s12+s19], $0xA00, $0x38;
	[tilespmem:$0x15400] =	vst v63  }
0x53: {  	_ =	swait.ge [sflag:s14], $0xA00  }
0x54: {  	[sflag:s14] =	ssyncset.done $0x0  }
0x55: {  	[sflag:s14] =	ssyncadd.s32 $0xFFFFF600  }
0x56: {  	[tilespmem:s15], [sflag:$0x1] =	stream.linear.gather [hbm4b:s13+s19], $0xA00, $0x38;
	[tilespmem:$0x15400] =	vst v63  }
0x57: {  	_ =	swait.ge [sflag:s14], $0xA00  }
0x58: {  	[sflag:s14] =	ssyncset.done $0x0  }
0x59: {  	s20 =	simm.s32 $0x0;
	[sflag:s14] =	ssyncadd.s32 $0xFFFFF600  }
0x5a: {  	s19 =	simm.s32 $0x40;
	v2 =	vld [tilespmem:s20+$0x0]  }
.LBB2_10:
0x5b: {  	p0 =	sne.s32 s19, $0x27C0;
	_ =	sdelay $0x1  }
0x5c: {  	v3 =	vld [tilespmem:s20+$0xA00];
	_ =	sdelay $0x2  }
.Ltmp4:
0x5d: {  	(pc) =	sbr.rel @p0 .LBB2_10-.Ltmp4, $4  }
0x5e: {  	_ = 	snop  }
0x5f: {  	[tilespmem:v2+s16+$0x0] =	vst.idx.add.f32.msk $0xffff, v3  }
0x60: {  	s20 =	sshra.s32 s19, $0x2;
	[tilespmem:v2+s17+$0x0] =	vst.idx.add.f32.msk $0xffff, v1  }
0x61: {  	s19 =	sadd.s32 $0x40, s19;
	v2 =	vld [tilespmem:s20+$0x0]  }
0x62: {  	_ =	sdelay $0x2  }
0x63: {  	v3 =	vld [tilespmem:s20+$0xA00];
	_ =	sdelay $0x4  }
0x64: {  	[tilespmem:v2+s16+$0x0] =	vst.idx.add.f32.msk $0xffff, v3  }
0x65: {  	[tilespmem:v2+s17+$0x0] =	vst.idx.add.f32.msk $0xffff, v1  }
0x66: {  	[hbm4b:s3+s2] =	stream.linear.scatter [tilespmem:s16], [sflag:$0x1], $0xA000, $0x38;
	[tilespmem:$0x15400] =	vst v63  }
0x67: {  	s18 =	sadd.s32 $0x1, s18;
	_ =	swait.ge [sflag:s14], $0xA000  }
0x68: {  	p0 =	sne.s32 s18, s5;
	[sflag:s14] =	ssyncset.done $0x0  }
.Ltmp5:
0x69: {  	[sflag:s14] =	ssyncadd.s32 $0xFFFF6000;
	(pc) =	sbr.rel @p0 .LBB2_1-.Ltmp5, $4  }
0x6a: {  	[hbm4b:s4+s2] =	stream.linear.scatter [tilespmem:s17], [sflag:$0x1], $0xA000, $0x38;
	[tilespmem:$0x15400] =	vst v63  }
0x6b: {  	_ =	swait.ge [sflag:s14], $0xA000  }
0x6c: {  	[sflag:s14] =	ssyncset.done $0x0  }
0x6d: {  	[sflag:s14] =	ssyncadd.s32 $0xFFFF6000  }
0x6e: {  	_ =	sfence.sel $0x180000  }
0x6f: {  	[bflag:$0x0] =	sbarrier.arrive $0xFFFF  }
0x70: {  	p0 =	sne.s32 s0, $0x0;
	_ =	strace $0x9000004D  }
0x71: {  	s0 =	sadd.s32 @!p0 $0x100000, s1;
	[bflag:$0x2] =	sbarrier.arrive $0xFFFF  }
0x72: {  	[sflag:s0] =	ssyncadd.tile.s32 @!p0 $0x1;
	_ =	shalt  }
.Lfunc_end2:
_tile_overlayer_lowered:
.L_overlay_start_2:
0x73: {  	(tag) =	ssettag $0x2  }
0x74: {  	s0 =	rddreg [dreg:$0x0];
	s2 =	stileid.u32  }
0x75: {  	s1 =	rddreg [dreg:$0x1];
	p0 =	sne.s32 s2, $0x0  }
0x76: {  	s3 =	rddreg [dreg:$0x2];
	[bflag:$0x3] =	sbarrier.arrive $0xFFFF;
	s2 =	simm.s32 @!p0 $0x1C01  }
0x77: {  	[timem:s3], [sflag:s2] =	dma.local @!p0 [hbm:s0], s1  }
0x78: {  	s0 =	simm.s32 @!p0 $0x1  }
0x79: {  	_ =	swait.ge @!p0 [sflag:s0], s1  }
0x7a: {  	s1 =	ssub.s32 @!p0 $0x0, s1;
	[sflag:s0] =	ssyncset.done @!p0 $0x0  }
0x7b: {  	[sflag:s0] =	ssyncadd.s32 @!p0 s1  }
0x7c: {  	[bflag:$0x3] =	sbarrier.arrive $0xFFFF  }
0x7d: {  	_ =	shalt  }

// kernel: kernel.9.cloned.1.call-start
scs
__scs_entry_jumppad:
0x0: {  	(pc) =	sbr.rel $0x88, $3  }
0x1: {  	(tag) =	ssettag $0x0;
	lr =	simm.s32 $0x1  }
0x2: {  	[smem:$0x3F83] =	sst lr;
	_ =	strace $0xD0000000  }
0x3: {  	_ = 	snop  }
0x4: {  	_ = 	snop  }
0x5: {  	_ = 	snop  }
0x6: {  	_ = 	snop  }
0x7: {  	_ = 	snop  }
__scs_overlays_trampoline_lowered:
0x8: {  	[smem:$0x3F92] =	sst s0  }
0x9: {  	[smem:$0x3F93] =	sst s1  }
0xa: {  	[smem:$0x3F94] =	sst s2  }
0xb: {  	[smem:$0x3F95] =	sst s3  }
0xc: {  	[smem:$0x3F96] =	sst s4  }
0xd: {  	[smem:$0x3F97] =	sst s5  }
0xe: {  	[smem:$0x3F98] =	sst s6  }
0xf: {  	[smem:$0x3F99] =	sst s7  }
0x10: {  	[smem:$0x3F9A] =	sst s8  }
0x11: {  	[smem:$0x3F9B] =	sst s9;
	s0 =	simm.s32 @!p0 $0x0  }
0x12: {  	s1 =	sld [smem:$0x3F81];
	s0 =	simm.s32 @p0 $0x1  }
0x13: {  	[smem:$0x3F9C] =	sst s0;
	s0 =	simm.s32 @!p1 $0x0  }
0x14: {  	s2 =	sld [smem:$0x3F80];
	s0 =	simm.s32 @p1 $0x1  }
0x15: {  	[smem:$0x3F9D] =	sst s0;
	s0 =	simm.s32 @!p2 $0x0  }
0x16: {  	s3 =	sld [smem:$0x3FDB];
	s0 =	simm.s32 @p2 $0x1  }
0x17: {  	s4 =	simm.s32 $0x1BF5;
	[smem:$0x3F9F] =	sst s0  }
0x18: {  	s0 =	sld [smem:$0x3F82];
	_ =	swait.ge [sflag:s4], $0x0  }
0x19: {  	s7 =	sld [smem:$0x3F83]  }
0x1a: {  	s8 =	sadd.s32 $0xFFFFE003, lr  }
0x1b: {  	s9 =	sadd.s32 $0xFFFFFEF7, lr;
	s5 =	simm.s32 $0xFFFFFFFF;
	p2 =	slt.u32 s8, $0xFFFFF086  }
0x1c: {  	p1 =	slt.u32 s9, $0xF7A;
	s5 =	simm.s32 @!p2 $0x0  }
0x1d: {  	s5 =	simm.s32 @p1 $0x1;
	p0 =	seq.s32 s7, s2  }
0x1e: {  	s7 =	smul.u32 @!p0 $0xF7A, s2;
	p2 =	seq.s32 @!p0 s5, $0x0  }
0x1f: {  	s9 =	smul.u32 $0xF7A, s1;
	s8 =	simm.s32 @!p0 $0x1BF5;
	p2 =	por !p2, p0  }
0x20: {  	[sflag:s8] =	ssyncset.s32 @!p0 $0xFFFFF086;
	s6 =	sadd.s32 @!p0 s3, s7;
	s7 =	simm.s32 @!p0 $0x108  }
0x21: {  	s3 =	sadd.s32 s3, s9;
	s6 =	sadd.s32 @!p0 $0x88, s6;
	s7 =	simm.s32 @p2 $0x1082  }
0x22: {  	[simem:s7], [sflag:s8] =	dma.local @!p0 [hbm:s6], $0xF7A  }
0x23: {  	s9 =	sor.u32 $0xD0000000, s2;
	s6 =	simm.s32 $0x108;
	_ =	swait.ge @!p0 [sflag:s8], $0x0  }
0x24: {  	s3 =	sadd.s32 $0x88, s3;
	s6 =	simm.s32 @!p1 $0x1082;
	[sflag:s4] =	ssyncset.s32 $0xFFFFF086  }
0x25: {  	[simem:s6], [sflag:s4] =	dma.local [hbm:s3], $0xF7A  }
0x26: {  	[smem:$0x3F83] =	sst s1;
	(tag) =	ssettag s2;
	_ =	strace s9  }
0x27: {  	s1 =	sld [smem:$0x3F93]  }
0x28: {  	s2 =	sld [smem:$0x3F94]  }
0x29: {  	s4 =	sld [smem:$0x3F96]  }
0x2a: {  	p0 =	seq.s32 s5, $0x0;
	s5 =	sld [smem:$0x3F97]  }
0x2b: {  	s6 =	sld [smem:$0x3F98]  }
0x2c: {  	s7 =	sld [smem:$0x3F99]  }
0x2d: {  	s3 =	simm.s32 $0x108;
	s8 =	sld [smem:$0x3F9A]  }
0x2e: {  	s3 =	simm.s32 @!p0 $0x1082;
	s9 =	sld [smem:$0x3F9B]  }
0x2f: {  	lr =	sadd.s32 s0, s3;
	s0 =	sld [smem:$0x3F92]  }
0x30: {  	s3 =	sld [smem:$0x3F95]  }
0x31: {  	[smem:$0x3F9E] =	sst s10  }
0x32: {  	s10 =	sld [smem:$0x3F9C];
	_ =	sdelay $0x3  }
0x33: {  	p0 =	seq.s32 s10, $0x1;
	s10 =	sld [smem:$0x3F9E];
	_ =	sdelay $0x3  }
0x34: {  	[smem:$0x3F9E] =	sst s10  }
0x35: {  	s10 =	sld [smem:$0x3F9D];
	_ =	sdelay $0x3  }
0x36: {  	p1 =	seq.s32 s10, $0x1;
	s10 =	sld [smem:$0x3F9E];
	_ =	sdelay $0x3  }
0x37: {  	[smem:$0x3F9E] =	sst s10  }
0x38: {  	s10 =	sld [smem:$0x3F9F]  }
0x39: {  	_ = 	snop;
	(pc) =	sbr.ind lr, $3  }
0x3a: {  	_ = 	snop  }
0x3b: {  	_ = 	snop  }
0x3c: {  	p2 =	seq.s32 s10, $0x1;
	s10 =	sld [smem:$0x3F9E]  }
0x3d: {  	_ =	shalt  }
0x3e: {  	_ =	shalt  }
0x3f: {  	_ =	shalt  }
0x40: {  	_ =	shalt  }
0x41: {  	_ =	shalt  }
0x42: {  	_ =	shalt  }
0x43: {  	_ =	shalt  }
0x44: {  	_ =	shalt  }
0x45: {  	_ =	shalt  }
0x46: {  	_ =	shalt  }
0x47: {  	_ =	shalt  }
0x48: {  	_ =	shalt  }
0x49: {  	_ =	shalt  }
0x4a: {  	_ =	shalt  }
0x4b: {  	_ =	shalt  }
0x4c: {  	_ =	shalt  }
0x4d: {  	_ =	shalt  }
0x4e: {  	_ =	shalt  }
0x4f: {  	_ =	shalt  }
0x50: {  	_ =	shalt  }
0x51: {  	_ =	shalt  }
0x52: {  	_ =	shalt  }
0x53: {  	_ =	shalt  }
0x54: {  	_ =	shalt  }
0x55: {  	_ =	shalt  }
0x56: {  	_ =	shalt  }
0x57: {  	_ =	shalt  }
0x58: {  	_ =	shalt  }
0x59: {  	_ =	shalt  }
0x5a: {  	_ =	shalt  }
0x5b: {  	_ =	shalt  }
0x5c: {  	_ =	shalt  }
0x5d: {  	_ =	shalt  }
0x5e: {  	_ =	shalt  }
0x5f: {  	_ =	shalt  }
0x60: {  	_ =	shalt  }
0x61: {  	_ =	shalt  }
0x62: {  	_ =	shalt  }
0x63: {  	_ =	shalt  }
0x64: {  	_ =	shalt  }
0x65: {  	_ =	shalt  }
0x66: {  	_ =	shalt  }
0x67: {  	_ =	shalt  }
0x68: {  	_ =	shalt  }
0x69: {  	_ =	shalt  }
0x6a: {  	_ =	shalt  }
0x6b: {  	_ =	shalt  }
0x6c: {  	_ =	shalt  }
0x6d: {  	_ =	shalt  }
0x6e: {  	_ =	shalt  }
0x6f: {  	_ =	shalt  }
0x70: {  	_ =	shalt  }
0x71: {  	_ =	shalt  }
0x72: {  	_ =	shalt  }
0x73: {  	_ =	shalt  }
0x74: {  	_ =	shalt  }
0x75: {  	_ =	shalt  }
0x76: {  	_ =	shalt  }
0x77: {  	_ =	shalt  }
0x78: {  	_ =	shalt  }
0x79: {  	_ =	shalt  }
0x7a: {  	_ =	shalt  }
0x7b: {  	_ =	shalt  }
0x7c: {  	_ =	shalt  }
0x7d: {  	_ =	shalt  }
0x7e: {  	_ =	shalt  }
0x7f: {  	_ =	shalt  }
0x80: {  	_ =	shalt  }
0x81: {  	_ =	shalt  }
0x82: {  	_ =	shalt  }
0x83: {  	_ =	shalt  }
0x84: {  	_ =	shalt  }
0x85: {  	_ =	shalt  }
0x86: {  	_ =	shalt  }
0x87: {  	_ =	shalt  }
.Lfunc_end0:
.L_simem_size_0:
called_computation_lowered:
.L_overlay_start_0:
0x88: {  	s2 =	sld [smem:$0x3FD9]  }
0x89: {  	s3 =	sld [smem:$0x3FFE];
	_ =	sdelay $0x1  }
0x8a: {  	s1 =	srdreg.scid  }
0x8b: {  	s0 =	sand.u32 $0x1, s1  }
0x8c: {  	s17 =	sshll.u32 s0, $0xA;
	s2 =	sadd.s32 s3, s2  }
0x8d: {  	s2 =	sadd.s32 s2, s17  }
0x8e: {  	[smem:$0x3FAA] =	sst s2  }
0x8f: {  	_ = 	snop  }
0x90: {  	(tm) =	ssettm $0x1  }
0x91: {  	s18 =	sld [smem:$0x3FFB];
	_ =	sdelay $0x3  }
0x92: {  	_ =	strace s18  }
0x93: {  	s2 =	sld [smem:$0x3FFC];
	_ =	sdelay $0x3  }
0x94: {  	_ =	strace s2  }
0x95: {  	s2 =	sld [smem:$0x3FFD];
	_ =	sdelay $0x3  }
0x96: {  	_ =	strace s2  }
0x97: {  	_ =	strace $0x8FFFFFFF  }
0x98: {  	s19 =	sld [smem:$0x3FDB];
	_ =	sdelay $0x1  }
0x99: {  	s20 =	simm.s32 $_scs_section_size  }
0x9a: {  	s4 =	simm.s32 $_size__tile_overlayer_lowered;
	s5 =	simm.s32 $_tile_overlayer_lowered  }
0x9b: {  	s6 =	simm.s32 $0x1BFF;
	s21 =	sshll.u32 s5, $0x1;
	s3 =	sadd.s32 s20, s19  }
0x9c: {  	s22 =	simm.s32 $0x0;
	s4 =	sshll.u32 s4, $0x1;
	s5 =	sadd.s32 s21, s3  }
0x9d: {  	[timem:s22], [sflag:s6] =	dma.local [hbm:s5], s4  }
0x9e: {  	_ =	swait.ge [sflag:s6], s4  }
0x9f: {  	s4 =	ssub.s32 $0x0, s4;
	[sflag:s6] =	ssyncset.done $0x0  }
0xa0: {  	[sflag:s6] =	ssyncadd.s32 s4;
	_ =	sdelay $0x1  }
0xa1: {  	s23 =	simm.s32 $0x1B8B  }
0xa2: {  	_ =	swait.ge [sflag:s23], $0x1  }
0xa3: {  	[sflag:s23] =	ssyncset.done $0x0  }
0xa4: {  	[sflag:s23] =	ssyncadd.s32 $0xFFFFFFFF  }
0xa5: {  	s4 =	sld [smem:$0x0]  }
0xa6: {  	s5 =	sand.u32 $0xFFFFFFFE, s1  }
0xa7: {  	p0 =	sne.s32 s1, s5  }
0xa8: {  	s5 =	sshll.u32 @p0 s5, $0xE  }
0xa9: {  	s5 =	sadd.s32 @p0 $0x11B8D, s5;
	s6 =	sshll.u32 @p0 s4, $0x11  }
0xaa: {  	s5 =	sor.u32 @p0 s6, s5  }
0xab: {  	[sflag:s5] =	ssyncadd.remote.s32 @p0 $0x1;
	_ =	sdelay $0x1  }
0xac: {  	s5 =	simm.s32 @p0 $0x1B8D  }
0xad: {  	_ =	swait.eq @p0 [sflag:s5], $0x1  }
0xae: {  	[sflag:s5] =	ssyncadd.s32 @p0 $0xFFFFFFFF  }
0xaf: {  	s6 =	sshll.u32 @!p0 s1, $0xE  }
0xb0: {  	s6 =	sor.u32 @!p0 $0x4000, s6;
	s5 =	simm.s32 @!p0 $0x1B8D  }
0xb1: {  	s4 =	sshll.u32 @!p0 s4, $0x11;
	s6 =	sadd.s32 @!p0 $0x11B8D, s6;
	_ =	swait.eq @!p0 [sflag:s5], $0x1  }
0xb2: {  	s4 =	sor.u32 @!p0 s4, s6;
	[sflag:s5] =	ssyncadd.s32 @!p0 $0xFFFFFFFF  }
0xb3: {  	s25 =	simm.s32 $0x1B8E;
	s24 =	sld [smem:$0x3FFE];
	[sflag:s4] =	ssyncadd.remote.s32 @!p0 $0x1  }
0xb4: {  	s26 =	simm.s32 $execute0_lowered;
	[smem:$0x3FD2] =	sst s25  }
0xb5: {  	s5 =	sshll.u32 s26, $0x1;
	_ =	strace $0x80000049;
	[dreg:$0x1] =	wrdreg $0xFFFFFFFF  }
0xb6: {  	s28 =	simm.s32 $_size_execute0_lowered;
	s3 =	sadd.s32 s3, s5;
	[dreg:$0x0] =	wrdreg $0x0  }
0xb7: {  	s5 =	sshll.u32 s28, $0x1;
	[dreg:$0x2] =	wrdreg s3  }
0xb8: {  	[dreg:$0x3] =	wrdreg s5  }
0xb9: {  	[dreg:$0x4] =	wrdreg $0xC0  }
0xba: {  	_ =	task [dreg:s22], $0x5FFFF  }
0xbb: {  	[dreg:$0x1] =	wrdreg $0xFFFFFFFF  }
0xbc: {  	[dreg:$0x0] =	wrdreg $0x60  }
0xbd: {  	[dreg:$0x2] =	wrdreg s24  }
0xbe: {  	[dreg:$0x3] =	wrdreg $0x9  }
0xbf: {  	_ =	task.clear_ibuf [dreg:s22], $0x4FFFF;
	_ =	strace $0x90000049  }
0xc0: {  	s29 =	simm.s32 $0x9;
	_ =	strace $0x8000004B  }
0xc1: {  	_ =	swait.ge [sflag:s29], $0x1  }
0xc2: {  	[sflag:s29] =	ssyncadd.s32 $0xFFFFFFFF  }
0xc3: {  	_ =	strace $0x9000004B  }
0xc4: {  	_ =	sfence  }
0xc5: {  	s30 =	sld [smem:$0x0];
	_ =	sdelay $0x2  }
0xc6: {  	s31 =	sshll.u32 s1, $0xD;
	s1 =	sshrl.u32 s1, $0x2  }
0xc7: {  	s4 =	sand.u32 $0x4000, s31;
	s1 =	sadd.s32 s1, s30  }
0xc8: {  	s0 =	sor.u32 s4, s0;
	s1 =	sshll.u32 s1, $0x11  }
0xc9: {  	s0 =	sor.u32 s1, s0  }
0xca: {  	s0 =	sadd.s32 $0x8F2B, s0  }
0xcb: {  	[sflag:s0] =	ssyncadd.remote.s32 $0x1  }
0xcc: {  	_ =	sfence.sel $0xFFFF  }
0xcd: {  	[dreg:$0x0] =	wrdreg $0xFFFFFFFF;
	(pc) =	sbr.abs _section_cstart, $3  }
0xce: {  	[dreg:$0x1] =	wrdreg $0xFFFFFFFF  }
0xcf: {  	_ =	task.clear_ibuf [dreg:s22], $0x2FFFF;
	_ =	strace $0x9FFFFFFF  }
0xd0: {  	(tm) =	ssettm $0x7FFFFFFF  }
0xd1: {  	_ =	shalt  }
tec
execute0_lowered:
.L_overlay_start_1:
0x0: {  	(tag) =	ssettag $0x1  }
0x1: {  	s4 =	rddreg [dreg:$0x0]  }
0x2: {  	s0 =	rddreg [dreg:$0x1];
	s3 =	srdreg.scid  }
0x3: {  	s1 =	stileid.u32;
	s2 =	simm.s32 $0x0;
	s10 =	simm.s32 $0x3000  }
0x4: {  	s11 =	simm.s32 $0x3800;
	s12 =	simm.s32 $0x4000;
	s13 =	simm.s32 $0x4800  }
0x5: {  	s14 =	simm.s32 $0x5000;
	s15 =	simm.s32 $0x5800;
	s16 =	simm.s32 $0x6000  }
0x6: {  	s17 =	simm.s32 $0x1;
	s18 =	simm.s32 $0x0;
	s3 =	sand.u32 $0x1, s3  }
0x7: {  	s5 =	smul.u32 $0x50000, s1;
	[smem:$0x7FF] =	sst s2;
	s6 =	sshll.u32 s1, $0x1  }
0x8: {  	s7 =	smul.u32 $0x28000, s3;
	s6 =	sor.u32 s3, s6;
	s30 =	ssub.s32 $0x2, s3  }
0x9: {  	_ =	strace $0x8000004A;
	s6 =	smul.u32 $0x500, s6;
	s8 =	sshrl.u32 s30, $0x1  }
0xa: {  	s3 =	sadd.s32 $0xDC00, s4;
	s5 =	sadd.s32 s7, s5;
	s31 =	ssub.s32 s30, s8  }
0xb: {  	s7 =	simm.s32 $0x2;
	s5 =	sshrl.u32 s5, $0x3;
	s6 =	sadd.s32 s6, s4  }
0xc: {  	s8 =	simm.s32 $0x80;
	s9 =	sadd.s32 s5, s4;
	s4 =	sadd.s32 $0xB7A00, s6  }
0xd: {  	s5 =	smax.u32 s31, $0x1;
	s6 =	sadd.s32 $0xCBA00, s9;
	s9 =	simm.s32 $0x2800  }
.LBB2_1:
0xe: {  	[tilespmem:s2], [sflag:$0x2] =	stream.linear.gather [hbm4b:s4+s2], $0x2800, $0x38;
	[tilespmem:$0x6800] =	vst v63  }
0xf: {  	_ =	swait.ge [sflag:s7], $0x2800  }
0x10: {  	[sflag:s7] =	ssyncset.done $0x0  }
0x11: {  	s19 =	simm.s32 $0x0;
	[sflag:s7] =	ssyncadd.s32 $0xFFFFD800  }
0x12: {  	[tilespmem:s9], [sflag:$0x1] =	stream.indirect.gather [hbm4b:s3+s8], $0x10, s19, s8, $0xb8;
	[tilespmem:$0x6800] =	vst v63  }
0x13: {  	s24 =	simm.s32 $0x80  }
0x14: {  	[tilespmem:s10], [sflag:$0x1] =	stream.indirect.gather [hbm4b:s3+s8], $0x10, s24, s8, $0xb8;
	[tilespmem:$0x6800] =	vst v63  }
0x15: {  	s25 =	simm.s32 $0x100  }
0x16: {  	[tilespmem:s11], [sflag:$0x1] =	stream.indirect.gather [hbm4b:s3+s8], $0x10, s25, s8, $0xb8;
	[tilespmem:$0x6800] =	vst v63  }
0x17: {  	s26 =	simm.s32 $0x180  }
0x18: {  	[tilespmem:s12], [sflag:$0x1] =	stream.indirect.gather [hbm4b:s3+s8], $0x10, s26, s8, $0xb8;
	[tilespmem:$0x6800] =	vst v63  }
0x19: {  	s28 =	simm.s32 $0x200  }
0x1a: {  	[tilespmem:s13], [sflag:$0x1] =	stream.indirect.gather [hbm4b:s3+s8], $0x10, s28, s8, $0xb8;
	[tilespmem:$0x6800] =	vst v63  }
0x1b: {  	s29 =	simm.s32 $0x280  }
0x1c: {  	[tilespmem:s14], [sflag:$0x1] =	stream.indirect.gather [hbm4b:s3+s8], $0x10, s29, s8, $0xb8;
	[tilespmem:$0x6800] =	vst v63  }
0x1d: {  	s30 =	simm.s32 $0x300  }
0x1e: {  	[tilespmem:s15], [sflag:$0x1] =	stream.indirect.gather [hbm4b:s3+s8], $0x10, s30, s8, $0xb8;
	[tilespmem:$0x6800] =	vst v63  }
0x1f: {  	s31 =	simm.s32 $0x380  }
0x20: {  	[tilespmem:s16], [sflag:$0x1] =	stream.indirect.gather [hbm4b:s3+s8], $0x10, s31, s8, $0xb8;
	[tilespmem:$0x6800] =	vst v63  }
0x21: {  	_ =	swait.ge [sflag:s17], $0x800  }
0x22: {  	[sflag:s17] =	ssyncset.done $0x0  }
0x23: {  	[sflag:s17] =	ssyncadd.s32 $0xFFFFF800  }
0x24: {  	_ =	swait.ge [sflag:s17], $0x800  }
0x25: {  	[sflag:s17] =	ssyncset.done $0x0  }
0x26: {  	[sflag:s17] =	ssyncadd.s32 $0xFFFFF800  }
0x27: {  	_ =	swait.ge [sflag:s17], $0x800  }
0x28: {  	[sflag:s17] =	ssyncset.done $0x0  }
0x29: {  	[sflag:s17] =	ssyncadd.s32 $0xFFFFF800  }
0x2a: {  	_ =	swait.ge [sflag:s17], $0x800  }
0x2b: {  	[sflag:s17] =	ssyncset.done $0x0  }
0x2c: {  	[sflag:s17] =	ssyncadd.s32 $0xFFFFF800  }
0x2d: {  	_ =	swait.ge [sflag:s17], $0x800  }
0x2e: {  	[sflag:s17] =	ssyncset.done $0x0  }
0x2f: {  	[sflag:s17] =	ssyncadd.s32 $0xFFFFF800  }
0x30: {  	_ =	swait.ge [sflag:s17], $0x800  }
0x31: {  	[sflag:s17] =	ssyncset.done $0x0  }
0x32: {  	[sflag:s17] =	ssyncadd.s32 $0xFFFFF800  }
0x33: {  	_ =	swait.ge [sflag:s17], $0x800  }
0x34: {  	[sflag:s17] =	ssyncset.done $0x0  }
0x35: {  	[sflag:s17] =	ssyncadd.s32 $0xFFFFF800  }
0x36: {  	_ =	swait.ge [sflag:s17], $0x800  }
0x37: {  	[sflag:s17] =	ssyncset.done $0x0  }
0x38: {  	[sflag:s17] =	ssyncadd.s32 $0xFFFFF800  }
0x39: {  	[hbm4b:s6+s2] =	stream.linear.scatter [tilespmem:s9], [sflag:$0x2], $0x4000, $0x38;
	[tilespmem:$0x6800] =	vst v63  }
0x3a: {  	s20 =	simm.s32 $0x1000;
	_ =	swait.ge [sflag:s7], $0x4000  }
0x3b: {  	s22 =	simm.s32 $0x2000;
	s19 =	sadd.s32 $0x800, s6;
	[sflag:s7] =	ssyncset.done $0x0  }
.LBB2_2:
0x3c: {  	s23 =	sshra.s32 s20, $0x2  }
0x3d: {  	[sflag:s7] =	ssyncadd.s32 $0xFFFFC000;
	s20 =	smov.u32 s22;
	s21 =	sadd.s32 $0x1000, s22  }
0x3e: {  	[tilespmem:s9], [sflag:$0x1] =	stream.indirect.gather [hbm4b:s3+s8], $0x10, s23, s8, $0xb8;
	[tilespmem:$0x6800] =	vst v63  }
0x3f: {  	p0 =	sne.s32 s22, $0x9000;
	s22 =	sadd.s32 $0x80, s23  }
0x40: {  	[tilespmem:s10], [sflag:$0x1] =	stream.indirect.gather [hbm4b:s3+s8], $0x10, s22, s8, $0xb8;
	[tilespmem:$0x6800] =	vst v63  }
0x41: {  	s22 =	sadd.s32 $0x100, s23  }
0x42: {  	[tilespmem:s11], [sflag:$0x1] =	stream.indirect.gather [hbm4b:s3+s8], $0x10, s22, s8, $0xb8;
	[tilespmem:$0x6800] =	vst v63  }
0x43: {  	s22 =	sadd.s32 $0x180, s23  }
0x44: {  	[tilespmem:s12], [sflag:$0x1] =	stream.indirect.gather [hbm4b:s3+s8], $0x10, s22, s8, $0xb8;
	[tilespmem:$0x6800] =	vst v63  }
0x45: {  	s22 =	sadd.s32 $0x200, s23  }
0x46: {  	[tilespmem:s13], [sflag:$0x1] =	stream.indirect.gather [hbm4b:s3+s8], $0x10, s22, s8, $0xb8;
	[tilespmem:$0x6800] =	vst v63  }
0x47: {  	s22 =	sadd.s32 $0x280, s23  }
0x48: {  	[tilespmem:s14], [sflag:$0x1] =	stream.indirect.gather [hbm4b:s3+s8], $0x10, s22, s8, $0xb8;
	[tilespmem:$0x6800] =	vst v63  }
0x49: {  	s22 =	sadd.s32 $0x300, s23  }
0x4a: {  	[tilespmem:s15], [sflag:$0x1] =	stream.indirect.gather [hbm4b:s3+s8], $0x10, s22, s8, $0xb8;
	[tilespmem:$0x6800] =	vst v63  }
0x4b: {  	s22 =	sadd.s32 $0x380, s23  }
0x4c: {  	[tilespmem:s16], [sflag:$0x1] =	stream.indirect.gather [hbm4b:s3+s8], $0x10, s22, s8, $0xb8;
	[tilespmem:$0x6800] =	vst v63  }
0x4d: {  	_ =	swait.ge [sflag:s17], $0x800  }
0x4e: {  	[sflag:s17] =	ssyncset.done $0x0  }
0x4f: {  	[sflag:s17] =	ssyncadd.s32 $0xFFFFF800  }
0x50: {  	_ =	swait.ge [sflag:s17], $0x800  }
0x51: {  	[sflag:s17] =	ssyncset.done $0x0  }
0x52: {  	[sflag:s17] =	ssyncadd.s32 $0xFFFFF800  }
0x53: {  	_ =	swait.ge [sflag:s17], $0x800  }
0x54: {  	[sflag:s17] =	ssyncset.done $0x0  }
0x55: {  	[sflag:s17] =	ssyncadd.s32 $0xFFFFF800  }
0x56: {  	_ =	swait.ge [sflag:s17], $0x800  }
0x57: {  	[sflag:s17] =	ssyncset.done $0x0  }
0x58: {  	[sflag:s17] =	ssyncadd.s32 $0xFFFFF800  }
0x59: {  	_ =	swait.ge [sflag:s17], $0x800  }
0x5a: {  	[sflag:s17] =	ssyncset.done $0x0  }
0x5b: {  	[sflag:s17] =	ssyncadd.s32 $0xFFFFF800  }
0x5c: {  	_ =	swait.ge [sflag:s17], $0x800  }
0x5d: {  	[sflag:s17] =	ssyncset.done $0x0  }
0x5e: {  	[sflag:s17] =	ssyncadd.s32 $0xFFFFF800  }
0x5f: {  	_ =	swait.ge [sflag:s17], $0x800  }
0x60: {  	[sflag:s17] =	ssyncset.done $0x0  }
0x61: {  	[sflag:s17] =	ssyncadd.s32 $0xFFFFF800  }
0x62: {  	_ =	swait.ge [sflag:s17], $0x800  }
.Ltmp0:
0x63: {  	[sflag:s17] =	ssyncset.done $0x0;
	(pc) =	sbr.rel @p0 .LBB2_2-.Ltmp0, $4  }
0x64: {  	[sflag:s17] =	ssyncadd.s32 $0xFFFFF800  }
0x65: {  	[hbm4b:s19+s2] =	stream.linear.scatter [tilespmem:s9], [sflag:$0x2], $0x4000, $0x38;
	[tilespmem:$0x6800] =	vst v63  }
0x66: {  	_ =	swait.ge [sflag:s7], $0x4000  }
0x67: {  	s22 =	smov.u32 s21;
	s19 =	sadd.s32 $0x800, s19;
	[sflag:s7] =	ssyncset.done $0x0  }
0x68: {  	s20 =	sshra.s32 s20, $0x2;
	[sflag:s7] =	ssyncadd.s32 $0xFFFFC000  }
0x69: {  	[tilespmem:s9], [sflag:$0x1] =	stream.indirect.gather [hbm4b:s3+s8], $0x10, s20, s8, $0xb8;
	[tilespmem:$0x6800] =	vst v63  }
0x6a: {  	s21 =	sadd.s32 $0x80, s20  }
0x6b: {  	[tilespmem:s10], [sflag:$0x1] =	stream.indirect.gather [hbm4b:s3+s8], $0x10, s21, s8, $0xb8;
	[tilespmem:$0x6800] =	vst v63  }
0x6c: {  	s26 =	sadd.s32 $0x100, s20  }
0x6d: {  	[tilespmem:s11], [sflag:$0x1] =	stream.indirect.gather [hbm4b:s3+s8], $0x10, s26, s8, $0xb8;
	[tilespmem:$0x6800] =	vst v63  }
0x6e: {  	s28 =	sadd.s32 $0x180, s20  }
0x6f: {  	[tilespmem:s12], [sflag:$0x1] =	stream.indirect.gather [hbm4b:s3+s8], $0x10, s28, s8, $0xb8;
	[tilespmem:$0x6800] =	vst v63  }
0x70: {  	s29 =	sadd.s32 $0x200, s20  }
0x71: {  	[tilespmem:s13], [sflag:$0x1] =	stream.indirect.gather [hbm4b:s3+s8], $0x10, s29, s8, $0xb8;
	[tilespmem:$0x6800] =	vst v63  }
0x72: {  	s30 =	sadd.s32 $0x280, s20  }
0x73: {  	[tilespmem:s14], [sflag:$0x1] =	stream.indirect.gather [hbm4b:s3+s8], $0x10, s30, s8, $0xb8;
	[tilespmem:$0x6800] =	vst v63  }
0x74: {  	s31 =	sadd.s32 $0x300, s20  }
0x75: {  	[tilespmem:s15], [sflag:$0x1] =	stream.indirect.gather [hbm4b:s3+s8], $0x10, s31, s8, $0xb8;
	[tilespmem:$0x6800] =	vst v63  }
0x76: {  	s20 =	sadd.s32 $0x380, s20  }
0x77: {  	[tilespmem:s16], [sflag:$0x1] =	stream.indirect.gather [hbm4b:s3+s8], $0x10, s20, s8, $0xb8;
	[tilespmem:$0x6800] =	vst v63  }
0x78: {  	_ =	swait.ge [sflag:s17], $0x800  }
0x79: {  	[sflag:s17] =	ssyncset.done $0x0  }
0x7a: {  	[sflag:s17] =	ssyncadd.s32 $0xFFFFF800  }
0x7b: {  	_ =	swait.ge [sflag:s17], $0x800  }
0x7c: {  	[sflag:s17] =	ssyncset.done $0x0  }
0x7d: {  	[sflag:s17] =	ssyncadd.s32 $0xFFFFF800  }
0x7e: {  	_ =	swait.ge [sflag:s17], $0x800  }
0x7f: {  	[sflag:s17] =	ssyncset.done $0x0  }
0x80: {  	[sflag:s17] =	ssyncadd.s32 $0xFFFFF800  }
0x81: {  	_ =	swait.ge [sflag:s17], $0x800  }
0x82: {  	[sflag:s17] =	ssyncset.done $0x0  }
0x83: {  	[sflag:s17] =	ssyncadd.s32 $0xFFFFF800  }
0x84: {  	_ =	swait.ge [sflag:s17], $0x800  }
0x85: {  	[sflag:s17] =	ssyncset.done $0x0  }
0x86: {  	[sflag:s17] =	ssyncadd.s32 $0xFFFFF800  }
0x87: {  	_ =	swait.ge [sflag:s17], $0x800  }
0x88: {  	[sflag:s17] =	ssyncset.done $0x0  }
0x89: {  	[sflag:s17] =	ssyncadd.s32 $0xFFFFF800  }
0x8a: {  	_ =	swait.ge [sflag:s17], $0x800  }
0x8b: {  	[sflag:s17] =	ssyncset.done $0x0  }
0x8c: {  	[sflag:s17] =	ssyncadd.s32 $0xFFFFF800  }
0x8d: {  	s18 =	sadd.s32 $0x1, s18;
	_ =	swait.ge [sflag:s17], $0x800  }
0x8e: {  	p0 =	sne.s32 s18, s5;
	[sflag:s17] =	ssyncset.done $0x0  }
.Ltmp1:
0x8f: {  	[sflag:s17] =	ssyncadd.s32 $0xFFFFF800;
	(pc) =	sbr.rel @p0 .LBB2_1-.Ltmp1, $4  }
0x90: {  	[hbm4b:s19+s2] =	stream.linear.scatter [tilespmem:s9], [sflag:$0x2], $0x4000, $0x38;
	[tilespmem:$0x6800] =	vst v63  }
0x91: {  	_ =	swait.ge [sflag:s7], $0x4000  }
0x92: {  	[sflag:s7] =	ssyncset.done $0x0  }
0x93: {  	[sflag:s7] =	ssyncadd.s32 $0xFFFFC000  }
0x94: {  	_ =	sfence.sel $0x180000  }
0x95: {  	[bflag:$0x0] =	sbarrier.arrive $0xFFFF  }
0x96: {  	p0 =	sne.s32 s1, $0x0;
	_ =	strace $0x9000004A  }
0x97: {  	s0 =	sadd.s32 @!p0 $0x100000, s0;
	[bflag:$0x2] =	sbarrier.arrive $0xFFFF  }
0x98: {  	[sflag:s0] =	ssyncadd.tile.s32 @!p0 $0x1;
	_ =	shalt  }
.Lfunc_end2:
_tile_overlayer_lowered:
.L_overlay_start_2:
0x99: {  	(tag) =	ssettag $0x2  }
0x9a: {  	s0 =	rddreg [dreg:$0x0];
	s2 =	stileid.u32  }
0x9b: {  	s1 =	rddreg [dreg:$0x1];
	p0 =	sne.s32 s2, $0x0  }
0x9c: {  	s3 =	rddreg [dreg:$0x2];
	[bflag:$0x3] =	sbarrier.arrive $0xFFFF;
	s2 =	simm.s32 @!p0 $0x1C02  }
0x9d: {  	[timem:s3], [sflag:s2] =	dma.local @!p0 [hbm:s0], s1  }
0x9e: {  	s0 =	simm.s32 @!p0 $0x2  }
0x9f: {  	_ =	swait.ge @!p0 [sflag:s0], s1  }
0xa0: {  	s1 =	ssub.s32 @!p0 $0x0, s1;
	[sflag:s0] =	ssyncset.done @!p0 $0x0  }
0xa1: {  	[sflag:s0] =	ssyncadd.s32 @!p0 s1  }
0xa2: {  	[bflag:$0x3] =	sbarrier.arrive $0xFFFF  }
0xa3: {  	_ =	shalt  }

</sc_bundles>
